<compile_context>
chip_gen: v7x
topology: tpu7x:2x2x1
jax: 0.10.2.dev20260603
libtpu: 0.0.44.dev20260713+nightly
codegen_flags: <defaults>
</compile_context>

<pallas_src>
import jax
import jax.numpy as jnp
from jax import lax
from jax.experimental import pallas as pl
from jax.experimental.pallas import tpu as pltpu
from jax.experimental.pallas import tpu_sc as plsc

N = 10000
N2 = 10240
E = 160000
D_IN, D_H, D_OUT = 256, 512, 256
NC, NS = 2, 16
NW = NC * NS
EB = 125
TPT = E // (NW * EB)
NPT = N2 // NS
RB = 1000
GRID = N // RB
NBUF = 2

_mesh = plsc.VectorSubcoreMesh(core_axis_name="c", subcore_axis_name="s")


def _deg_partials(dst3d, ones_eb, zeros_n):

    def body(dst_r, ones_r, zeros_r, out_r, idx_v, ones_v, acc, sem):
        core = lax.axis_index("c")
        sid = lax.axis_index("s")
        wid = core * NS + sid

        @pl.when(sid == 0)
        def _():
            pltpu.sync_copy(zeros_r, acc)

        pltpu.sync_copy(ones_r, ones_v)
        pltpu.sync_copy(dst_r.at[wid], idx_v)
        plsc.subcore_barrier()

        def step(i, carry):
            pltpu.sync_copy(ones_v, acc.at[idx_v.at[i]], add=True)
            return carry

        lax.fori_loop(0, TPT, step, 0)
        plsc.subcore_barrier()

        @pl.when(sid == 0)
        def _():
            pltpu.sync_copy(acc, out_r.at[core, 0])

    f = pl.kernel(
        body,
        out_type=jax.ShapeDtypeStruct((NC, 1, N2), jnp.float32),
        mesh=_mesh,
        scratch_types=[
            pltpu.VMEM((TPT, EB), jnp.int32),
            pltpu.VMEM((EB,), jnp.float32),
            pltpu.VMEM_SHARED((N2,), jnp.float32),
            pltpu.SemaphoreType.DMA,
        ],
    )
    return f(dst3d, ones_eb, zeros_n)


def _segment_sum(y_chunks, src3d, dst3d, zeros_blk):
    C = len(y_chunks)

    def body(*refs):
        ys = refs[:C]
        src_r, dst_r, zeros_r, out_r = refs[C:C + 4]
        src_v, dst_v = refs[C + 4:C + 6]
        rows = refs[C + 6:C + 6 + NBUF]
        acc = refs[C + 6 + NBUF]
        gsem = refs[C + 7 + NBUF:C + 7 + 2 * NBUF]
        ssem = refs[C + 7 + 2 * NBUF:]

        core = lax.axis_index("c")
        sid = lax.axis_index("s")
        wid = core * NS + sid

        pltpu.sync_copy(src_r.at[wid], src_v)
        pltpu.sync_copy(dst_r.at[wid], dst_v)

        for c in range(C):
            y_r = ys[c]

            def gather(i, b):
                pltpu.async_copy(y_r.at[src_v.at[i]], rows[b], gsem[b])

            def gather_wait(i, b):
                pltpu.make_async_copy(y_r.at[src_v.at[i]], rows[b],
                                      gsem[b]).wait()

            def scatter(i, b):
                pltpu.async_copy(rows[b], acc.at[dst_v.at[i]], ssem[b],
                                 add=True)

            def scatter_wait(i, b):
                pltpu.make_async_copy(rows[b], acc.at[dst_v.at[i]],
                                      ssem[b]).wait()

            pltpu.sync_copy(zeros_r, acc.at[pl.ds(sid * NPT, NPT)])
            plsc.subcore_barrier()

            gather(0, 0)

            def step(t, carry):
                for b in range(NBUF):
                    i = NBUF * t + b
                    nb = (b + 1) % NBUF
                    gather_wait(i, b)
                    scatter(i, b)
                    if b < NBUF - 1:
                        @pl.when(t > 0)
                        def _():
                            scatter_wait(i + 1 - NBUF, nb)

                        gather(i + 1, nb)
                    else:
                        scatter_wait(i + 1 - NBUF, nb)

                        @pl.when(t < TPT // NBUF - 1)
                        def _():
                            gather(i + 1, nb)
                return carry

            lax.fori_loop(0, TPT // NBUF, step, 0, unroll=2)
            for k in range(TPT - NBUF + 1, TPT):
                scatter_wait(k, k % NBUF)
            plsc.subcore_barrier()
            pltpu.sync_copy(acc.at[pl.ds(sid * NPT, NPT)],
                            out_r.at[core, c, pl.ds(sid * NPT, NPT)])
            plsc.subcore_barrier()

    f = pl.kernel(
        body,
        out_type=jax.ShapeDtypeStruct((NC, C, N2, 128), jnp.float32),
        mesh=_mesh,
        scratch_types=(
            [pltpu.VMEM((TPT, EB), jnp.int32)] * 2
            + [pltpu.VMEM((EB, 128), jnp.float32)] * NBUF
            + [pltpu.VMEM_SHARED((N2, 128), jnp.float32)]
            + [pltpu.SemaphoreType.DMA] * (2 * NBUF)
        ),
    )
    return f(*y_chunks, src3d, dst3d, zeros_blk)


def _dinv_of(d):
    return lax.rsqrt(d[:, 0:1] + d[:, 1:2] + 1.0)


def _stage1(x, w_lin, w1, deg_t):

    def body(x_r, wl_r, w1_r, d_r, *out_rs):
        wc_v = out_rs[-1]
        out_rs = out_rs[:-1]

        @pl.when(pl.program_id(0) == 0)
        def _():
            wc_v[...] = jnp.dot(wl_r[...], w1_r[...],
                                preferred_element_type=jnp.float32)

        dinv = _dinv_of(d_r[...])
        y = jnp.dot(x_r[...], wc_v[...],
                    preferred_element_type=jnp.float32) * dinv
        for c in range(4):
            out_rs[c][...] = y[:, c * 128:(c + 1) * 128]

    return pl.pallas_call(
        body,
        grid=(GRID,),
        in_specs=[
            pl.BlockSpec((RB, D_IN), lambda i: (i, 0)),
            pl.BlockSpec((D_IN, D_IN), lambda i: (0, 0)),
            pl.BlockSpec((D_IN, D_H), lambda i: (0, 0)),
            pl.BlockSpec((RB, NC), lambda i: (i, 0)),
        ],
        out_specs=[pl.BlockSpec((RB, 128), lambda i: (i, 0))] * 4,
        out_shape=[jax.ShapeDtypeStruct((N, 128), jnp.float32)] * 4,
        scratch_shapes=[pltpu.VMEM((D_IN, D_H), jnp.float32)],
    )(x, w_lin, w1, deg_t)


def _stage2(agg1, y1_chunks, w2r, b1r, deg_t):

    def body(a_r, y0, y1, y2, y3, w_r, b_r, d_r, o0, o1):
        dinv = _dinv_of(d_r[...])
        yc = (y0, y1, y2, y3)
        acc = jnp.zeros((RB, D_OUT), jnp.float32)
        for c in range(4):
            t = a_r[0, c] + a_r[1, c] + yc[c][...]
            h = jnp.maximum(t * dinv + b_r[c][None, :], 0.0)
            acc = acc + jnp.dot(h, w_r[c],
                                preferred_element_type=jnp.float32)
        y2o = acc * dinv
        o0[...] = y2o[:, :128]
        o1[...] = y2o[:, 128:]

    return pl.pallas_call(
        body,
        grid=(GRID,),
        in_specs=[
            pl.BlockSpec((NC, 4, RB, 128), lambda i: (0, 0, i, 0)),
            pl.BlockSpec((RB, 128), lambda i: (i, 0)),
            pl.BlockSpec((RB, 128), lambda i: (i, 0)),
            pl.BlockSpec((RB, 128), lambda i: (i, 0)),
            pl.BlockSpec((RB, 128), lambda i: (i, 0)),
            pl.BlockSpec((4, 128, D_OUT), lambda i: (0, 0, 0)),
            pl.BlockSpec((4, 128), lambda i: (0, 0)),
            pl.BlockSpec((RB, NC), lambda i: (i, 0)),
        ],
        out_specs=[pl.BlockSpec((RB, 128), lambda i: (i, 0))] * 2,
        out_shape=[jax.ShapeDtypeStruct((N, 128), jnp.float32)] * 2,
    )(agg1, *y1_chunks, w2r, b1r, deg_t)


def _finalize(agg2, y2_chunks, b2r, deg_t):

    def body(a_r, y0, y1, b_r, d_r, o_r):
        dinv = _dinv_of(d_r[...])
        yc = (y0, y1)
        for c in range(2):
            t = a_r[0, c] + a_r[1, c] + yc[c][...]
            o_r[:, c * 128:(c + 1) * 128] = t * dinv + b_r[c][None, :]

    return pl.pallas_call(
        body,
        grid=(GRID,),
        in_specs=[
            pl.BlockSpec((NC, 2, RB, 128), lambda i: (0, 0, i, 0)),
            pl.BlockSpec((RB, 128), lambda i: (i, 0)),
            pl.BlockSpec((RB, 128), lambda i: (i, 0)),
            pl.BlockSpec((2, 128), lambda i: (0, 0)),
            pl.BlockSpec((RB, NC), lambda i: (i, 0)),
        ],
        out_specs=pl.BlockSpec((RB, D_OUT), lambda i: (i, 0)),
        out_shape=jax.ShapeDtypeStruct((N, D_OUT), jnp.float32),
    )(agg2, *y2_chunks, b2r, deg_t)


def kernel(x, edge_index, W_lin, W1, b1, W2, b2):
    src3d = edge_index[0].reshape(NW, TPT, EB)
    dst3d = edge_index[1].reshape(NW, TPT, EB)
    ones_eb = jnp.ones((EB,), jnp.float32)
    zeros_n = jnp.zeros((N2,), jnp.float32)
    zeros_blk = jnp.zeros((NPT, 128), jnp.float32)

    degp = _deg_partials(dst3d, ones_eb, zeros_n)
    deg_t = degp[:, 0, :].T
    y1c = _stage1(x, W_lin, W1, deg_t)
    agg1 = _segment_sum(y1c, src3d, dst3d, zeros_blk)
    y2c = _stage2(agg1, y1c, W2.reshape(4, 128, D_OUT),
                  b1.reshape(4, 128), deg_t)
    agg2 = _segment_sum(y2c, src3d, dst3d, zeros_blk)
    return _finalize(agg2, y2c, b2.reshape(2, 128), deg_t)

# --- scband reference (transcript-rebuilt; emitter-appended) ---
"""Pipeline reference for scband-subspace-gae-79370995630468 (READ-ONLY COPY).

The authoritative reference and input builder live on the scoring server;
editing this copy changes nothing except your own understanding.
"""

import jax, jax.numpy as jnp
import numpy as np

N_NODES = 10000
N_EDGES = 160000
D_IN, D_H, D_OUT = 256, 512, 256


def gcn_conv(x, edge_index, W, b):
    # PyG GCNConv: add self-loops, symmetric degree normalization, then X W aggregation + bias
    N = x.shape[0]
    loop = jnp.arange(N, dtype=edge_index.dtype)
    src = jnp.concatenate([edge_index[0], loop], axis=0)
    dst = jnp.concatenate([edge_index[1], loop], axis=0)
    xw = x @ W
    ones = jnp.ones(src.shape[0], dtype=x.dtype)
    deg = jax.ops.segment_sum(ones, dst, num_segments=N)
    deg_inv_sqrt = jnp.where(deg > 0, jax.lax.rsqrt(jnp.maximum(deg, 1e-12)), 0.0)
    norm = deg_inv_sqrt[src] * deg_inv_sqrt[dst]
    msgs = xw[src] * norm[:, None]
    out = jax.ops.segment_sum(msgs, dst, num_segments=N)
    return out + b


def setup_inputs(seed: int = 0) -> dict:
    key = jax.random.key(seed)
    ks = jax.random.split(key, 7)
    x = jax.random.normal(ks[0], (N_NODES, D_IN), dtype=jnp.float32)
    edge_index = jax.random.randint(ks[1], (2, N_EDGES), 0, N_NODES, dtype=jnp.int32)
    W_lin = jax.random.normal(ks[2], (D_IN, D_IN), dtype=jnp.float32) * (1.0 / np.sqrt(D_IN))
    W1 = jax.random.normal(ks[3], (D_IN, D_H), dtype=jnp.float32) * (1.0 / np.sqrt(D_IN))
    b1 = jnp.zeros((D_H,), dtype=jnp.float32)
    W2 = jax.random.normal(ks[4], (D_H, D_OUT), dtype=jnp.float32) * (1.0 / np.sqrt(D_H))
    b2 = jnp.zeros((D_OUT,), dtype=jnp.float32)
    return {"x": x, "edge_index": edge_index, "W_lin": W_lin, "W1": W1, "b1": b1, "W2": W2, "b2": b2}


def reference(x, edge_index, W_lin, W1, b1, W2, b2):
    # SubspaceGAE.forward: rotate (bias-free linear), then 2-layer GCN encoder
    x = x @ W_lin
    h = jax.nn.relu(gcn_conv(x, edge_index, W1, b1))
    z = gcn_conv(h, edge_index, W2, b2)
    return z

if __name__ == "__main__":
    import jax
    _d = setup_inputs()
    print(jax.jit(kernel)(*tuple(_d.values())))

</pallas_src>

<mosaic_0001>
#map = affine_map<(d0, d1) -> (0, 0)>
#map1 = affine_map<(d0, d1) -> (0, 0, 0)>
#map2 = affine_map<(d0, d1) -> (0, 0, 0, 0)>
module attributes {stable_mosaic.version = 14 : i64} {
  func.func @body(%arg0: i32, %arg1: i32, %arg2: memref<10000x128xf32, #tpu.memory_space<hbm>>, %arg3: memref<10000x128xf32, #tpu.memory_space<hbm>>, %arg4: memref<32x40x125xi32, #tpu.memory_space<hbm>>, %arg5: memref<32x40x125xi32, #tpu.memory_space<hbm>>, %arg6: memref<640x128xf32, #tpu.memory_space<hbm>>, %arg7: memref<2x2x10240x128xf32, #tpu.memory_space<hbm>>, %arg8: memref<40x125xi32, #tpu.memory_space<vmem>>, %arg9: memref<40x125xi32, #tpu.memory_space<vmem>>, %arg10: memref<125x128xf32, #tpu.memory_space<vmem>>, %arg11: memref<125x128xf32, #tpu.memory_space<vmem>>, %arg12: memref<10240x128xf32, #tpu.memory_space<vmem_shared>>, %arg13: memref<!tpu.dma_semaphore, #tpu.memory_space<semaphore_mem>>, %arg14: memref<!tpu.dma_semaphore, #tpu.memory_space<semaphore_mem>>, %arg15: memref<!tpu.dma_semaphore, #tpu.memory_space<semaphore_mem>>, %arg16: memref<!tpu.dma_semaphore, #tpu.memory_space<semaphore_mem>>) attributes {dimension_semantics = [#tpu.dimension_semantics<core_parallel>, #tpu.dimension_semantics<subcore_parallel>], iteration_bounds = array<i64: 2, 16>, scalar_prefetch = 0 : i64, scratch_operands = 9 : i64, tpu.core_type = #tpu.core_type<sc_vector_subcore>, window_params = [{transform_indices = #map}, {transform_indices = #map}, {transform_indices = #map1}, {transform_indices = #map1}, {transform_indices = #map}, {transform_indices = #map2}]} {
    %mul3A = arith.constant 16 : i32
    %mul3A_0 = arith.muli %arg0, %mul3A : i32
    %add3A = arith.addi %mul3A_0, %arg1 : i32
    "tpu.region"() ({
      %run_scoped3A_56 = tpu.sem_alloc : memref<!tpu.dma_semaphore, #tpu.memory_space<semaphore_mem>>
      %dma_start3A_57 = arith.constant 0 : i32
      %dma_start3A_58 = arith.constant 0 : i32
      %dma_start3A_59 = tpu.memref_slice %arg4[%add3A, %dma_start3A_57, %dma_start3A_58] : memref<32x40x125xi32, #tpu.memory_space<hbm>> -> memref<1x40x125xi32, #tpu.memory_space<hbm>>
      %dma_start3A_60 = tpu.memref_squeeze %dma_start3A_59 : memref<1x40x125xi32, #tpu.memory_space<hbm>> -> memref<40x125xi32, #tpu.memory_space<hbm>>
      %dma_start3A_61 = arith.constant 0 : i32
      %dma_start3A_62 = arith.constant 0 : i32
      %dma_start3A_63 = tpu.memref_slice %arg4[%add3A, %dma_start3A_61, %dma_start3A_62] : memref<32x40x125xi32, #tpu.memory_space<hbm>> -> memref<1x40x125xi32, #tpu.memory_space<hbm>>
      %dma_start3A_64 = tpu.memref_squeeze %dma_start3A_63 : memref<1x40x125xi32, #tpu.memory_space<hbm>> -> memref<40x125xi32, #tpu.memory_space<hbm>>
      tpu.enqueue_dma source(%dma_start3A_64 : memref<40x125xi32, #tpu.memory_space<hbm>>) target(%arg8 : memref<40x125xi32, #tpu.memory_space<vmem>>) target_semaphore(%run_scoped3A_56 : memref<!tpu.dma_semaphore, #tpu.memory_space<semaphore_mem>>)
      %dma_wait3A_65 = arith.constant 0 : i32
      %dma_wait3A_66 = arith.constant 0 : i32
      %dma_wait3A_67 = tpu.memref_slice %arg4[%add3A, %dma_wait3A_65, %dma_wait3A_66] : memref<32x40x125xi32, #tpu.memory_space<hbm>> -> memref<1x40x125xi32, #tpu.memory_space<hbm>>
      %dma_wait3A_68 = tpu.memref_squeeze %dma_wait3A_67 : memref<1x40x125xi32, #tpu.memory_space<hbm>> -> memref<40x125xi32, #tpu.memory_space<hbm>>
      %dma_wait3A_69 = arith.constant 0 : i32
      %dma_wait3A_70 = arith.constant 0 : i32
      %dma_wait3A_71 = tpu.memref_slice %arg4[%add3A, %dma_wait3A_69, %dma_wait3A_70] : memref<32x40x125xi32, #tpu.memory_space<hbm>> -> memref<1x40x125xi32, #tpu.memory_space<hbm>>
      %dma_wait3A_72 = tpu.memref_squeeze %dma_wait3A_71 : memref<1x40x125xi32, #tpu.memory_space<hbm>> -> memref<40x125xi32, #tpu.memory_space<hbm>>
      tpu.wait_dma2 semaphore(%run_scoped3A_56 : memref<!tpu.dma_semaphore, #tpu.memory_space<semaphore_mem>>) src(%dma_wait3A_72 : memref<40x125xi32, #tpu.memory_space<hbm>>) dst(%arg8 : memref<40x125xi32, #tpu.memory_space<vmem>>)
      tpu.yield
    }) : () -> ()
    "tpu.region"() ({
      %run_scoped3A_56 = tpu.sem_alloc : memref<!tpu.dma_semaphore, #tpu.memory_space<semaphore_mem>>
      %dma_start3A_57 = arith.constant 0 : i32
      %dma_start3A_58 = arith.constant 0 : i32
      %dma_start3A_59 = tpu.memref_slice %arg5[%add3A, %dma_start3A_57, %dma_start3A_58] : memref<32x40x125xi32, #tpu.memory_space<hbm>> -> memref<1x40x125xi32, #tpu.memory_space<hbm>>
      %dma_start3A_60 = tpu.memref_squeeze %dma_start3A_59 : memref<1x40x125xi32, #tpu.memory_space<hbm>> -> memref<40x125xi32, #tpu.memory_space<hbm>>
      %dma_start3A_61 = arith.constant 0 : i32
      %dma_start3A_62 = arith.constant 0 : i32
      %dma_start3A_63 = tpu.memref_slice %arg5[%add3A, %dma_start3A_61, %dma_start3A_62] : memref<32x40x125xi32, #tpu.memory_space<hbm>> -> memref<1x40x125xi32, #tpu.memory_space<hbm>>
      %dma_start3A_64 = tpu.memref_squeeze %dma_start3A_63 : memref<1x40x125xi32, #tpu.memory_space<hbm>> -> memref<40x125xi32, #tpu.memory_space<hbm>>
      tpu.enqueue_dma source(%dma_start3A_64 : memref<40x125xi32, #tpu.memory_space<hbm>>) target(%arg9 : memref<40x125xi32, #tpu.memory_space<vmem>>) target_semaphore(%run_scoped3A_56 : memref<!tpu.dma_semaphore, #tpu.memory_space<semaphore_mem>>)
      %dma_wait3A_65 = arith.constant 0 : i32
      %dma_wait3A_66 = arith.constant 0 : i32
      %dma_wait3A_67 = tpu.memref_slice %arg5[%add3A, %dma_wait3A_65, %dma_wait3A_66] : memref<32x40x125xi32, #tpu.memory_space<hbm>> -> memref<1x40x125xi32, #tpu.memory_space<hbm>>
      %dma_wait3A_68 = tpu.memref_squeeze %dma_wait3A_67 : memref<1x40x125xi32, #tpu.memory_space<hbm>> -> memref<40x125xi32, #tpu.memory_space<hbm>>
      %dma_wait3A_69 = arith.constant 0 : i32
      %dma_wait3A_70 = arith.constant 0 : i32
      %dma_wait3A_71 = tpu.memref_slice %arg5[%add3A, %dma_wait3A_69, %dma_wait3A_70] : memref<32x40x125xi32, #tpu.memory_space<hbm>> -> memref<1x40x125xi32, #tpu.memory_space<hbm>>
      %dma_wait3A_72 = tpu.memref_squeeze %dma_wait3A_71 : memref<1x40x125xi32, #tpu.memory_space<hbm>> -> memref<40x125xi32, #tpu.memory_space<hbm>>
      tpu.wait_dma2 semaphore(%run_scoped3A_56 : memref<!tpu.dma_semaphore, #tpu.memory_space<semaphore_mem>>) src(%dma_wait3A_72 : memref<40x125xi32, #tpu.memory_space<hbm>>) dst(%arg9 : memref<40x125xi32, #tpu.memory_space<vmem>>)
      tpu.yield
    }) : () -> ()
    %mul3A_1 = arith.constant 640 : i32
    %mul3A_2 = arith.muli %arg1, %mul3A_1 : i32
    "tpu.region"() ({
      %run_scoped3A_56 = tpu.sem_alloc : memref<!tpu.dma_semaphore, #tpu.memory_space<semaphore_mem>>
      %dma_start3A_57 = arith.constant 0 : i32
      %dma_start3A_58 = tpu.memref_slice %arg12[%mul3A_2, %dma_start3A_57] : memref<10240x128xf32, #tpu.memory_space<vmem_shared>> -> memref<640x128xf32, #tpu.memory_space<vmem_shared>>
      tpu.enqueue_dma source(%arg6 : memref<640x128xf32, #tpu.memory_space<hbm>>) target(%dma_start3A_58 : memref<640x128xf32, #tpu.memory_space<vmem_shared>>) target_semaphore(%run_scoped3A_56 : memref<!tpu.dma_semaphore, #tpu.memory_space<semaphore_mem>>)
      %dma_wait3A_59 = arith.constant 0 : i32
      %dma_wait3A_60 = tpu.memref_slice %arg12[%mul3A_2, %dma_wait3A_59] : memref<10240x128xf32, #tpu.memory_space<vmem_shared>> -> memref<640x128xf32, #tpu.memory_space<vmem_shared>>
      tpu.wait_dma2 semaphore(%run_scoped3A_56 : memref<!tpu.dma_semaphore, #tpu.memory_space<semaphore_mem>>) src(%arg6 : memref<640x128xf32, #tpu.memory_space<hbm>>) dst(%dma_wait3A_60 : memref<640x128xf32, #tpu.memory_space<vmem_shared>>)
      tpu.yield
    }) : () -> ()
    %barrier3A = arith.constant 0 : index
    tpu.barrier barrier_id(%barrier3A)
    %dma_start3A = arith.constant 0 : i32
    %dma_start3A_3 = arith.constant 0 : i32
    %dma_start3A_4 = tpu.memref_slice %arg8[%dma_start3A, %dma_start3A_3] : memref<40x125xi32, #tpu.memory_space<vmem>> -> memref<1x125xi32, #tpu.memory_space<vmem>>
    %dma_start3A_5 = tpu.memref_squeeze %dma_start3A_4 : memref<1x125xi32, #tpu.memory_space<vmem>> -> memref<125xi32, #tpu.memory_space<vmem>>
    %dma_start3A_6 = arith.constant 0 : i32
    %dma_start3A_7 = arith.constant 0 : i32
    %dma_start3A_8 = tpu.memref_slice %arg2[%dma_start3A_6, %dma_start3A_7] : memref<10000x128xf32, #tpu.memory_space<hbm>> -> memref<10000x128xf32, #tpu.memory_space<hbm>>
    tpu.enqueue_indirect_dma source(%dma_start3A_8 : memref<10000x128xf32, #tpu.memory_space<hbm>>) target(%arg10 : memref<125x128xf32, #tpu.memory_space<vmem>>) offsets(%dma_start3A_5 : memref<125xi32, #tpu.memory_space<vmem>>) semaphore(%arg13 : memref<!tpu.dma_semaphore, #tpu.memory_space<semaphore_mem>>)
    %scan3A = arith.constant 0 : i32
    %scan3A_9 = arith.constant 0 : i32
    %scan3A_10 = arith.constant 20 : i32
    %scan3A_11 = arith.addi %scan3A_9, %scan3A_10 : i32
    %scan3A_12 = arith.constant 2 : i32
    scf.for %scan3A_56 = %scan3A_9 to %scan3A_11 step %scan3A_12  : i32 {
      %mul3A_57 = arith.constant 2 : i32
      %mul3A_58 = arith.muli %mul3A_57, %scan3A_56 : i32
      %add3A_59 = arith.constant 0 : i32
      %add3A_60 = arith.addi %mul3A_58, %add3A_59 : i32
      %dma_wait3A_61 = arith.constant 0 : i32
      %dma_wait3A_62 = tpu.memref_slice %arg8[%add3A_60, %dma_wait3A_61] : memref<40x125xi32, #tpu.memory_space<vmem>> -> memref<1x125xi32, #tpu.memory_space<vmem>>
      %dma_wait3A_63 = tpu.memref_squeeze %dma_wait3A_62 : memref<1x125xi32, #tpu.memory_space<vmem>> -> memref<125xi32, #tpu.memory_space<vmem>>
      %dma_wait3A_64 = arith.constant 0 : i32
      %dma_wait3A_65 = arith.constant 0 : i32
      %dma_wait3A_66 = tpu.memref_slice %arg2[%dma_wait3A_64, %dma_wait3A_65] : memref<10000x128xf32, #tpu.memory_space<hbm>> -> memref<10000x128xf32, #tpu.memory_space<hbm>>
      tpu.wait_indirect_dma semaphore(%arg13 : memref<!tpu.dma_semaphore, #tpu.memory_space<semaphore_mem>>) src(%dma_wait3A_66 : memref<10000x128xf32, #tpu.memory_space<hbm>>) dst(%arg10 : memref<125x128xf32, #tpu.memory_space<vmem>>)
      %dma_start3A_67 = arith.constant 0 : i32
      %dma_start3A_68 = tpu.memref_slice %arg9[%add3A_60, %dma_start3A_67] : memref<40x125xi32, #tpu.memory_space<vmem>> -> memref<1x125xi32, #tpu.memory_space<vmem>>
      %dma_start3A_69 = tpu.memref_squeeze %dma_start3A_68 : memref<1x125xi32, #tpu.memory_space<vmem>> -> memref<125xi32, #tpu.memory_space<vmem>>
      %dma_start3A_70 = arith.constant 0 : i32
      %dma_start3A_71 = arith.constant 0 : i32
      %dma_start3A_72 = tpu.memref_slice %arg12[%dma_start3A_70, %dma_start3A_71] : memref<10240x128xf32, #tpu.memory_space<vmem_shared>> -> memref<10240x128xf32, #tpu.memory_space<vmem_shared>>
      tpu.enqueue_indirect_dma source(%arg10 : memref<125x128xf32, #tpu.memory_space<vmem>>) target(%dma_start3A_72 : memref<10240x128xf32, #tpu.memory_space<vmem_shared>>) offsets(%dma_start3A_69 : memref<125xi32, #tpu.memory_space<vmem>>) semaphore(%arg15 : memref<!tpu.dma_semaphore, #tpu.memory_space<semaphore_mem>>) {add = true}
      %gt3A = arith.constant 0 : i32
      %gt3A_73 = arith.cmpi sgt, %scan3A_56, %gt3A : i32
      %convert_element_type3A = arith.extui %gt3A_73 : i1 to i32
      %cond3A = arith.constant 0 : i32
      %cond3A_74 = arith.cmpi ne, %convert_element_type3A, %cond3A : i32
      scf.if %cond3A_74 {
        %add3A_174 = arith.constant 1 : i32
        %add3A_175 = arith.addi %add3A_60, %add3A_174 : i32
        %sub3A_176 = arith.constant 2 : i32
        %sub3A_177 = arith.subi %add3A_175, %sub3A_176 : i32
        %dma_wait3A_178 = arith.constant 0 : i32
        %dma_wait3A_179 = tpu.memref_slice %arg9[%sub3A_177, %dma_wait3A_178] : memref<40x125xi32, #tpu.memory_space<vmem>> -> memref<1x125xi32, #tpu.memory_space<vmem>>
        %dma_wait3A_180 = tpu.memref_squeeze %dma_wait3A_179 : memref<1x125xi32, #tpu.memory_space<vmem>> -> memref<125xi32, #tpu.memory_space<vmem>>
        %dma_wait3A_181 = arith.constant 0 : i32
        %dma_wait3A_182 = arith.constant 0 : i32
        %dma_wait3A_183 = tpu.memref_slice %arg12[%dma_wait3A_181, %dma_wait3A_182] : memref<10240x128xf32, #tpu.memory_space<vmem_shared>> -> memref<10240x128xf32, #tpu.memory_space<vmem_shared>>
        tpu.wait_indirect_dma semaphore(%arg16 : memref<!tpu.dma_semaphore, #tpu.memory_space<semaphore_mem>>) src(%arg11 : memref<125x128xf32, #tpu.memory_space<vmem>>) dst(%dma_wait3A_183 : memref<10240x128xf32, #tpu.memory_space<vmem_shared>>)
      } else {
      }
      %add3A_75 = arith.constant 1 : i32
      %add3A_76 = arith.addi %add3A_60, %add3A_75 : i32
      %dma_start3A_77 = arith.constant 0 : i32
      %dma_start3A_78 = tpu.memref_slice %arg8[%add3A_76, %dma_start3A_77] : memref<40x125xi32, #tpu.memory_space<vmem>> -> memref<1x125xi32, #tpu.memory_space<vmem>>
      %dma_start3A_79 = tpu.memref_squeeze %dma_start3A_78 : memref<1x125xi32, #tpu.memory_space<vmem>> -> memref<125xi32, #tpu.memory_space<vmem>>
      %dma_start3A_80 = arith.constant 0 : i32
      %dma_start3A_81 = arith.constant 0 : i32
      %dma_start3A_82 = tpu.memref_slice %arg2[%dma_start3A_80, %dma_start3A_81] : memref<10000x128xf32, #tpu.memory_space<hbm>> -> memref<10000x128xf32, #tpu.memory_space<hbm>>
      tpu.enqueue_indirect_dma source(%dma_start3A_82 : memref<10000x128xf32, #tpu.memory_space<hbm>>) target(%arg11 : memref<125x128xf32, #tpu.memory_space<vmem>>) offsets(%dma_start3A_79 : memref<125xi32, #tpu.memory_space<vmem>>) semaphore(%arg14 : memref<!tpu.dma_semaphore, #tpu.memory_space<semaphore_mem>>)
      %mul3A_83 = arith.constant 2 : i32
      %mul3A_84 = arith.muli %mul3A_83, %scan3A_56 : i32
      %add3A_85 = arith.constant 1 : i32
      %add3A_86 = arith.addi %mul3A_84, %add3A_85 : i32
      %dma_wait3A_87 = arith.constant 0 : i32
      %dma_wait3A_88 = tpu.memref_slice %arg8[%add3A_86, %dma_wait3A_87] : memref<40x125xi32, #tpu.memory_space<vmem>> -> memref<1x125xi32, #tpu.memory_space<vmem>>
      %dma_wait3A_89 = tpu.memref_squeeze %dma_wait3A_88 : memref<1x125xi32, #tpu.memory_space<vmem>> -> memref<125xi32, #tpu.memory_space<vmem>>
      %dma_wait3A_90 = arith.constant 0 : i32
      %dma_wait3A_91 = arith.constant 0 : i32
      %dma_wait3A_92 = tpu.memref_slice %arg2[%dma_wait3A_90, %dma_wait3A_91] : memref<10000x128xf32, #tpu.memory_space<hbm>> -> memref<10000x128xf32, #tpu.memory_space<hbm>>
      tpu.wait_indirect_dma semaphore(%arg14 : memref<!tpu.dma_semaphore, #tpu.memory_space<semaphore_mem>>) src(%dma_wait3A_92 : memref<10000x128xf32, #tpu.memory_space<hbm>>) dst(%arg11 : memref<125x128xf32, #tpu.memory_space<vmem>>)
      %dma_start3A_93 = arith.constant 0 : i32
      %dma_start3A_94 = tpu.memref_slice %arg9[%add3A_86, %dma_start3A_93] : memref<40x125xi32, #tpu.memory_space<vmem>> -> memref<1x125xi32, #tpu.memory_space<vmem>>
      %dma_start3A_95 = tpu.memref_squeeze %dma_start3A_94 : memref<1x125xi32, #tpu.memory_space<vmem>> -> memref<125xi32, #tpu.memory_space<vmem>>
      %dma_start3A_96 = arith.constant 0 : i32
      %dma_start3A_97 = arith.constant 0 : i32
      %dma_start3A_98 = tpu.memref_slice %arg12[%dma_start3A_96, %dma_start3A_97] : memref<10240x128xf32, #tpu.memory_space<vmem_shared>> -> memref<10240x128xf32, #tpu.memory_space<vmem_shared>>
      tpu.enqueue_indirect_dma source(%arg11 : memref<125x128xf32, #tpu.memory_space<vmem>>) target(%dma_start3A_98 : memref<10240x128xf32, #tpu.memory_space<vmem_shared>>) offsets(%dma_start3A_95 : memref<125xi32, #tpu.memory_space<vmem>>) semaphore(%arg16 : memref<!tpu.dma_semaphore, #tpu.memory_space<semaphore_mem>>) {add = true}
      %add3A_99 = arith.constant 1 : i32
      %add3A_100 = arith.addi %add3A_86, %add3A_99 : i32
      %sub3A = arith.constant 2 : i32
      %sub3A_101 = arith.subi %add3A_100, %sub3A : i32
      %dma_wait3A_102 = arith.constant 0 : i32
      %dma_wait3A_103 = tpu.memref_slice %arg9[%sub3A_101, %dma_wait3A_102] : memref<40x125xi32, #tpu.memory_space<vmem>> -> memref<1x125xi32, #tpu.memory_space<vmem>>
      %dma_wait3A_104 = tpu.memref_squeeze %dma_wait3A_103 : memref<1x125xi32, #tpu.memory_space<vmem>> -> memref<125xi32, #tpu.memory_space<vmem>>
      %dma_wait3A_105 = arith.constant 0 : i32
      %dma_wait3A_106 = arith.constant 0 : i32
      %dma_wait3A_107 = tpu.memref_slice %arg12[%dma_wait3A_105, %dma_wait3A_106] : memref<10240x128xf32, #tpu.memory_space<vmem_shared>> -> memref<10240x128xf32, #tpu.memory_space<vmem_shared>>
      tpu.wait_indirect_dma semaphore(%arg15 : memref<!tpu.dma_semaphore, #tpu.memory_space<semaphore_mem>>) src(%arg10 : memref<125x128xf32, #tpu.memory_space<vmem>>) dst(%dma_wait3A_107 : memref<10240x128xf32, #tpu.memory_space<vmem_shared>>)
      %lt3A = arith.constant 19 : i32
      %lt3A_108 = arith.cmpi slt, %scan3A_56, %lt3A : i32
      %convert_element_type3A_109 = arith.extui %lt3A_108 : i1 to i32
      %cond3A_110 = arith.constant 0 : i32
      %cond3A_111 = arith.cmpi ne, %convert_element_type3A_109, %cond3A_110 : i32
      scf.if %cond3A_111 {
        %add3A_174 = arith.constant 1 : i32
        %add3A_175 = arith.addi %add3A_86, %add3A_174 : i32
        %dma_start3A_176 = arith.constant 0 : i32
        %dma_start3A_177 = tpu.memref_slice %arg8[%add3A_175, %dma_start3A_176] : memref<40x125xi32, #tpu.memory_space<vmem>> -> memref<1x125xi32, #tpu.memory_space<vmem>>
        %dma_start3A_178 = tpu.memref_squeeze %dma_start3A_177 : memref<1x125xi32, #tpu.memory_space<vmem>> -> memref<125xi32, #tpu.memory_space<vmem>>
        %dma_start3A_179 = arith.constant 0 : i32
        %dma_start3A_180 = arith.constant 0 : i32
        %dma_start3A_181 = tpu.memref_slice %arg2[%dma_start3A_179, %dma_start3A_180] : memref<10000x128xf32, #tpu.memory_space<hbm>> -> memref<10000x128xf32, #tpu.memory_space<hbm>>
        tpu.enqueue_indirect_dma source(%dma_start3A_181 : memref<10000x128xf32, #tpu.memory_space<hbm>>) target(%arg10 : memref<125x128xf32, #tpu.memory_space<vmem>>) offsets(%dma_start3A_178 : memref<125xi32, #tpu.memory_space<vmem>>) semaphore(%arg13 : memref<!tpu.dma_semaphore, #tpu.memory_space<semaphore_mem>>)
      } else {
      }
      %scan3A_112 = arith.constant 1 : i32
      %scan3A_113 = arith.addi %scan3A_56, %scan3A_112 : i32
      %mul3A_114 = arith.constant 2 : i32
      %mul3A_115 = arith.muli %mul3A_114, %scan3A_113 : i32
      %add3A_116 = arith.constant 0 : i32
      %add3A_117 = arith.addi %mul3A_115, %add3A_116 : i32
      %dma_wait3A_118 = arith.constant 0 : i32
      %dma_wait3A_119 = tpu.memref_slice %arg8[%add3A_117, %dma_wait3A_118] : memref<40x125xi32, #tpu.memory_space<vmem>> -> memref<1x125xi32, #tpu.memory_space<vmem>>
      %dma_wait3A_120 = tpu.memref_squeeze %dma_wait3A_119 : memref<1x125xi32, #tpu.memory_space<vmem>> -> memref<125xi32, #tpu.memory_space<vmem>>
      %dma_wait3A_121 = arith.constant 0 : i32
      %dma_wait3A_122 = arith.constant 0 : i32
      %dma_wait3A_123 = tpu.memref_slice %arg2[%dma_wait3A_121, %dma_wait3A_122] : memref<10000x128xf32, #tpu.memory_space<hbm>> -> memref<10000x128xf32, #tpu.memory_space<hbm>>
      tpu.wait_indirect_dma semaphore(%arg13 : memref<!tpu.dma_semaphore, #tpu.memory_space<semaphore_mem>>) src(%dma_wait3A_123 : memref<10000x128xf32, #tpu.memory_space<hbm>>) dst(%arg10 : memref<125x128xf32, #tpu.memory_space<vmem>>)
      %dma_start3A_124 = arith.constant 0 : i32
      %dma_start3A_125 = tpu.memref_slice %arg9[%add3A_117, %dma_start3A_124] : memref<40x125xi32, #tpu.memory_space<vmem>> -> memref<1x125xi32, #tpu.memory_space<vmem>>
      %dma_start3A_126 = tpu.memref_squeeze %dma_start3A_125 : memref<1x125xi32, #tpu.memory_space<vmem>> -> memref<125xi32, #tpu.memory_space<vmem>>
      %dma_start3A_127 = arith.constant 0 : i32
      %dma_start3A_128 = arith.constant 0 : i32
      %dma_start3A_129 = tpu.memref_slice %arg12[%dma_start3A_127, %dma_start3A_128] : memref<10240x128xf32, #tpu.memory_space<vmem_shared>> -> memref<10240x128xf32, #tpu.memory_space<vmem_shared>>
      tpu.enqueue_indirect_dma source(%arg10 : memref<125x128xf32, #tpu.memory_space<vmem>>) target(%dma_start3A_129 : memref<10240x128xf32, #tpu.memory_space<vmem_shared>>) offsets(%dma_start3A_126 : memref<125xi32, #tpu.memory_space<vmem>>) semaphore(%arg15 : memref<!tpu.dma_semaphore, #tpu.memory_space<semaphore_mem>>) {add = true}
      %gt3A_130 = arith.constant 0 : i32
      %gt3A_131 = arith.cmpi sgt, %scan3A_113, %gt3A_130 : i32
      %convert_element_type3A_132 = arith.extui %gt3A_131 : i1 to i32
      %cond3A_133 = arith.constant 0 : i32
      %cond3A_134 = arith.cmpi ne, %convert_element_type3A_132, %cond3A_133 : i32
      scf.if %cond3A_134 {
        %add3A_174 = arith.constant 1 : i32
        %add3A_175 = arith.addi %add3A_117, %add3A_174 : i32
        %sub3A_176 = arith.constant 2 : i32
        %sub3A_177 = arith.subi %add3A_175, %sub3A_176 : i32
        %dma_wait3A_178 = arith.constant 0 : i32
        %dma_wait3A_179 = tpu.memref_slice %arg9[%sub3A_177, %dma_wait3A_178] : memref<40x125xi32, #tpu.memory_space<vmem>> -> memref<1x125xi32, #tpu.memory_space<vmem>>
        %dma_wait3A_180 = tpu.memref_squeeze %dma_wait3A_179 : memref<1x125xi32, #tpu.memory_space<vmem>> -> memref<125xi32, #tpu.memory_space<vmem>>
        %dma_wait3A_181 = arith.constant 0 : i32
        %dma_wait3A_182 = arith.constant 0 : i32
        %dma_wait3A_183 = tpu.memref_slice %arg12[%dma_wait3A_181, %dma_wait3A_182] : memref<10240x128xf32, #tpu.memory_space<vmem_shared>> -> memref<10240x128xf32, #tpu.memory_space<vmem_shared>>
        tpu.wait_indirect_dma semaphore(%arg16 : memref<!tpu.dma_semaphore, #tpu.memory_space<semaphore_mem>>) src(%arg11 : memref<125x128xf32, #tpu.memory_space<vmem>>) dst(%dma_wait3A_183 : memref<10240x128xf32, #tpu.memory_space<vmem_shared>>)
      } else {
      }
      %add3A_135 = arith.constant 1 : i32
      %add3A_136 = arith.addi %add3A_117, %add3A_135 : i32
      %dma_start3A_137 = arith.constant 0 : i32
      %dma_start3A_138 = tpu.memref_slice %arg8[%add3A_136, %dma_start3A_137] : memref<40x125xi32, #tpu.memory_space<vmem>> -> memref<1x125xi32, #tpu.memory_space<vmem>>
      %dma_start3A_139 = tpu.memref_squeeze %dma_start3A_138 : memref<1x125xi32, #tpu.memory_space<vmem>> -> memref<125xi32, #tpu.memory_space<vmem>>
      %dma_start3A_140 = arith.constant 0 : i32
      %dma_start3A_141 = arith.constant 0 : i32
      %dma_start3A_142 = tpu.memref_slice %arg2[%dma_start3A_140, %dma_start3A_141] : memref<10000x128xf32, #tpu.memory_space<hbm>> -> memref<10000x128xf32, #tpu.memory_space<hbm>>
      tpu.enqueue_indirect_dma source(%dma_start3A_142 : memref<10000x128xf32, #tpu.memory_space<hbm>>) target(%arg11 : memref<125x128xf32, #tpu.memory_space<vmem>>) offsets(%dma_start3A_139 : memref<125xi32, #tpu.memory_space<vmem>>) semaphore(%arg14 : memref<!tpu.dma_semaphore, #tpu.memory_space<semaphore_mem>>)
      %mul3A_143 = arith.constant 2 : i32
      %mul3A_144 = arith.muli %mul3A_143, %scan3A_113 : i32
      %add3A_145 = arith.constant 1 : i32
      %add3A_146 = arith.addi %mul3A_144, %add3A_145 : i32
      %dma_wait3A_147 = arith.constant 0 : i32
      %dma_wait3A_148 = tpu.memref_slice %arg8[%add3A_146, %dma_wait3A_147] : memref<40x125xi32, #tpu.memory_space<vmem>> -> memref<1x125xi32, #tpu.memory_space<vmem>>
      %dma_wait3A_149 = tpu.memref_squeeze %dma_wait3A_148 : memref<1x125xi32, #tpu.memory_space<vmem>> -> memref<125xi32, #tpu.memory_space<vmem>>
      %dma_wait3A_150 = arith.constant 0 : i32
      %dma_wait3A_151 = arith.constant 0 : i32
      %dma_wait3A_152 = tpu.memref_slice %arg2[%dma_wait3A_150, %dma_wait3A_151] : memref<10000x128xf32, #tpu.memory_space<hbm>> -> memref<10000x128xf32, #tpu.memory_space<hbm>>
      tpu.wait_indirect_dma semaphore(%arg14 : memref<!tpu.dma_semaphore, #tpu.memory_space<semaphore_mem>>) src(%dma_wait3A_152 : memref<10000x128xf32, #tpu.memory_space<hbm>>) dst(%arg11 : memref<125x128xf32, #tpu.memory_space<vmem>>)
      %dma_start3A_153 = arith.constant 0 : i32
      %dma_start3A_154 = tpu.memref_slice %arg9[%add3A_146, %dma_start3A_153] : memref<40x125xi32, #tpu.memory_space<vmem>> -> memref<1x125xi32, #tpu.memory_space<vmem>>
      %dma_start3A_155 = tpu.memref_squeeze %dma_start3A_154 : memref<1x125xi32, #tpu.memory_space<vmem>> -> memref<125xi32, #tpu.memory_space<vmem>>
      %dma_start3A_156 = arith.constant 0 : i32
      %dma_start3A_157 = arith.constant 0 : i32
      %dma_start3A_158 = tpu.memref_slice %arg12[%dma_start3A_156, %dma_start3A_157] : memref<10240x128xf32, #tpu.memory_space<vmem_shared>> -> memref<10240x128xf32, #tpu.memory_space<vmem_shared>>
      tpu.enqueue_indirect_dma source(%arg11 : memref<125x128xf32, #tpu.memory_space<vmem>>) target(%dma_start3A_158 : memref<10240x128xf32, #tpu.memory_space<vmem_shared>>) offsets(%dma_start3A_155 : memref<125xi32, #tpu.memory_space<vmem>>) semaphore(%arg16 : memref<!tpu.dma_semaphore, #tpu.memory_space<semaphore_mem>>) {add = true}
      %add3A_159 = arith.constant 1 : i32
      %add3A_160 = arith.addi %add3A_146, %add3A_159 : i32
      %sub3A_161 = arith.constant 2 : i32
      %sub3A_162 = arith.subi %add3A_160, %sub3A_161 : i32
      %dma_wait3A_163 = arith.constant 0 : i32
      %dma_wait3A_164 = tpu.memref_slice %arg9[%sub3A_162, %dma_wait3A_163] : memref<40x125xi32, #tpu.memory_space<vmem>> -> memref<1x125xi32, #tpu.memory_space<vmem>>
      %dma_wait3A_165 = tpu.memref_squeeze %dma_wait3A_164 : memref<1x125xi32, #tpu.memory_space<vmem>> -> memref<125xi32, #tpu.memory_space<vmem>>
      %dma_wait3A_166 = arith.constant 0 : i32
      %dma_wait3A_167 = arith.constant 0 : i32
      %dma_wait3A_168 = tpu.memref_slice %arg12[%dma_wait3A_166, %dma_wait3A_167] : memref<10240x128xf32, #tpu.memory_space<vmem_shared>> -> memref<10240x128xf32, #tpu.memory_space<vmem_shared>>
      tpu.wait_indirect_dma semaphore(%arg15 : memref<!tpu.dma_semaphore, #tpu.memory_space<semaphore_mem>>) src(%arg10 : memref<125x128xf32, #tpu.memory_space<vmem>>) dst(%dma_wait3A_168 : memref<10240x128xf32, #tpu.memory_space<vmem_shared>>)
      %lt3A_169 = arith.constant 19 : i32
      %lt3A_170 = arith.cmpi slt, %scan3A_113, %lt3A_169 : i32
      %convert_element_type3A_171 = arith.extui %lt3A_170 : i1 to i32
      %cond3A_172 = arith.constant 0 : i32
      %cond3A_173 = arith.cmpi ne, %convert_element_type3A_171, %cond3A_172 : i32
      scf.if %cond3A_173 {
        %add3A_174 = arith.constant 1 : i32
        %add3A_175 = arith.addi %add3A_146, %add3A_174 : i32
        %dma_start3A_176 = arith.constant 0 : i32
        %dma_start3A_177 = tpu.memref_slice %arg8[%add3A_175, %dma_start3A_176] : memref<40x125xi32, #tpu.memory_space<vmem>> -> memref<1x125xi32, #tpu.memory_space<vmem>>
        %dma_start3A_178 = tpu.memref_squeeze %dma_start3A_177 : memref<1x125xi32, #tpu.memory_space<vmem>> -> memref<125xi32, #tpu.memory_space<vmem>>
        %dma_start3A_179 = arith.constant 0 : i32
        %dma_start3A_180 = arith.constant 0 : i32
        %dma_start3A_181 = tpu.memref_slice %arg2[%dma_start3A_179, %dma_start3A_180] : memref<10000x128xf32, #tpu.memory_space<hbm>> -> memref<10000x128xf32, #tpu.memory_space<hbm>>
        tpu.enqueue_indirect_dma source(%dma_start3A_181 : memref<10000x128xf32, #tpu.memory_space<hbm>>) target(%arg10 : memref<125x128xf32, #tpu.memory_space<vmem>>) offsets(%dma_start3A_178 : memref<125xi32, #tpu.memory_space<vmem>>) semaphore(%arg13 : memref<!tpu.dma_semaphore, #tpu.memory_space<semaphore_mem>>)
      } else {
      }
    }
    %scan3A_13 = arith.constant 20 : i32
    %dma_wait3A = arith.constant 39 : i32
    %dma_wait3A_14 = arith.constant 0 : i32
    %dma_wait3A_15 = tpu.memref_slice %arg9[%dma_wait3A, %dma_wait3A_14] : memref<40x125xi32, #tpu.memory_space<vmem>> -> memref<1x125xi32, #tpu.memory_space<vmem>>
    %dma_wait3A_16 = tpu.memref_squeeze %dma_wait3A_15 : memref<1x125xi32, #tpu.memory_space<vmem>> -> memref<125xi32, #tpu.memory_space<vmem>>
    %dma_wait3A_17 = arith.constant 0 : i32
    %dma_wait3A_18 = arith.constant 0 : i32
    %dma_wait3A_19 = tpu.memref_slice %arg12[%dma_wait3A_17, %dma_wait3A_18] : memref<10240x128xf32, #tpu.memory_space<vmem_shared>> -> memref<10240x128xf32, #tpu.memory_space<vmem_shared>>
    tpu.wait_indirect_dma semaphore(%arg16 : memref<!tpu.dma_semaphore, #tpu.memory_space<semaphore_mem>>) src(%arg11 : memref<125x128xf32, #tpu.memory_space<vmem>>) dst(%dma_wait3A_19 : memref<10240x128xf32, #tpu.memory_space<vmem_shared>>)
    %barrier3A_20 = arith.constant 0 : index
    tpu.barrier barrier_id(%barrier3A_20)
    %mul3A_21 = arith.constant 640 : i32
    %mul3A_22 = arith.muli %arg1, %mul3A_21 : i32
    %mul3A_23 = arith.constant 640 : i32
    %mul3A_24 = arith.muli %arg1, %mul3A_23 : i32
    %run_scoped3A = arith.constant 0 : i32
    "tpu.region"() ({
      %run_scoped3A_56 = tpu.sem_alloc : memref<!tpu.dma_semaphore, #tpu.memory_space<semaphore_mem>>
      %dma_start3A_57 = arith.constant 0 : i32
      %dma_start3A_58 = tpu.memref_slice %arg7[%arg0, %run_scoped3A, %mul3A_24, %dma_start3A_57] : memref<2x2x10240x128xf32, #tpu.memory_space<hbm>> -> memref<1x1x640x128xf32, #tpu.memory_space<hbm>>
      %dma_start3A_59 = tpu.memref_squeeze %dma_start3A_58 : memref<1x1x640x128xf32, #tpu.memory_space<hbm>> -> memref<640x128xf32, #tpu.memory_space<hbm>>
      %dma_start3A_60 = arith.constant 0 : i32
      %dma_start3A_61 = tpu.memref_slice %arg12[%mul3A_22, %dma_start3A_60] : memref<10240x128xf32, #tpu.memory_space<vmem_shared>> -> memref<640x128xf32, #tpu.memory_space<vmem_shared>>
      tpu.enqueue_dma source(%dma_start3A_61 : memref<640x128xf32, #tpu.memory_space<vmem_shared>>) target(%dma_start3A_59 : memref<640x128xf32, #tpu.memory_space<hbm>>) target_semaphore(%run_scoped3A_56 : memref<!tpu.dma_semaphore, #tpu.memory_space<semaphore_mem>>)
      %dma_wait3A_62 = arith.constant 0 : i32
      %dma_wait3A_63 = tpu.memref_slice %arg7[%arg0, %run_scoped3A, %mul3A_24, %dma_wait3A_62] : memref<2x2x10240x128xf32, #tpu.memory_space<hbm>> -> memref<1x1x640x128xf32, #tpu.memory_space<hbm>>
      %dma_wait3A_64 = tpu.memref_squeeze %dma_wait3A_63 : memref<1x1x640x128xf32, #tpu.memory_space<hbm>> -> memref<640x128xf32, #tpu.memory_space<hbm>>
      %dma_wait3A_65 = arith.constant 0 : i32
      %dma_wait3A_66 = tpu.memref_slice %arg12[%mul3A_22, %dma_wait3A_65] : memref<10240x128xf32, #tpu.memory_space<vmem_shared>> -> memref<640x128xf32, #tpu.memory_space<vmem_shared>>
      tpu.wait_dma2 semaphore(%run_scoped3A_56 : memref<!tpu.dma_semaphore, #tpu.memory_space<semaphore_mem>>) src(%dma_wait3A_66 : memref<640x128xf32, #tpu.memory_space<vmem_shared>>) dst(%dma_wait3A_64 : memref<640x128xf32, #tpu.memory_space<hbm>>)
      tpu.yield
    }) : () -> ()
    %barrier3A_25 = arith.constant 0 : index
    tpu.barrier barrier_id(%barrier3A_25)
    %mul3A_26 = arith.constant 640 : i32
    %mul3A_27 = arith.muli %arg1, %mul3A_26 : i32
    "tpu.region"() ({
      %run_scoped3A_56 = tpu.sem_alloc : memref<!tpu.dma_semaphore, #tpu.memory_space<semaphore_mem>>
      %dma_start3A_57 = arith.constant 0 : i32
      %dma_start3A_58 = tpu.memref_slice %arg12[%mul3A_27, %dma_start3A_57] : memref<10240x128xf32, #tpu.memory_space<vmem_shared>> -> memref<640x128xf32, #tpu.memory_space<vmem_shared>>
      tpu.enqueue_dma source(%arg6 : memref<640x128xf32, #tpu.memory_space<hbm>>) target(%dma_start3A_58 : memref<640x128xf32, #tpu.memory_space<vmem_shared>>) target_semaphore(%run_scoped3A_56 : memref<!tpu.dma_semaphore, #tpu.memory_space<semaphore_mem>>)
      %dma_wait3A_59 = arith.constant 0 : i32
      %dma_wait3A_60 = tpu.memref_slice %arg12[%mul3A_27, %dma_wait3A_59] : memref<10240x128xf32, #tpu.memory_space<vmem_shared>> -> memref<640x128xf32, #tpu.memory_space<vmem_shared>>
      tpu.wait_dma2 semaphore(%run_scoped3A_56 : memref<!tpu.dma_semaphore, #tpu.memory_space<semaphore_mem>>) src(%arg6 : memref<640x128xf32, #tpu.memory_space<hbm>>) dst(%dma_wait3A_60 : memref<640x128xf32, #tpu.memory_space<vmem_shared>>)
      tpu.yield
    }) : () -> ()
    %barrier3A_28 = arith.constant 0 : index
    tpu.barrier barrier_id(%barrier3A_28)
    %dma_start3A_29 = arith.constant 0 : i32
    %dma_start3A_30 = arith.constant 0 : i32
    %dma_start3A_31 = tpu.memref_slice %arg8[%dma_start3A_29, %dma_start3A_30] : memref<40x125xi32, #tpu.memory_space<vmem>> -> memref<1x125xi32, #tpu.memory_space<vmem>>
    %dma_start3A_32 = tpu.memref_squeeze %dma_start3A_31 : memref<1x125xi32, #tpu.memory_space<vmem>> -> memref<125xi32, #tpu.memory_space<vmem>>
    %dma_start3A_33 = arith.constant 0 : i32
    %dma_start3A_34 = arith.constant 0 : i32
    %dma_start3A_35 = tpu.memref_slice %arg3[%dma_start3A_33, %dma_start3A_34] : memref<10000x128xf32, #tpu.memory_space<hbm>> -> memref<10000x128xf32, #tpu.memory_space<hbm>>
    tpu.enqueue_indirect_dma source(%dma_start3A_35 : memref<10000x128xf32, #tpu.memory_space<hbm>>) target(%arg10 : memref<125x128xf32, #tpu.memory_space<vmem>>) offsets(%dma_start3A_32 : memref<125xi32, #tpu.memory_space<vmem>>) semaphore(%arg13 : memref<!tpu.dma_semaphore, #tpu.memory_space<semaphore_mem>>)
    %scan3A_36 = arith.constant 0 : i32
    %scan3A_37 = arith.constant 0 : i32
    %scan3A_38 = arith.constant 20 : i32
    %scan3A_39 = arith.addi %scan3A_37, %scan3A_38 : i32
    %scan3A_40 = arith.constant 2 : i32
    scf.for %scan3A_56 = %scan3A_37 to %scan3A_39 step %scan3A_40  : i32 {
      %mul3A_57 = arith.constant 2 : i32
      %mul3A_58 = arith.muli %mul3A_57, %scan3A_56 : i32
      %add3A_59 = arith.constant 0 : i32
      %add3A_60 = arith.addi %mul3A_58, %add3A_59 : i32
      %dma_wait3A_61 = arith.constant 0 : i32
      %dma_wait3A_62 = tpu.memref_slice %arg8[%add3A_60, %dma_wait3A_61] : memref<40x125xi32, #tpu.memory_space<vmem>> -> memref<1x125xi32, #tpu.memory_space<vmem>>
      %dma_wait3A_63 = tpu.memref_squeeze %dma_wait3A_62 : memref<1x125xi32, #tpu.memory_space<vmem>> -> memref<125xi32, #tpu.memory_space<vmem>>
      %dma_wait3A_64 = arith.constant 0 : i32
      %dma_wait3A_65 = arith.constant 0 : i32
      %dma_wait3A_66 = tpu.memref_slice %arg3[%dma_wait3A_64, %dma_wait3A_65] : memref<10000x128xf32, #tpu.memory_space<hbm>> -> memref<10000x128xf32, #tpu.memory_space<hbm>>
      tpu.wait_indirect_dma semaphore(%arg13 : memref<!tpu.dma_semaphore, #tpu.memory_space<semaphore_mem>>) src(%dma_wait3A_66 : memref<10000x128xf32, #tpu.memory_space<hbm>>) dst(%arg10 : memref<125x128xf32, #tpu.memory_space<vmem>>)
      %dma_start3A_67 = arith.constant 0 : i32
      %dma_start3A_68 = tpu.memref_slice %arg9[%add3A_60, %dma_start3A_67] : memref<40x125xi32, #tpu.memory_space<vmem>> -> memref<1x125xi32, #tpu.memory_space<vmem>>
      %dma_start3A_69 = tpu.memref_squeeze %dma_start3A_68 : memref<1x125xi32, #tpu.memory_space<vmem>> -> memref<125xi32, #tpu.memory_space<vmem>>
      %dma_start3A_70 = arith.constant 0 : i32
      %dma_start3A_71 = arith.constant 0 : i32
      %dma_start3A_72 = tpu.memref_slice %arg12[%dma_start3A_70, %dma_start3A_71] : memref<10240x128xf32, #tpu.memory_space<vmem_shared>> -> memref<10240x128xf32, #tpu.memory_space<vmem_shared>>
      tpu.enqueue_indirect_dma source(%arg10 : memref<125x128xf32, #tpu.memory_space<vmem>>) target(%dma_start3A_72 : memref<10240x128xf32, #tpu.memory_space<vmem_shared>>) offsets(%dma_start3A_69 : memref<125xi32, #tpu.memory_space<vmem>>) semaphore(%arg15 : memref<!tpu.dma_semaphore, #tpu.memory_space<semaphore_mem>>) {add = true}
      %gt3A = arith.constant 0 : i32
      %gt3A_73 = arith.cmpi sgt, %scan3A_56, %gt3A : i32
      %convert_element_type3A = arith.extui %gt3A_73 : i1 to i32
      %cond3A = arith.constant 0 : i32
      %cond3A_74 = arith.cmpi ne, %convert_element_type3A, %cond3A : i32
      scf.if %cond3A_74 {
        %add3A_174 = arith.constant 1 : i32
        %add3A_175 = arith.addi %add3A_60, %add3A_174 : i32
        %sub3A_176 = arith.constant 2 : i32
        %sub3A_177 = arith.subi %add3A_175, %sub3A_176 : i32
        %dma_wait3A_178 = arith.constant 0 : i32
        %dma_wait3A_179 = tpu.memref_slice %arg9[%sub3A_177, %dma_wait3A_178] : memref<40x125xi32, #tpu.memory_space<vmem>> -> memref<1x125xi32, #tpu.memory_space<vmem>>
        %dma_wait3A_180 = tpu.memref_squeeze %dma_wait3A_179 : memref<1x125xi32, #tpu.memory_space<vmem>> -> memref<125xi32, #tpu.memory_space<vmem>>
        %dma_wait3A_181 = arith.constant 0 : i32
        %dma_wait3A_182 = arith.constant 0 : i32
        %dma_wait3A_183 = tpu.memref_slice %arg12[%dma_wait3A_181, %dma_wait3A_182] : memref<10240x128xf32, #tpu.memory_space<vmem_shared>> -> memref<10240x128xf32, #tpu.memory_space<vmem_shared>>
        tpu.wait_indirect_dma semaphore(%arg16 : memref<!tpu.dma_semaphore, #tpu.memory_space<semaphore_mem>>) src(%arg11 : memref<125x128xf32, #tpu.memory_space<vmem>>) dst(%dma_wait3A_183 : memref<10240x128xf32, #tpu.memory_space<vmem_shared>>)
      } else {
      }
      %add3A_75 = arith.constant 1 : i32
      %add3A_76 = arith.addi %add3A_60, %add3A_75 : i32
      %dma_start3A_77 = arith.constant 0 : i32
      %dma_start3A_78 = tpu.memref_slice %arg8[%add3A_76, %dma_start3A_77] : memref<40x125xi32, #tpu.memory_space<vmem>> -> memref<1x125xi32, #tpu.memory_space<vmem>>
      %dma_start3A_79 = tpu.memref_squeeze %dma_start3A_78 : memref<1x125xi32, #tpu.memory_space<vmem>> -> memref<125xi32, #tpu.memory_space<vmem>>
      %dma_start3A_80 = arith.constant 0 : i32
      %dma_start3A_81 = arith.constant 0 : i32
      %dma_start3A_82 = tpu.memref_slice %arg3[%dma_start3A_80, %dma_start3A_81] : memref<10000x128xf32, #tpu.memory_space<hbm>> -> memref<10000x128xf32, #tpu.memory_space<hbm>>
      tpu.enqueue_indirect_dma source(%dma_start3A_82 : memref<10000x128xf32, #tpu.memory_space<hbm>>) target(%arg11 : memref<125x128xf32, #tpu.memory_space<vmem>>) offsets(%dma_start3A_79 : memref<125xi32, #tpu.memory_space<vmem>>) semaphore(%arg14 : memref<!tpu.dma_semaphore, #tpu.memory_space<semaphore_mem>>)
      %mul3A_83 = arith.constant 2 : i32
      %mul3A_84 = arith.muli %mul3A_83, %scan3A_56 : i32
      %add3A_85 = arith.constant 1 : i32
      %add3A_86 = arith.addi %mul3A_84, %add3A_85 : i32
      %dma_wait3A_87 = arith.constant 0 : i32
      %dma_wait3A_88 = tpu.memref_slice %arg8[%add3A_86, %dma_wait3A_87] : memref<40x125xi32, #tpu.memory_space<vmem>> -> memref<1x125xi32, #tpu.memory_space<vmem>>
      %dma_wait3A_89 = tpu.memref_squeeze %dma_wait3A_88 : memref<1x125xi32, #tpu.memory_space<vmem>> -> memref<125xi32, #tpu.memory_space<vmem>>
      %dma_wait3A_90 = arith.constant 0 : i32
      %dma_wait3A_91 = arith.constant 0 : i32
      %dma_wait3A_92 = tpu.memref_slice %arg3[%dma_wait3A_90, %dma_wait3A_91] : memref<10000x128xf32, #tpu.memory_space<hbm>> -> memref<10000x128xf32, #tpu.memory_space<hbm>>
      tpu.wait_indirect_dma semaphore(%arg14 : memref<!tpu.dma_semaphore, #tpu.memory_space<semaphore_mem>>) src(%dma_wait3A_92 : memref<10000x128xf32, #tpu.memory_space<hbm>>) dst(%arg11 : memref<125x128xf32, #tpu.memory_space<vmem>>)
      %dma_start3A_93 = arith.constant 0 : i32
      %dma_start3A_94 = tpu.memref_slice %arg9[%add3A_86, %dma_start3A_93] : memref<40x125xi32, #tpu.memory_space<vmem>> -> memref<1x125xi32, #tpu.memory_space<vmem>>
      %dma_start3A_95 = tpu.memref_squeeze %dma_start3A_94 : memref<1x125xi32, #tpu.memory_space<vmem>> -> memref<125xi32, #tpu.memory_space<vmem>>
      %dma_start3A_96 = arith.constant 0 : i32
      %dma_start3A_97 = arith.constant 0 : i32
      %dma_start3A_98 = tpu.memref_slice %arg12[%dma_start3A_96, %dma_start3A_97] : memref<10240x128xf32, #tpu.memory_space<vmem_shared>> -> memref<10240x128xf32, #tpu.memory_space<vmem_shared>>
      tpu.enqueue_indirect_dma source(%arg11 : memref<125x128xf32, #tpu.memory_space<vmem>>) target(%dma_start3A_98 : memref<10240x128xf32, #tpu.memory_space<vmem_shared>>) offsets(%dma_start3A_95 : memref<125xi32, #tpu.memory_space<vmem>>) semaphore(%arg16 : memref<!tpu.dma_semaphore, #tpu.memory_space<semaphore_mem>>) {add = true}
      %add3A_99 = arith.constant 1 : i32
      %add3A_100 = arith.addi %add3A_86, %add3A_99 : i32
      %sub3A = arith.constant 2 : i32
      %sub3A_101 = arith.subi %add3A_100, %sub3A : i32
      %dma_wait3A_102 = arith.constant 0 : i32
      %dma_wait3A_103 = tpu.memref_slice %arg9[%sub3A_101, %dma_wait3A_102] : memref<40x125xi32, #tpu.memory_space<vmem>> -> memref<1x125xi32, #tpu.memory_space<vmem>>
      %dma_wait3A_104 = tpu.memref_squeeze %dma_wait3A_103 : memref<1x125xi32, #tpu.memory_space<vmem>> -> memref<125xi32, #tpu.memory_space<vmem>>
      %dma_wait3A_105 = arith.constant 0 : i32
      %dma_wait3A_106 = arith.constant 0 : i32
      %dma_wait3A_107 = tpu.memref_slice %arg12[%dma_wait3A_105, %dma_wait3A_106] : memref<10240x128xf32, #tpu.memory_space<vmem_shared>> -> memref<10240x128xf32, #tpu.memory_space<vmem_shared>>
      tpu.wait_indirect_dma semaphore(%arg15 : memref<!tpu.dma_semaphore, #tpu.memory_space<semaphore_mem>>) src(%arg10 : memref<125x128xf32, #tpu.memory_space<vmem>>) dst(%dma_wait3A_107 : memref<10240x128xf32, #tpu.memory_space<vmem_shared>>)
      %lt3A = arith.constant 19 : i32
      %lt3A_108 = arith.cmpi slt, %scan3A_56, %lt3A : i32
      %convert_element_type3A_109 = arith.extui %lt3A_108 : i1 to i32
      %cond3A_110 = arith.constant 0 : i32
      %cond3A_111 = arith.cmpi ne, %convert_element_type3A_109, %cond3A_110 : i32
      scf.if %cond3A_111 {
        %add3A_174 = arith.constant 1 : i32
        %add3A_175 = arith.addi %add3A_86, %add3A_174 : i32
        %dma_start3A_176 = arith.constant 0 : i32
        %dma_start3A_177 = tpu.memref_slice %arg8[%add3A_175, %dma_start3A_176] : memref<40x125xi32, #tpu.memory_space<vmem>> -> memref<1x125xi32, #tpu.memory_space<vmem>>
        %dma_start3A_178 = tpu.memref_squeeze %dma_start3A_177 : memref<1x125xi32, #tpu.memory_space<vmem>> -> memref<125xi32, #tpu.memory_space<vmem>>
        %dma_start3A_179 = arith.constant 0 : i32
        %dma_start3A_180 = arith.constant 0 : i32
        %dma_start3A_181 = tpu.memref_slice %arg3[%dma_start3A_179, %dma_start3A_180] : memref<10000x128xf32, #tpu.memory_space<hbm>> -> memref<10000x128xf32, #tpu.memory_space<hbm>>
        tpu.enqueue_indirect_dma source(%dma_start3A_181 : memref<10000x128xf32, #tpu.memory_space<hbm>>) target(%arg10 : memref<125x128xf32, #tpu.memory_space<vmem>>) offsets(%dma_start3A_178 : memref<125xi32, #tpu.memory_space<vmem>>) semaphore(%arg13 : memref<!tpu.dma_semaphore, #tpu.memory_space<semaphore_mem>>)
      } else {
      }
      %scan3A_112 = arith.constant 1 : i32
      %scan3A_113 = arith.addi %scan3A_56, %scan3A_112 : i32
      %mul3A_114 = arith.constant 2 : i32
      %mul3A_115 = arith.muli %mul3A_114, %scan3A_113 : i32
      %add3A_116 = arith.constant 0 : i32
      %add3A_117 = arith.addi %mul3A_115, %add3A_116 : i32
      %dma_wait3A_118 = arith.constant 0 : i32
      %dma_wait3A_119 = tpu.memref_slice %arg8[%add3A_117, %dma_wait3A_118] : memref<40x125xi32, #tpu.memory_space<vmem>> -> memref<1x125xi32, #tpu.memory_space<vmem>>
      %dma_wait3A_120 = tpu.memref_squeeze %dma_wait3A_119 : memref<1x125xi32, #tpu.memory_space<vmem>> -> memref<125xi32, #tpu.memory_space<vmem>>
      %dma_wait3A_121 = arith.constant 0 : i32
      %dma_wait3A_122 = arith.constant 0 : i32
      %dma_wait3A_123 = tpu.memref_slice %arg3[%dma_wait3A_121, %dma_wait3A_122] : memref<10000x128xf32, #tpu.memory_space<hbm>> -> memref<10000x128xf32, #tpu.memory_space<hbm>>
      tpu.wait_indirect_dma semaphore(%arg13 : memref<!tpu.dma_semaphore, #tpu.memory_space<semaphore_mem>>) src(%dma_wait3A_123 : memref<10000x128xf32, #tpu.memory_space<hbm>>) dst(%arg10 : memref<125x128xf32, #tpu.memory_space<vmem>>)
      %dma_start3A_124 = arith.constant 0 : i32
      %dma_start3A_125 = tpu.memref_slice %arg9[%add3A_117, %dma_start3A_124] : memref<40x125xi32, #tpu.memory_space<vmem>> -> memref<1x125xi32, #tpu.memory_space<vmem>>
      %dma_start3A_126 = tpu.memref_squeeze %dma_start3A_125 : memref<1x125xi32, #tpu.memory_space<vmem>> -> memref<125xi32, #tpu.memory_space<vmem>>
      %dma_start3A_127 = arith.constant 0 : i32
      %dma_start3A_128 = arith.constant 0 : i32
      %dma_start3A_129 = tpu.memref_slice %arg12[%dma_start3A_127, %dma_start3A_128] : memref<10240x128xf32, #tpu.memory_space<vmem_shared>> -> memref<10240x128xf32, #tpu.memory_space<vmem_shared>>
      tpu.enqueue_indirect_dma source(%arg10 : memref<125x128xf32, #tpu.memory_space<vmem>>) target(%dma_start3A_129 : memref<10240x128xf32, #tpu.memory_space<vmem_shared>>) offsets(%dma_start3A_126 : memref<125xi32, #tpu.memory_space<vmem>>) semaphore(%arg15 : memref<!tpu.dma_semaphore, #tpu.memory_space<semaphore_mem>>) {add = true}
      %gt3A_130 = arith.constant 0 : i32
      %gt3A_131 = arith.cmpi sgt, %scan3A_113, %gt3A_130 : i32
      %convert_element_type3A_132 = arith.extui %gt3A_131 : i1 to i32
      %cond3A_133 = arith.constant 0 : i32
      %cond3A_134 = arith.cmpi ne, %convert_element_type3A_132, %cond3A_133 : i32
      scf.if %cond3A_134 {
        %add3A_174 = arith.constant 1 : i32
        %add3A_175 = arith.addi %add3A_117, %add3A_174 : i32
        %sub3A_176 = arith.constant 2 : i32
        %sub3A_177 = arith.subi %add3A_175, %sub3A_176 : i32
        %dma_wait3A_178 = arith.constant 0 : i32
        %dma_wait3A_179 = tpu.memref_slice %arg9[%sub3A_177, %dma_wait3A_178] : memref<40x125xi32, #tpu.memory_space<vmem>> -> memref<1x125xi32, #tpu.memory_space<vmem>>
        %dma_wait3A_180 = tpu.memref_squeeze %dma_wait3A_179 : memref<1x125xi32, #tpu.memory_space<vmem>> -> memref<125xi32, #tpu.memory_space<vmem>>
        %dma_wait3A_181 = arith.constant 0 : i32
        %dma_wait3A_182 = arith.constant 0 : i32
        %dma_wait3A_183 = tpu.memref_slice %arg12[%dma_wait3A_181, %dma_wait3A_182] : memref<10240x128xf32, #tpu.memory_space<vmem_shared>> -> memref<10240x128xf32, #tpu.memory_space<vmem_shared>>
        tpu.wait_indirect_dma semaphore(%arg16 : memref<!tpu.dma_semaphore, #tpu.memory_space<semaphore_mem>>) src(%arg11 : memref<125x128xf32, #tpu.memory_space<vmem>>) dst(%dma_wait3A_183 : memref<10240x128xf32, #tpu.memory_space<vmem_shared>>)
      } else {
      }
      %add3A_135 = arith.constant 1 : i32
      %add3A_136 = arith.addi %add3A_117, %add3A_135 : i32
      %dma_start3A_137 = arith.constant 0 : i32
      %dma_start3A_138 = tpu.memref_slice %arg8[%add3A_136, %dma_start3A_137] : memref<40x125xi32, #tpu.memory_space<vmem>> -> memref<1x125xi32, #tpu.memory_space<vmem>>
      %dma_start3A_139 = tpu.memref_squeeze %dma_start3A_138 : memref<1x125xi32, #tpu.memory_space<vmem>> -> memref<125xi32, #tpu.memory_space<vmem>>
      %dma_start3A_140 = arith.constant 0 : i32
      %dma_start3A_141 = arith.constant 0 : i32
      %dma_start3A_142 = tpu.memref_slice %arg3[%dma_start3A_140, %dma_start3A_141] : memref<10000x128xf32, #tpu.memory_space<hbm>> -> memref<10000x128xf32, #tpu.memory_space<hbm>>
      tpu.enqueue_indirect_dma source(%dma_start3A_142 : memref<10000x128xf32, #tpu.memory_space<hbm>>) target(%arg11 : memref<125x128xf32, #tpu.memory_space<vmem>>) offsets(%dma_start3A_139 : memref<125xi32, #tpu.memory_space<vmem>>) semaphore(%arg14 : memref<!tpu.dma_semaphore, #tpu.memory_space<semaphore_mem>>)
      %mul3A_143 = arith.constant 2 : i32
      %mul3A_144 = arith.muli %mul3A_143, %scan3A_113 : i32
      %add3A_145 = arith.constant 1 : i32
      %add3A_146 = arith.addi %mul3A_144, %add3A_145 : i32
      %dma_wait3A_147 = arith.constant 0 : i32
      %dma_wait3A_148 = tpu.memref_slice %arg8[%add3A_146, %dma_wait3A_147] : memref<40x125xi32, #tpu.memory_space<vmem>> -> memref<1x125xi32, #tpu.memory_space<vmem>>
      %dma_wait3A_149 = tpu.memref_squeeze %dma_wait3A_148 : memref<1x125xi32, #tpu.memory_space<vmem>> -> memref<125xi32, #tpu.memory_space<vmem>>
      %dma_wait3A_150 = arith.constant 0 : i32
      %dma_wait3A_151 = arith.constant 0 : i32
      %dma_wait3A_152 = tpu.memref_slice %arg3[%dma_wait3A_150, %dma_wait3A_151] : memref<10000x128xf32, #tpu.memory_space<hbm>> -> memref<10000x128xf32, #tpu.memory_space<hbm>>
      tpu.wait_indirect_dma semaphore(%arg14 : memref<!tpu.dma_semaphore, #tpu.memory_space<semaphore_mem>>) src(%dma_wait3A_152 : memref<10000x128xf32, #tpu.memory_space<hbm>>) dst(%arg11 : memref<125x128xf32, #tpu.memory_space<vmem>>)
      %dma_start3A_153 = arith.constant 0 : i32
      %dma_start3A_154 = tpu.memref_slice %arg9[%add3A_146, %dma_start3A_153] : memref<40x125xi32, #tpu.memory_space<vmem>> -> memref<1x125xi32, #tpu.memory_space<vmem>>
      %dma_start3A_155 = tpu.memref_squeeze %dma_start3A_154 : memref<1x125xi32, #tpu.memory_space<vmem>> -> memref<125xi32, #tpu.memory_space<vmem>>
      %dma_start3A_156 = arith.constant 0 : i32
      %dma_start3A_157 = arith.constant 0 : i32
      %dma_start3A_158 = tpu.memref_slice %arg12[%dma_start3A_156, %dma_start3A_157] : memref<10240x128xf32, #tpu.memory_space<vmem_shared>> -> memref<10240x128xf32, #tpu.memory_space<vmem_shared>>
      tpu.enqueue_indirect_dma source(%arg11 : memref<125x128xf32, #tpu.memory_space<vmem>>) target(%dma_start3A_158 : memref<10240x128xf32, #tpu.memory_space<vmem_shared>>) offsets(%dma_start3A_155 : memref<125xi32, #tpu.memory_space<vmem>>) semaphore(%arg16 : memref<!tpu.dma_semaphore, #tpu.memory_space<semaphore_mem>>) {add = true}
      %add3A_159 = arith.constant 1 : i32
      %add3A_160 = arith.addi %add3A_146, %add3A_159 : i32
      %sub3A_161 = arith.constant 2 : i32
      %sub3A_162 = arith.subi %add3A_160, %sub3A_161 : i32
      %dma_wait3A_163 = arith.constant 0 : i32
      %dma_wait3A_164 = tpu.memref_slice %arg9[%sub3A_162, %dma_wait3A_163] : memref<40x125xi32, #tpu.memory_space<vmem>> -> memref<1x125xi32, #tpu.memory_space<vmem>>
      %dma_wait3A_165 = tpu.memref_squeeze %dma_wait3A_164 : memref<1x125xi32, #tpu.memory_space<vmem>> -> memref<125xi32, #tpu.memory_space<vmem>>
      %dma_wait3A_166 = arith.constant 0 : i32
      %dma_wait3A_167 = arith.constant 0 : i32
      %dma_wait3A_168 = tpu.memref_slice %arg12[%dma_wait3A_166, %dma_wait3A_167] : memref<10240x128xf32, #tpu.memory_space<vmem_shared>> -> memref<10240x128xf32, #tpu.memory_space<vmem_shared>>
      tpu.wait_indirect_dma semaphore(%arg15 : memref<!tpu.dma_semaphore, #tpu.memory_space<semaphore_mem>>) src(%arg10 : memref<125x128xf32, #tpu.memory_space<vmem>>) dst(%dma_wait3A_168 : memref<10240x128xf32, #tpu.memory_space<vmem_shared>>)
      %lt3A_169 = arith.constant 19 : i32
      %lt3A_170 = arith.cmpi slt, %scan3A_113, %lt3A_169 : i32
      %convert_element_type3A_171 = arith.extui %lt3A_170 : i1 to i32
      %cond3A_172 = arith.constant 0 : i32
      %cond3A_173 = arith.cmpi ne, %convert_element_type3A_171, %cond3A_172 : i32
      scf.if %cond3A_173 {
        %add3A_174 = arith.constant 1 : i32
        %add3A_175 = arith.addi %add3A_146, %add3A_174 : i32
        %dma_start3A_176 = arith.constant 0 : i32
        %dma_start3A_177 = tpu.memref_slice %arg8[%add3A_175, %dma_start3A_176] : memref<40x125xi32, #tpu.memory_space<vmem>> -> memref<1x125xi32, #tpu.memory_space<vmem>>
        %dma_start3A_178 = tpu.memref_squeeze %dma_start3A_177 : memref<1x125xi32, #tpu.memory_space<vmem>> -> memref<125xi32, #tpu.memory_space<vmem>>
        %dma_start3A_179 = arith.constant 0 : i32
        %dma_start3A_180 = arith.constant 0 : i32
        %dma_start3A_181 = tpu.memref_slice %arg3[%dma_start3A_179, %dma_start3A_180] : memref<10000x128xf32, #tpu.memory_space<hbm>> -> memref<10000x128xf32, #tpu.memory_space<hbm>>
        tpu.enqueue_indirect_dma source(%dma_start3A_181 : memref<10000x128xf32, #tpu.memory_space<hbm>>) target(%arg10 : memref<125x128xf32, #tpu.memory_space<vmem>>) offsets(%dma_start3A_178 : memref<125xi32, #tpu.memory_space<vmem>>) semaphore(%arg13 : memref<!tpu.dma_semaphore, #tpu.memory_space<semaphore_mem>>)
      } else {
      }
    }
    %scan3A_41 = arith.constant 20 : i32
    %dma_wait3A_42 = arith.constant 39 : i32
    %dma_wait3A_43 = arith.constant 0 : i32
    %dma_wait3A_44 = tpu.memref_slice %arg9[%dma_wait3A_42, %dma_wait3A_43] : memref<40x125xi32, #tpu.memory_space<vmem>> -> memref<1x125xi32, #tpu.memory_space<vmem>>
    %dma_wait3A_45 = tpu.memref_squeeze %dma_wait3A_44 : memref<1x125xi32, #tpu.memory_space<vmem>> -> memref<125xi32, #tpu.memory_space<vmem>>
    %dma_wait3A_46 = arith.constant 0 : i32
    %dma_wait3A_47 = arith.constant 0 : i32
    %dma_wait3A_48 = tpu.memref_slice %arg12[%dma_wait3A_46, %dma_wait3A_47] : memref<10240x128xf32, #tpu.memory_space<vmem_shared>> -> memref<10240x128xf32, #tpu.memory_space<vmem_shared>>
    tpu.wait_indirect_dma semaphore(%arg16 : memref<!tpu.dma_semaphore, #tpu.memory_space<semaphore_mem>>) src(%arg11 : memref<125x128xf32, #tpu.memory_space<vmem>>) dst(%dma_wait3A_48 : memref<10240x128xf32, #tpu.memory_space<vmem_shared>>)
    %barrier3A_49 = arith.constant 0 : index
    tpu.barrier barrier_id(%barrier3A_49)
    %mul3A_50 = arith.constant 640 : i32
    %mul3A_51 = arith.muli %arg1, %mul3A_50 : i32
    %mul3A_52 = arith.constant 640 : i32
    %mul3A_53 = arith.muli %arg1, %mul3A_52 : i32
    %run_scoped3A_54 = arith.constant 1 : i32
    "tpu.region"() ({
      %run_scoped3A_56 = tpu.sem_alloc : memref<!tpu.dma_semaphore, #tpu.memory_space<semaphore_mem>>
      %dma_start3A_57 = arith.constant 0 : i32
      %dma_start3A_58 = tpu.memref_slice %arg7[%arg0, %run_scoped3A_54, %mul3A_53, %dma_start3A_57] : memref<2x2x10240x128xf32, #tpu.memory_space<hbm>> -> memref<1x1x640x128xf32, #tpu.memory_space<hbm>>
      %dma_start3A_59 = tpu.memref_squeeze %dma_start3A_58 : memref<1x1x640x128xf32, #tpu.memory_space<hbm>> -> memref<640x128xf32, #tpu.memory_space<hbm>>
      %dma_start3A_60 = arith.constant 0 : i32
      %dma_start3A_61 = tpu.memref_slice %arg12[%mul3A_51, %dma_start3A_60] : memref<10240x128xf32, #tpu.memory_space<vmem_shared>> -> memref<640x128xf32, #tpu.memory_space<vmem_shared>>
      tpu.enqueue_dma source(%dma_start3A_61 : memref<640x128xf32, #tpu.memory_space<vmem_shared>>) target(%dma_start3A_59 : memref<640x128xf32, #tpu.memory_space<hbm>>) target_semaphore(%run_scoped3A_56 : memref<!tpu.dma_semaphore, #tpu.memory_space<semaphore_mem>>)
      %dma_wait3A_62 = arith.constant 0 : i32
      %dma_wait3A_63 = tpu.memref_slice %arg7[%arg0, %run_scoped3A_54, %mul3A_53, %dma_wait3A_62] : memref<2x2x10240x128xf32, #tpu.memory_space<hbm>> -> memref<1x1x640x128xf32, #tpu.memory_space<hbm>>
      %dma_wait3A_64 = tpu.memref_squeeze %dma_wait3A_63 : memref<1x1x640x128xf32, #tpu.memory_space<hbm>> -> memref<640x128xf32, #tpu.memory_space<hbm>>
      %dma_wait3A_65 = arith.constant 0 : i32
      %dma_wait3A_66 = tpu.memref_slice %arg12[%mul3A_51, %dma_wait3A_65] : memref<10240x128xf32, #tpu.memory_space<vmem_shared>> -> memref<640x128xf32, #tpu.memory_space<vmem_shared>>
      tpu.wait_dma2 semaphore(%run_scoped3A_56 : memref<!tpu.dma_semaphore, #tpu.memory_space<semaphore_mem>>) src(%dma_wait3A_66 : memref<640x128xf32, #tpu.memory_space<vmem_shared>>) dst(%dma_wait3A_64 : memref<640x128xf32, #tpu.memory_space<hbm>>)
      tpu.yield
    }) : () -> ()
    %barrier3A_55 = arith.constant 0 : index
    tpu.barrier barrier_id(%barrier3A_55)
    return
  }
}

#map = affine_map<(d0, d1) -> (0, 0, 0)>
#map1 = affine_map<(d0, d1) -> (0)>
module attributes {stable_mosaic.version = 14 : i64} {
  func.func @body(%arg0: i32, %arg1: i32, %arg2: memref<32x40x125xi32, #tpu.memory_space<hbm>>, %arg3: memref<125xf32, #tpu.memory_space<hbm>>, %arg4: memref<10240xf32, #tpu.memory_space<hbm>>, %arg5: memref<2x1x10240xf32, #tpu.memory_space<hbm>>, %arg6: memref<40x125xi32, #tpu.memory_space<vmem>>, %arg7: memref<125xf32, #tpu.memory_space<vmem>>, %arg8: memref<10240xf32, #tpu.memory_space<vmem_shared>>, %arg9: memref<!tpu.dma_semaphore, #tpu.memory_space<semaphore_mem>>) attributes {dimension_semantics = [#tpu.dimension_semantics<core_parallel>, #tpu.dimension_semantics<subcore_parallel>], iteration_bounds = array<i64: 2, 16>, scalar_prefetch = 0 : i64, scratch_operands = 4 : i64, tpu.core_type = #tpu.core_type<sc_vector_subcore>, window_params = [{transform_indices = #map}, {transform_indices = #map1}, {transform_indices = #map1}, {transform_indices = #map}]} {
    %mul3A = arith.constant 16 : i32
    %mul3A_0 = arith.muli %arg0, %mul3A : i32
    %add3A = arith.addi %mul3A_0, %arg1 : i32
    %eq3A = arith.constant 0 : i32
    %eq3A_1 = arith.cmpi eq, %arg1, %eq3A : i32
    %convert_element_type3A = arith.extui %eq3A_1 : i1 to i32
    %cond3A = arith.constant 0 : i32
    %cond3A_2 = arith.cmpi ne, %convert_element_type3A, %cond3A : i32
    scf.if %cond3A_2 {
      "tpu.region"() ({
        %run_scoped3A = tpu.sem_alloc : memref<!tpu.dma_semaphore, #tpu.memory_space<semaphore_mem>>
        tpu.enqueue_dma source(%arg4 : memref<10240xf32, #tpu.memory_space<hbm>>) target(%arg8 : memref<10240xf32, #tpu.memory_space<vmem_shared>>) target_semaphore(%run_scoped3A : memref<!tpu.dma_semaphore, #tpu.memory_space<semaphore_mem>>)
        tpu.wait_dma2 semaphore(%run_scoped3A : memref<!tpu.dma_semaphore, #tpu.memory_space<semaphore_mem>>) src(%arg4 : memref<10240xf32, #tpu.memory_space<hbm>>) dst(%arg8 : memref<10240xf32, #tpu.memory_space<vmem_shared>>)
        tpu.yield
      }) : () -> ()
    } else {
    }
    "tpu.region"() ({
      %run_scoped3A = tpu.sem_alloc : memref<!tpu.dma_semaphore, #tpu.memory_space<semaphore_mem>>
      tpu.enqueue_dma source(%arg3 : memref<125xf32, #tpu.memory_space<hbm>>) target(%arg7 : memref<125xf32, #tpu.memory_space<vmem>>) target_semaphore(%run_scoped3A : memref<!tpu.dma_semaphore, #tpu.memory_space<semaphore_mem>>)
      tpu.wait_dma2 semaphore(%run_scoped3A : memref<!tpu.dma_semaphore, #tpu.memory_space<semaphore_mem>>) src(%arg3 : memref<125xf32, #tpu.memory_space<hbm>>) dst(%arg7 : memref<125xf32, #tpu.memory_space<vmem>>)
      tpu.yield
    }) : () -> ()
    "tpu.region"() ({
      %run_scoped3A = tpu.sem_alloc : memref<!tpu.dma_semaphore, #tpu.memory_space<semaphore_mem>>
      %dma_start3A = arith.constant 0 : i32
      %dma_start3A_14 = arith.constant 0 : i32
      %dma_start3A_15 = tpu.memref_slice %arg2[%add3A, %dma_start3A, %dma_start3A_14] : memref<32x40x125xi32, #tpu.memory_space<hbm>> -> memref<1x40x125xi32, #tpu.memory_space<hbm>>
      %dma_start3A_16 = tpu.memref_squeeze %dma_start3A_15 : memref<1x40x125xi32, #tpu.memory_space<hbm>> -> memref<40x125xi32, #tpu.memory_space<hbm>>
      %dma_start3A_17 = arith.constant 0 : i32
      %dma_start3A_18 = arith.constant 0 : i32
      %dma_start3A_19 = tpu.memref_slice %arg2[%add3A, %dma_start3A_17, %dma_start3A_18] : memref<32x40x125xi32, #tpu.memory_space<hbm>> -> memref<1x40x125xi32, #tpu.memory_space<hbm>>
      %dma_start3A_20 = tpu.memref_squeeze %dma_start3A_19 : memref<1x40x125xi32, #tpu.memory_space<hbm>> -> memref<40x125xi32, #tpu.memory_space<hbm>>
      tpu.enqueue_dma source(%dma_start3A_20 : memref<40x125xi32, #tpu.memory_space<hbm>>) target(%arg6 : memref<40x125xi32, #tpu.memory_space<vmem>>) target_semaphore(%run_scoped3A : memref<!tpu.dma_semaphore, #tpu.memory_space<semaphore_mem>>)
      %dma_wait3A = arith.constant 0 : i32
      %dma_wait3A_21 = arith.constant 0 : i32
      %dma_wait3A_22 = tpu.memref_slice %arg2[%add3A, %dma_wait3A, %dma_wait3A_21] : memref<32x40x125xi32, #tpu.memory_space<hbm>> -> memref<1x40x125xi32, #tpu.memory_space<hbm>>
      %dma_wait3A_23 = tpu.memref_squeeze %dma_wait3A_22 : memref<1x40x125xi32, #tpu.memory_space<hbm>> -> memref<40x125xi32, #tpu.memory_space<hbm>>
      %dma_wait3A_24 = arith.constant 0 : i32
      %dma_wait3A_25 = arith.constant 0 : i32
      %dma_wait3A_26 = tpu.memref_slice %arg2[%add3A, %dma_wait3A_24, %dma_wait3A_25] : memref<32x40x125xi32, #tpu.memory_space<hbm>> -> memref<1x40x125xi32, #tpu.memory_space<hbm>>
      %dma_wait3A_27 = tpu.memref_squeeze %dma_wait3A_26 : memref<1x40x125xi32, #tpu.memory_space<hbm>> -> memref<40x125xi32, #tpu.memory_space<hbm>>
      tpu.wait_dma2 semaphore(%run_scoped3A : memref<!tpu.dma_semaphore, #tpu.memory_space<semaphore_mem>>) src(%dma_wait3A_27 : memref<40x125xi32, #tpu.memory_space<hbm>>) dst(%arg6 : memref<40x125xi32, #tpu.memory_space<vmem>>)
      tpu.yield
    }) : () -> ()
    %barrier3A = arith.constant 0 : index
    tpu.barrier barrier_id(%barrier3A)
    %scan3A = arith.constant 0 : i32
    %scan3A_3 = arith.constant 0 : i32
    %scan3A_4 = arith.constant 40 : i32
    %scan3A_5 = arith.addi %scan3A_3, %scan3A_4 : i32
    %scan3A_6 = arith.constant 1 : i32
    scf.for %scan3A_14 = %scan3A_3 to %scan3A_5 step %scan3A_6  : i32 {
      "tpu.region"() ({
        %run_scoped3A = tpu.sem_alloc : memref<!tpu.dma_semaphore, #tpu.memory_space<semaphore_mem>>
        %dma_start3A = arith.constant 0 : i32
        %dma_start3A_15 = tpu.memref_slice %arg6[%scan3A_14, %dma_start3A] : memref<40x125xi32, #tpu.memory_space<vmem>> -> memref<1x125xi32, #tpu.memory_space<vmem>>
        %dma_start3A_16 = tpu.memref_squeeze %dma_start3A_15 : memref<1x125xi32, #tpu.memory_space<vmem>> -> memref<125xi32, #tpu.memory_space<vmem>>
        %dma_start3A_17 = arith.constant 0 : i32
        %dma_start3A_18 = tpu.memref_slice %arg8[%dma_start3A_17] : memref<10240xf32, #tpu.memory_space<vmem_shared>> -> memref<10240xf32, #tpu.memory_space<vmem_shared>>
        tpu.enqueue_indirect_dma source(%arg7 : memref<125xf32, #tpu.memory_space<vmem>>) target(%dma_start3A_18 : memref<10240xf32, #tpu.memory_space<vmem_shared>>) offsets(%dma_start3A_16 : memref<125xi32, #tpu.memory_space<vmem>>) semaphore(%run_scoped3A : memref<!tpu.dma_semaphore, #tpu.memory_space<semaphore_mem>>) {add = true}
        %dma_wait3A = arith.constant 0 : i32
        %dma_wait3A_19 = tpu.memref_slice %arg6[%scan3A_14, %dma_wait3A] : memref<40x125xi32, #tpu.memory_space<vmem>> -> memref<1x125xi32, #tpu.memory_space<vmem>>
        %dma_wait3A_20 = tpu.memref_squeeze %dma_wait3A_19 : memref<1x125xi32, #tpu.memory_space<vmem>> -> memref<125xi32, #tpu.memory_space<vmem>>
        %dma_wait3A_21 = arith.constant 0 : i32
        %dma_wait3A_22 = tpu.memref_slice %arg8[%dma_wait3A_21] : memref<10240xf32, #tpu.memory_space<vmem_shared>> -> memref<10240xf32, #tpu.memory_space<vmem_shared>>
        tpu.wait_indirect_dma semaphore(%run_scoped3A : memref<!tpu.dma_semaphore, #tpu.memory_space<semaphore_mem>>) src(%arg7 : memref<125xf32, #tpu.memory_space<vmem>>) dst(%dma_wait3A_22 : memref<10240xf32, #tpu.memory_space<vmem_shared>>)
        tpu.yield
      }) : () -> ()
    }
    %scan3A_7 = arith.constant 40 : i32
    %barrier3A_8 = arith.constant 0 : index
    tpu.barrier barrier_id(%barrier3A_8)
    %eq3A_9 = arith.constant 0 : i32
    %eq3A_10 = arith.cmpi eq, %arg1, %eq3A_9 : i32
    %convert_element_type3A_11 = arith.extui %eq3A_10 : i1 to i32
    %cond3A_12 = arith.constant 0 : i32
    %cond3A_13 = arith.cmpi ne, %convert_element_type3A_11, %cond3A_12 : i32
    scf.if %cond3A_13 {
      %run_scoped3A = arith.constant 0 : i32
      "tpu.region"() ({
        %run_scoped3A_14 = tpu.sem_alloc : memref<!tpu.dma_semaphore, #tpu.memory_space<semaphore_mem>>
        %dma_start3A = arith.constant 0 : i32
        %dma_start3A_15 = tpu.memref_slice %arg5[%arg0, %run_scoped3A, %dma_start3A] : memref<2x1x10240xf32, #tpu.memory_space<hbm>> -> memref<1x1x10240xf32, #tpu.memory_space<hbm>>
        %dma_start3A_16 = tpu.memref_squeeze %dma_start3A_15 : memref<1x1x10240xf32, #tpu.memory_space<hbm>> -> memref<10240xf32, #tpu.memory_space<hbm>>
        tpu.enqueue_dma source(%arg8 : memref<10240xf32, #tpu.memory_space<vmem_shared>>) target(%dma_start3A_16 : memref<10240xf32, #tpu.memory_space<hbm>>) target_semaphore(%run_scoped3A_14 : memref<!tpu.dma_semaphore, #tpu.memory_space<semaphore_mem>>)
        %dma_wait3A = arith.constant 0 : i32
        %dma_wait3A_17 = tpu.memref_slice %arg5[%arg0, %run_scoped3A, %dma_wait3A] : memref<2x1x10240xf32, #tpu.memory_space<hbm>> -> memref<1x1x10240xf32, #tpu.memory_space<hbm>>
        %dma_wait3A_18 = tpu.memref_squeeze %dma_wait3A_17 : memref<1x1x10240xf32, #tpu.memory_space<hbm>> -> memref<10240xf32, #tpu.memory_space<hbm>>
        tpu.wait_dma2 semaphore(%run_scoped3A_14 : memref<!tpu.dma_semaphore, #tpu.memory_space<semaphore_mem>>) src(%arg8 : memref<10240xf32, #tpu.memory_space<vmem_shared>>) dst(%dma_wait3A_18 : memref<10240xf32, #tpu.memory_space<hbm>>)
        tpu.yield
      }) : () -> ()
    } else {
    }
    return
  }
}

#map = affine_map<(d0, d1) -> (0, 0)>
#map1 = affine_map<(d0, d1) -> (0, 0, 0)>
#map2 = affine_map<(d0, d1) -> (0, 0, 0, 0)>
module attributes {stable_mosaic.version = 14 : i64} {
  func.func @body(%arg0: i32, %arg1: i32, %arg2: memref<10000x128xf32, #tpu.memory_space<hbm>>, %arg3: memref<10000x128xf32, #tpu.memory_space<hbm>>, %arg4: memref<10000x128xf32, #tpu.memory_space<hbm>>, %arg5: memref<10000x128xf32, #tpu.memory_space<hbm>>, %arg6: memref<32x40x125xi32, #tpu.memory_space<hbm>>, %arg7: memref<32x40x125xi32, #tpu.memory_space<hbm>>, %arg8: memref<640x128xf32, #tpu.memory_space<hbm>>, %arg9: memref<2x4x10240x128xf32, #tpu.memory_space<hbm>>, %arg10: memref<40x125xi32, #tpu.memory_space<vmem>>, %arg11: memref<40x125xi32, #tpu.memory_space<vmem>>, %arg12: memref<125x128xf32, #tpu.memory_space<vmem>>, %arg13: memref<125x128xf32, #tpu.memory_space<vmem>>, %arg14: memref<10240x128xf32, #tpu.memory_space<vmem_shared>>, %arg15: memref<!tpu.dma_semaphore, #tpu.memory_space<semaphore_mem>>, %arg16: memref<!tpu.dma_semaphore, #tpu.memory_space<semaphore_mem>>, %arg17: memref<!tpu.dma_semaphore, #tpu.memory_space<semaphore_mem>>, %arg18: memref<!tpu.dma_semaphore, #tpu.memory_space<semaphore_mem>>) attributes {dimension_semantics = [#tpu.dimension_semantics<core_parallel>, #tpu.dimension_semantics<subcore_parallel>], iteration_bounds = array<i64: 2, 16>, scalar_prefetch = 0 : i64, scratch_operands = 9 : i64, tpu.core_type = #tpu.core_type<sc_vector_subcore>, window_params = [{transform_indices = #map}, {transform_indices = #map}, {transform_indices = #map}, {transform_indices = #map}, {transform_indices = #map1}, {transform_indices = #map1}, {transform_indices = #map}, {transform_indices = #map2}]} {
    %mul3A = arith.constant 16 : i32
    %mul3A_0 = arith.muli %arg0, %mul3A : i32
    %add3A = arith.addi %mul3A_0, %arg1 : i32
    "tpu.region"() ({
      %run_scoped3A_116 = tpu.sem_alloc : memref<!tpu.dma_semaphore, #tpu.memory_space<semaphore_mem>>
      %dma_start3A_117 = arith.constant 0 : i32
      %dma_start3A_118 = arith.constant 0 : i32
      %dma_start3A_119 = tpu.memref_slice %arg6[%add3A, %dma_start3A_117, %dma_start3A_118] : memref<32x40x125xi32, #tpu.memory_space<hbm>> -> memref<1x40x125xi32, #tpu.memory_space<hbm>>
      %dma_start3A_120 = tpu.memref_squeeze %dma_start3A_119 : memref<1x40x125xi32, #tpu.memory_space<hbm>> -> memref<40x125xi32, #tpu.memory_space<hbm>>
      %dma_start3A_121 = arith.constant 0 : i32
      %dma_start3A_122 = arith.constant 0 : i32
      %dma_start3A_123 = tpu.memref_slice %arg6[%add3A, %dma_start3A_121, %dma_start3A_122] : memref<32x40x125xi32, #tpu.memory_space<hbm>> -> memref<1x40x125xi32, #tpu.memory_space<hbm>>
      %dma_start3A_124 = tpu.memref_squeeze %dma_start3A_123 : memref<1x40x125xi32, #tpu.memory_space<hbm>> -> memref<40x125xi32, #tpu.memory_space<hbm>>
      tpu.enqueue_dma source(%dma_start3A_124 : memref<40x125xi32, #tpu.memory_space<hbm>>) target(%arg10 : memref<40x125xi32, #tpu.memory_space<vmem>>) target_semaphore(%run_scoped3A_116 : memref<!tpu.dma_semaphore, #tpu.memory_space<semaphore_mem>>)
      %dma_wait3A_125 = arith.constant 0 : i32
      %dma_wait3A_126 = arith.constant 0 : i32
      %dma_wait3A_127 = tpu.memref_slice %arg6[%add3A, %dma_wait3A_125, %dma_wait3A_126] : memref<32x40x125xi32, #tpu.memory_space<hbm>> -> memref<1x40x125xi32, #tpu.memory_space<hbm>>
      %dma_wait3A_128 = tpu.memref_squeeze %dma_wait3A_127 : memref<1x40x125xi32, #tpu.memory_space<hbm>> -> memref<40x125xi32, #tpu.memory_space<hbm>>
      %dma_wait3A_129 = arith.constant 0 : i32
      %dma_wait3A_130 = arith.constant 0 : i32
      %dma_wait3A_131 = tpu.memref_slice %arg6[%add3A, %dma_wait3A_129, %dma_wait3A_130] : memref<32x40x125xi32, #tpu.memory_space<hbm>> -> memref<1x40x125xi32, #tpu.memory_space<hbm>>
      %dma_wait3A_132 = tpu.memref_squeeze %dma_wait3A_131 : memref<1x40x125xi32, #tpu.memory_space<hbm>> -> memref<40x125xi32, #tpu.memory_space<hbm>>
      tpu.wait_dma2 semaphore(%run_scoped3A_116 : memref<!tpu.dma_semaphore, #tpu.memory_space<semaphore_mem>>) src(%dma_wait3A_132 : memref<40x125xi32, #tpu.memory_space<hbm>>) dst(%arg10 : memref<40x125xi32, #tpu.memory_space<vmem>>)
      tpu.yield
    }) : () -> ()
    "tpu.region"() ({
      %run_scoped3A_116 = tpu.sem_alloc : memref<!tpu.dma_semaphore, #tpu.memory_space<semaphore_mem>>
      %dma_start3A_117 = arith.constant 0 : i32
      %dma_start3A_118 = arith.constant 0 : i32
      %dma_start3A_119 = tpu.memref_slice %arg7[%add3A, %dma_start3A_117, %dma_start3A_118] : memref<32x40x125xi32, #tpu.memory_space<hbm>> -> memref<1x40x125xi32, #tpu.memory_space<hbm>>
      %dma_start3A_120 = tpu.memref_squeeze %dma_start3A_119 : memref<1x40x125xi32, #tpu.memory_space<hbm>> -> memref<40x125xi32, #tpu.memory_space<hbm>>
      %dma_start3A_121 = arith.constant 0 : i32
      %dma_start3A_122 = arith.constant 0 : i32
      %dma_start3A_123 = tpu.memref_slice %arg7[%add3A, %dma_start3A_121, %dma_start3A_122] : memref<32x40x125xi32, #tpu.memory_space<hbm>> -> memref<1x40x125xi32, #tpu.memory_space<hbm>>
      %dma_start3A_124 = tpu.memref_squeeze %dma_start3A_123 : memref<1x40x125xi32, #tpu.memory_space<hbm>> -> memref<40x125xi32, #tpu.memory_space<hbm>>
      tpu.enqueue_dma source(%dma_start3A_124 : memref<40x125xi32, #tpu.memory_space<hbm>>) target(%arg11 : memref<40x125xi32, #tpu.memory_space<vmem>>) target_semaphore(%run_scoped3A_116 : memref<!tpu.dma_semaphore, #tpu.memory_space<semaphore_mem>>)
      %dma_wait3A_125 = arith.constant 0 : i32
      %dma_wait3A_126 = arith.constant 0 : i32
      %dma_wait3A_127 = tpu.memref_slice %arg7[%add3A, %dma_wait3A_125, %dma_wait3A_126] : memref<32x40x125xi32, #tpu.memory_space<hbm>> -> memref<1x40x125xi32, #tpu.memory_space<hbm>>
      %dma_wait3A_128 = tpu.memref_squeeze %dma_wait3A_127 : memref<1x40x125xi32, #tpu.memory_space<hbm>> -> memref<40x125xi32, #tpu.memory_space<hbm>>
      %dma_wait3A_129 = arith.constant 0 : i32
      %dma_wait3A_130 = arith.constant 0 : i32
      %dma_wait3A_131 = tpu.memref_slice %arg7[%add3A, %dma_wait3A_129, %dma_wait3A_130] : memref<32x40x125xi32, #tpu.memory_space<hbm>> -> memref<1x40x125xi32, #tpu.memory_space<hbm>>
      %dma_wait3A_132 = tpu.memref_squeeze %dma_wait3A_131 : memref<1x40x125xi32, #tpu.memory_space<hbm>> -> memref<40x125xi32, #tpu.memory_space<hbm>>
      tpu.wait_dma2 semaphore(%run_scoped3A_116 : memref<!tpu.dma_semaphore, #tpu.memory_space<semaphore_mem>>) src(%dma_wait3A_132 : memref<40x125xi32, #tpu.memory_space<hbm>>) dst(%arg11 : memref<40x125xi32, #tpu.memory_space<vmem>>)
      tpu.yield
    }) : () -> ()
    %mul3A_1 = arith.constant 640 : i32
    %mul3A_2 = arith.muli %arg1, %mul3A_1 : i32
    "tpu.region"() ({
      %run_scoped3A_116 = tpu.sem_alloc : memref<!tpu.dma_semaphore, #tpu.memory_space<semaphore_mem>>
      %dma_start3A_117 = arith.constant 0 : i32
      %dma_start3A_118 = tpu.memref_slice %arg14[%mul3A_2, %dma_start3A_117] : memref<10240x128xf32, #tpu.memory_space<vmem_shared>> -> memref<640x128xf32, #tpu.memory_space<vmem_shared>>
      tpu.enqueue_dma source(%arg8 : memref<640x128xf32, #tpu.memory_space<hbm>>) target(%dma_start3A_118 : memref<640x128xf32, #tpu.memory_space<vmem_shared>>) target_semaphore(%run_scoped3A_116 : memref<!tpu.dma_semaphore, #tpu.memory_space<semaphore_mem>>)
      %dma_wait3A_119 = arith.constant 0 : i32
      %dma_wait3A_120 = tpu.memref_slice %arg14[%mul3A_2, %dma_wait3A_119] : memref<10240x128xf32, #tpu.memory_space<vmem_shared>> -> memref<640x128xf32, #tpu.memory_space<vmem_shared>>
      tpu.wait_dma2 semaphore(%run_scoped3A_116 : memref<!tpu.dma_semaphore, #tpu.memory_space<semaphore_mem>>) src(%arg8 : memref<640x128xf32, #tpu.memory_space<hbm>>) dst(%dma_wait3A_120 : memref<640x128xf32, #tpu.memory_space<vmem_shared>>)
      tpu.yield
    }) : () -> ()
    %barrier3A = arith.constant 0 : index
    tpu.barrier barrier_id(%barrier3A)
    %dma_start3A = arith.constant 0 : i32
    %dma_start3A_3 = arith.constant 0 : i32
    %dma_start3A_4 = tpu.memref_slice %arg10[%dma_start3A, %dma_start3A_3] : memref<40x125xi32, #tpu.memory_space<vmem>> -> memref<1x125xi32, #tpu.memory_space<vmem>>
    %dma_start3A_5 = tpu.memref_squeeze %dma_start3A_4 : memref<1x125xi32, #tpu.memory_space<vmem>> -> memref<125xi32, #tpu.memory_space<vmem>>
    %dma_start3A_6 = arith.constant 0 : i32
    %dma_start3A_7 = arith.constant 0 : i32
    %dma_start3A_8 = tpu.memref_slice %arg2[%dma_start3A_6, %dma_start3A_7] : memref<10000x128xf32, #tpu.memory_space<hbm>> -> memref<10000x128xf32, #tpu.memory_space<hbm>>
    tpu.enqueue_indirect_dma source(%dma_start3A_8 : memref<10000x128xf32, #tpu.memory_space<hbm>>) target(%arg12 : memref<125x128xf32, #tpu.memory_space<vmem>>) offsets(%dma_start3A_5 : memref<125xi32, #tpu.memory_space<vmem>>) semaphore(%arg15 : memref<!tpu.dma_semaphore, #tpu.memory_space<semaphore_mem>>)
    %scan3A = arith.constant 0 : i32
    %scan3A_9 = arith.constant 0 : i32
    %scan3A_10 = arith.constant 20 : i32
    %scan3A_11 = arith.addi %scan3A_9, %scan3A_10 : i32
    %scan3A_12 = arith.constant 2 : i32
    scf.for %scan3A_116 = %scan3A_9 to %scan3A_11 step %scan3A_12  : i32 {
      %mul3A_117 = arith.constant 2 : i32
      %mul3A_118 = arith.muli %mul3A_117, %scan3A_116 : i32
      %add3A_119 = arith.constant 0 : i32
      %add3A_120 = arith.addi %mul3A_118, %add3A_119 : i32
      %dma_wait3A_121 = arith.constant 0 : i32
      %dma_wait3A_122 = tpu.memref_slice %arg10[%add3A_120, %dma_wait3A_121] : memref<40x125xi32, #tpu.memory_space<vmem>> -> memref<1x125xi32, #tpu.memory_space<vmem>>
      %dma_wait3A_123 = tpu.memref_squeeze %dma_wait3A_122 : memref<1x125xi32, #tpu.memory_space<vmem>> -> memref<125xi32, #tpu.memory_space<vmem>>
      %dma_wait3A_124 = arith.constant 0 : i32
      %dma_wait3A_125 = arith.constant 0 : i32
      %dma_wait3A_126 = tpu.memref_slice %arg2[%dma_wait3A_124, %dma_wait3A_125] : memref<10000x128xf32, #tpu.memory_space<hbm>> -> memref<10000x128xf32, #tpu.memory_space<hbm>>
      tpu.wait_indirect_dma semaphore(%arg15 : memref<!tpu.dma_semaphore, #tpu.memory_space<semaphore_mem>>) src(%dma_wait3A_126 : memref<10000x128xf32, #tpu.memory_space<hbm>>) dst(%arg12 : memref<125x128xf32, #tpu.memory_space<vmem>>)
      %dma_start3A_127 = arith.constant 0 : i32
      %dma_start3A_128 = tpu.memref_slice %arg11[%add3A_120, %dma_start3A_127] : memref<40x125xi32, #tpu.memory_space<vmem>> -> memref<1x125xi32, #tpu.memory_space<vmem>>
      %dma_start3A_129 = tpu.memref_squeeze %dma_start3A_128 : memref<1x125xi32, #tpu.memory_space<vmem>> -> memref<125xi32, #tpu.memory_space<vmem>>
      %dma_start3A_130 = arith.constant 0 : i32
      %dma_start3A_131 = arith.constant 0 : i32
      %dma_start3A_132 = tpu.memref_slice %arg14[%dma_start3A_130, %dma_start3A_131] : memref<10240x128xf32, #tpu.memory_space<vmem_shared>> -> memref<10240x128xf32, #tpu.memory_space<vmem_shared>>
      tpu.enqueue_indirect_dma source(%arg12 : memref<125x128xf32, #tpu.memory_space<vmem>>) target(%dma_start3A_132 : memref<10240x128xf32, #tpu.memory_space<vmem_shared>>) offsets(%dma_start3A_129 : memref<125xi32, #tpu.memory_space<vmem>>) semaphore(%arg17 : memref<!tpu.dma_semaphore, #tpu.memory_space<semaphore_mem>>) {add = true}
      %gt3A = arith.constant 0 : i32
      %gt3A_133 = arith.cmpi sgt, %scan3A_116, %gt3A : i32
      %convert_element_type3A = arith.extui %gt3A_133 : i1 to i32
      %cond3A = arith.constant 0 : i32
      %cond3A_134 = arith.cmpi ne, %convert_element_type3A, %cond3A : i32
      scf.if %cond3A_134 {
        %add3A_234 = arith.constant 1 : i32
        %add3A_235 = arith.addi %add3A_120, %add3A_234 : i32
        %sub3A_236 = arith.constant 2 : i32
        %sub3A_237 = arith.subi %add3A_235, %sub3A_236 : i32
        %dma_wait3A_238 = arith.constant 0 : i32
        %dma_wait3A_239 = tpu.memref_slice %arg11[%sub3A_237, %dma_wait3A_238] : memref<40x125xi32, #tpu.memory_space<vmem>> -> memref<1x125xi32, #tpu.memory_space<vmem>>
        %dma_wait3A_240 = tpu.memref_squeeze %dma_wait3A_239 : memref<1x125xi32, #tpu.memory_space<vmem>> -> memref<125xi32, #tpu.memory_space<vmem>>
        %dma_wait3A_241 = arith.constant 0 : i32
        %dma_wait3A_242 = arith.constant 0 : i32
        %dma_wait3A_243 = tpu.memref_slice %arg14[%dma_wait3A_241, %dma_wait3A_242] : memref<10240x128xf32, #tpu.memory_space<vmem_shared>> -> memref<10240x128xf32, #tpu.memory_space<vmem_shared>>
        tpu.wait_indirect_dma semaphore(%arg18 : memref<!tpu.dma_semaphore, #tpu.memory_space<semaphore_mem>>) src(%arg13 : memref<125x128xf32, #tpu.memory_space<vmem>>) dst(%dma_wait3A_243 : memref<10240x128xf32, #tpu.memory_space<vmem_shared>>)
      } else {
      }
      %add3A_135 = arith.constant 1 : i32
      %add3A_136 = arith.addi %add3A_120, %add3A_135 : i32
      %dma_start3A_137 = arith.constant 0 : i32
      %dma_start3A_138 = tpu.memref_slice %arg10[%add3A_136, %dma_start3A_137] : memref<40x125xi32, #tpu.memory_space<vmem>> -> memref<1x125xi32, #tpu.memory_space<vmem>>
      %dma_start3A_139 = tpu.memref_squeeze %dma_start3A_138 : memref<1x125xi32, #tpu.memory_space<vmem>> -> memref<125xi32, #tpu.memory_space<vmem>>
      %dma_start3A_140 = arith.constant 0 : i32
      %dma_start3A_141 = arith.constant 0 : i32
      %dma_start3A_142 = tpu.memref_slice %arg2[%dma_start3A_140, %dma_start3A_141] : memref<10000x128xf32, #tpu.memory_space<hbm>> -> memref<10000x128xf32, #tpu.memory_space<hbm>>
      tpu.enqueue_indirect_dma source(%dma_start3A_142 : memref<10000x128xf32, #tpu.memory_space<hbm>>) target(%arg13 : memref<125x128xf32, #tpu.memory_space<vmem>>) offsets(%dma_start3A_139 : memref<125xi32, #tpu.memory_space<vmem>>) semaphore(%arg16 : memref<!tpu.dma_semaphore, #tpu.memory_space<semaphore_mem>>)
      %mul3A_143 = arith.constant 2 : i32
      %mul3A_144 = arith.muli %mul3A_143, %scan3A_116 : i32
      %add3A_145 = arith.constant 1 : i32
      %add3A_146 = arith.addi %mul3A_144, %add3A_145 : i32
      %dma_wait3A_147 = arith.constant 0 : i32
      %dma_wait3A_148 = tpu.memref_slice %arg10[%add3A_146, %dma_wait3A_147] : memref<40x125xi32, #tpu.memory_space<vmem>> -> memref<1x125xi32, #tpu.memory_space<vmem>>
      %dma_wait3A_149 = tpu.memref_squeeze %dma_wait3A_148 : memref<1x125xi32, #tpu.memory_space<vmem>> -> memref<125xi32, #tpu.memory_space<vmem>>
      %dma_wait3A_150 = arith.constant 0 : i32
      %dma_wait3A_151 = arith.constant 0 : i32
      %dma_wait3A_152 = tpu.memref_slice %arg2[%dma_wait3A_150, %dma_wait3A_151] : memref<10000x128xf32, #tpu.memory_space<hbm>> -> memref<10000x128xf32, #tpu.memory_space<hbm>>
      tpu.wait_indirect_dma semaphore(%arg16 : memref<!tpu.dma_semaphore, #tpu.memory_space<semaphore_mem>>) src(%dma_wait3A_152 : memref<10000x128xf32, #tpu.memory_space<hbm>>) dst(%arg13 : memref<125x128xf32, #tpu.memory_space<vmem>>)
      %dma_start3A_153 = arith.constant 0 : i32
      %dma_start3A_154 = tpu.memref_slice %arg11[%add3A_146, %dma_start3A_153] : memref<40x125xi32, #tpu.memory_space<vmem>> -> memref<1x125xi32, #tpu.memory_space<vmem>>
      %dma_start3A_155 = tpu.memref_squeeze %dma_start3A_154 : memref<1x125xi32, #tpu.memory_space<vmem>> -> memref<125xi32, #tpu.memory_space<vmem>>
      %dma_start3A_156 = arith.constant 0 : i32
      %dma_start3A_157 = arith.constant 0 : i32
      %dma_start3A_158 = tpu.memref_slice %arg14[%dma_start3A_156, %dma_start3A_157] : memref<10240x128xf32, #tpu.memory_space<vmem_shared>> -> memref<10240x128xf32, #tpu.memory_space<vmem_shared>>
      tpu.enqueue_indirect_dma source(%arg13 : memref<125x128xf32, #tpu.memory_space<vmem>>) target(%dma_start3A_158 : memref<10240x128xf32, #tpu.memory_space<vmem_shared>>) offsets(%dma_start3A_155 : memref<125xi32, #tpu.memory_space<vmem>>) semaphore(%arg18 : memref<!tpu.dma_semaphore, #tpu.memory_space<semaphore_mem>>) {add = true}
      %add3A_159 = arith.constant 1 : i32
      %add3A_160 = arith.addi %add3A_146, %add3A_159 : i32
      %sub3A = arith.constant 2 : i32
      %sub3A_161 = arith.subi %add3A_160, %sub3A : i32
      %dma_wait3A_162 = arith.constant 0 : i32
      %dma_wait3A_163 = tpu.memref_slice %arg11[%sub3A_161, %dma_wait3A_162] : memref<40x125xi32, #tpu.memory_space<vmem>> -> memref<1x125xi32, #tpu.memory_space<vmem>>
      %dma_wait3A_164 = tpu.memref_squeeze %dma_wait3A_163 : memref<1x125xi32, #tpu.memory_space<vmem>> -> memref<125xi32, #tpu.memory_space<vmem>>
      %dma_wait3A_165 = arith.constant 0 : i32
      %dma_wait3A_166 = arith.constant 0 : i32
      %dma_wait3A_167 = tpu.memref_slice %arg14[%dma_wait3A_165, %dma_wait3A_166] : memref<10240x128xf32, #tpu.memory_space<vmem_shared>> -> memref<10240x128xf32, #tpu.memory_space<vmem_shared>>
      tpu.wait_indirect_dma semaphore(%arg17 : memref<!tpu.dma_semaphore, #tpu.memory_space<semaphore_mem>>) src(%arg12 : memref<125x128xf32, #tpu.memory_space<vmem>>) dst(%dma_wait3A_167 : memref<10240x128xf32, #tpu.memory_space<vmem_shared>>)
      %lt3A = arith.constant 19 : i32
      %lt3A_168 = arith.cmpi slt, %scan3A_116, %lt3A : i32
      %convert_element_type3A_169 = arith.extui %lt3A_168 : i1 to i32
      %cond3A_170 = arith.constant 0 : i32
      %cond3A_171 = arith.cmpi ne, %convert_element_type3A_169, %cond3A_170 : i32
      scf.if %cond3A_171 {
        %add3A_234 = arith.constant 1 : i32
        %add3A_235 = arith.addi %add3A_146, %add3A_234 : i32
        %dma_start3A_236 = arith.constant 0 : i32
        %dma_start3A_237 = tpu.memref_slice %arg10[%add3A_235, %dma_start3A_236] : memref<40x125xi32, #tpu.memory_space<vmem>> -> memref<1x125xi32, #tpu.memory_space<vmem>>
        %dma_start3A_238 = tpu.memref_squeeze %dma_start3A_237 : memref<1x125xi32, #tpu.memory_space<vmem>> -> memref<125xi32, #tpu.memory_space<vmem>>
        %dma_start3A_239 = arith.constant 0 : i32
        %dma_start3A_240 = arith.constant 0 : i32
        %dma_start3A_241 = tpu.memref_slice %arg2[%dma_start3A_239, %dma_start3A_240] : memref<10000x128xf32, #tpu.memory_space<hbm>> -> memref<10000x128xf32, #tpu.memory_space<hbm>>
        tpu.enqueue_indirect_dma source(%dma_start3A_241 : memref<10000x128xf32, #tpu.memory_space<hbm>>) target(%arg12 : memref<125x128xf32, #tpu.memory_space<vmem>>) offsets(%dma_start3A_238 : memref<125xi32, #tpu.memory_space<vmem>>) semaphore(%arg15 : memref<!tpu.dma_semaphore, #tpu.memory_space<semaphore_mem>>)
      } else {
      }
      %scan3A_172 = arith.constant 1 : i32
      %scan3A_173 = arith.addi %scan3A_116, %scan3A_172 : i32
      %mul3A_174 = arith.constant 2 : i32
      %mul3A_175 = arith.muli %mul3A_174, %scan3A_173 : i32
      %add3A_176 = arith.constant 0 : i32
      %add3A_177 = arith.addi %mul3A_175, %add3A_176 : i32
      %dma_wait3A_178 = arith.constant 0 : i32
      %dma_wait3A_179 = tpu.memref_slice %arg10[%add3A_177, %dma_wait3A_178] : memref<40x125xi32, #tpu.memory_space<vmem>> -> memref<1x125xi32, #tpu.memory_space<vmem>>
      %dma_wait3A_180 = tpu.memref_squeeze %dma_wait3A_179 : memref<1x125xi32, #tpu.memory_space<vmem>> -> memref<125xi32, #tpu.memory_space<vmem>>
      %dma_wait3A_181 = arith.constant 0 : i32
      %dma_wait3A_182 = arith.constant 0 : i32
      %dma_wait3A_183 = tpu.memref_slice %arg2[%dma_wait3A_181, %dma_wait3A_182] : memref<10000x128xf32, #tpu.memory_space<hbm>> -> memref<10000x128xf32, #tpu.memory_space<hbm>>
      tpu.wait_indirect_dma semaphore(%arg15 : memref<!tpu.dma_semaphore, #tpu.memory_space<semaphore_mem>>) src(%dma_wait3A_183 : memref<10000x128xf32, #tpu.memory_space<hbm>>) dst(%arg12 : memref<125x128xf32, #tpu.memory_space<vmem>>)
      %dma_start3A_184 = arith.constant 0 : i32
      %dma_start3A_185 = tpu.memref_slice %arg11[%add3A_177, %dma_start3A_184] : memref<40x125xi32, #tpu.memory_space<vmem>> -> memref<1x125xi32, #tpu.memory_space<vmem>>
      %dma_start3A_186 = tpu.memref_squeeze %dma_start3A_185 : memref<1x125xi32, #tpu.memory_space<vmem>> -> memref<125xi32, #tpu.memory_space<vmem>>
      %dma_start3A_187 = arith.constant 0 : i32
      %dma_start3A_188 = arith.constant 0 : i32
      %dma_start3A_189 = tpu.memref_slice %arg14[%dma_start3A_187, %dma_start3A_188] : memref<10240x128xf32, #tpu.memory_space<vmem_shared>> -> memref<10240x128xf32, #tpu.memory_space<vmem_shared>>
      tpu.enqueue_indirect_dma source(%arg12 : memref<125x128xf32, #tpu.memory_space<vmem>>) target(%dma_start3A_189 : memref<10240x128xf32, #tpu.memory_space<vmem_shared>>) offsets(%dma_start3A_186 : memref<125xi32, #tpu.memory_space<vmem>>) semaphore(%arg17 : memref<!tpu.dma_semaphore, #tpu.memory_space<semaphore_mem>>) {add = true}
      %gt3A_190 = arith.constant 0 : i32
      %gt3A_191 = arith.cmpi sgt, %scan3A_173, %gt3A_190 : i32
      %convert_element_type3A_192 = arith.extui %gt3A_191 : i1 to i32
      %cond3A_193 = arith.constant 0 : i32
      %cond3A_194 = arith.cmpi ne, %convert_element_type3A_192, %cond3A_193 : i32
      scf.if %cond3A_194 {
        %add3A_234 = arith.constant 1 : i32
        %add3A_235 = arith.addi %add3A_177, %add3A_234 : i32
        %sub3A_236 = arith.constant 2 : i32
        %sub3A_237 = arith.subi %add3A_235, %sub3A_236 : i32
        %dma_wait3A_238 = arith.constant 0 : i32
        %dma_wait3A_239 = tpu.memref_slice %arg11[%sub3A_237, %dma_wait3A_238] : memref<40x125xi32, #tpu.memory_space<vmem>> -> memref<1x125xi32, #tpu.memory_space<vmem>>
        %dma_wait3A_240 = tpu.memref_squeeze %dma_wait3A_239 : memref<1x125xi32, #tpu.memory_space<vmem>> -> memref<125xi32, #tpu.memory_space<vmem>>
        %dma_wait3A_241 = arith.constant 0 : i32
        %dma_wait3A_242 = arith.constant 0 : i32
        %dma_wait3A_243 = tpu.memref_slice %arg14[%dma_wait3A_241, %dma_wait3A_242] : memref<10240x128xf32, #tpu.memory_space<vmem_shared>> -> memref<10240x128xf32, #tpu.memory_space<vmem_shared>>
        tpu.wait_indirect_dma semaphore(%arg18 : memref<!tpu.dma_semaphore, #tpu.memory_space<semaphore_mem>>) src(%arg13 : memref<125x128xf32, #tpu.memory_space<vmem>>) dst(%dma_wait3A_243 : memref<10240x128xf32, #tpu.memory_space<vmem_shared>>)
      } else {
      }
      %add3A_195 = arith.constant 1 : i32
      %add3A_196 = arith.addi %add3A_177, %add3A_195 : i32
      %dma_start3A_197 = arith.constant 0 : i32
      %dma_start3A_198 = tpu.memref_slice %arg10[%add3A_196, %dma_start3A_197] : memref<40x125xi32, #tpu.memory_space<vmem>> -> memref<1x125xi32, #tpu.memory_space<vmem>>
      %dma_start3A_199 = tpu.memref_squeeze %dma_start3A_198 : memref<1x125xi32, #tpu.memory_space<vmem>> -> memref<125xi32, #tpu.memory_space<vmem>>
      %dma_start3A_200 = arith.constant 0 : i32
      %dma_start3A_201 = arith.constant 0 : i32
      %dma_start3A_202 = tpu.memref_slice %arg2[%dma_start3A_200, %dma_start3A_201] : memref<10000x128xf32, #tpu.memory_space<hbm>> -> memref<10000x128xf32, #tpu.memory_space<hbm>>
      tpu.enqueue_indirect_dma source(%dma_start3A_202 : memref<10000x128xf32, #tpu.memory_space<hbm>>) target(%arg13 : memref<125x128xf32, #tpu.memory_space<vmem>>) offsets(%dma_start3A_199 : memref<125xi32, #tpu.memory_space<vmem>>) semaphore(%arg16 : memref<!tpu.dma_semaphore, #tpu.memory_space<semaphore_mem>>)
      %mul3A_203 = arith.constant 2 : i32
      %mul3A_204 = arith.muli %mul3A_203, %scan3A_173 : i32
      %add3A_205 = arith.constant 1 : i32
      %add3A_206 = arith.addi %mul3A_204, %add3A_205 : i32
      %dma_wait3A_207 = arith.constant 0 : i32
      %dma_wait3A_208 = tpu.memref_slice %arg10[%add3A_206, %dma_wait3A_207] : memref<40x125xi32, #tpu.memory_space<vmem>> -> memref<1x125xi32, #tpu.memory_space<vmem>>
      %dma_wait3A_209 = tpu.memref_squeeze %dma_wait3A_208 : memref<1x125xi32, #tpu.memory_space<vmem>> -> memref<125xi32, #tpu.memory_space<vmem>>
      %dma_wait3A_210 = arith.constant 0 : i32
      %dma_wait3A_211 = arith.constant 0 : i32
      %dma_wait3A_212 = tpu.memref_slice %arg2[%dma_wait3A_210, %dma_wait3A_211] : memref<10000x128xf32, #tpu.memory_space<hbm>> -> memref<10000x128xf32, #tpu.memory_space<hbm>>
      tpu.wait_indirect_dma semaphore(%arg16 : memref<!tpu.dma_semaphore, #tpu.memory_space<semaphore_mem>>) src(%dma_wait3A_212 : memref<10000x128xf32, #tpu.memory_space<hbm>>) dst(%arg13 : memref<125x128xf32, #tpu.memory_space<vmem>>)
      %dma_start3A_213 = arith.constant 0 : i32
      %dma_start3A_214 = tpu.memref_slice %arg11[%add3A_206, %dma_start3A_213] : memref<40x125xi32, #tpu.memory_space<vmem>> -> memref<1x125xi32, #tpu.memory_space<vmem>>
      %dma_start3A_215 = tpu.memref_squeeze %dma_start3A_214 : memref<1x125xi32, #tpu.memory_space<vmem>> -> memref<125xi32, #tpu.memory_space<vmem>>
      %dma_start3A_216 = arith.constant 0 : i32
      %dma_start3A_217 = arith.constant 0 : i32
      %dma_start3A_218 = tpu.memref_slice %arg14[%dma_start3A_216, %dma_start3A_217] : memref<10240x128xf32, #tpu.memory_space<vmem_shared>> -> memref<10240x128xf32, #tpu.memory_space<vmem_shared>>
      tpu.enqueue_indirect_dma source(%arg13 : memref<125x128xf32, #tpu.memory_space<vmem>>) target(%dma_start3A_218 : memref<10240x128xf32, #tpu.memory_space<vmem_shared>>) offsets(%dma_start3A_215 : memref<125xi32, #tpu.memory_space<vmem>>) semaphore(%arg18 : memref<!tpu.dma_semaphore, #tpu.memory_space<semaphore_mem>>) {add = true}
      %add3A_219 = arith.constant 1 : i32
      %add3A_220 = arith.addi %add3A_206, %add3A_219 : i32
      %sub3A_221 = arith.constant 2 : i32
      %sub3A_222 = arith.subi %add3A_220, %sub3A_221 : i32
      %dma_wait3A_223 = arith.constant 0 : i32
      %dma_wait3A_224 = tpu.memref_slice %arg11[%sub3A_222, %dma_wait3A_223] : memref<40x125xi32, #tpu.memory_space<vmem>> -> memref<1x125xi32, #tpu.memory_space<vmem>>
      %dma_wait3A_225 = tpu.memref_squeeze %dma_wait3A_224 : memref<1x125xi32, #tpu.memory_space<vmem>> -> memref<125xi32, #tpu.memory_space<vmem>>
      %dma_wait3A_226 = arith.constant 0 : i32
      %dma_wait3A_227 = arith.constant 0 : i32
      %dma_wait3A_228 = tpu.memref_slice %arg14[%dma_wait3A_226, %dma_wait3A_227] : memref<10240x128xf32, #tpu.memory_space<vmem_shared>> -> memref<10240x128xf32, #tpu.memory_space<vmem_shared>>
      tpu.wait_indirect_dma semaphore(%arg17 : memref<!tpu.dma_semaphore, #tpu.memory_space<semaphore_mem>>) src(%arg12 : memref<125x128xf32, #tpu.memory_space<vmem>>) dst(%dma_wait3A_228 : memref<10240x128xf32, #tpu.memory_space<vmem_shared>>)
      %lt3A_229 = arith.constant 19 : i32
      %lt3A_230 = arith.cmpi slt, %scan3A_173, %lt3A_229 : i32
      %convert_element_type3A_231 = arith.extui %lt3A_230 : i1 to i32
      %cond3A_232 = arith.constant 0 : i32
      %cond3A_233 = arith.cmpi ne, %convert_element_type3A_231, %cond3A_232 : i32
      scf.if %cond3A_233 {
        %add3A_234 = arith.constant 1 : i32
        %add3A_235 = arith.addi %add3A_206, %add3A_234 : i32
        %dma_start3A_236 = arith.constant 0 : i32
        %dma_start3A_237 = tpu.memref_slice %arg10[%add3A_235, %dma_start3A_236] : memref<40x125xi32, #tpu.memory_space<vmem>> -> memref<1x125xi32, #tpu.memory_space<vmem>>
        %dma_start3A_238 = tpu.memref_squeeze %dma_start3A_237 : memref<1x125xi32, #tpu.memory_space<vmem>> -> memref<125xi32, #tpu.memory_space<vmem>>
        %dma_start3A_239 = arith.constant 0 : i32
        %dma_start3A_240 = arith.constant 0 : i32
        %dma_start3A_241 = tpu.memref_slice %arg2[%dma_start3A_239, %dma_start3A_240] : memref<10000x128xf32, #tpu.memory_space<hbm>> -> memref<10000x128xf32, #tpu.memory_space<hbm>>
        tpu.enqueue_indirect_dma source(%dma_start3A_241 : memref<10000x128xf32, #tpu.memory_space<hbm>>) target(%arg12 : memref<125x128xf32, #tpu.memory_space<vmem>>) offsets(%dma_start3A_238 : memref<125xi32, #tpu.memory_space<vmem>>) semaphore(%arg15 : memref<!tpu.dma_semaphore, #tpu.memory_space<semaphore_mem>>)
      } else {
      }
    }
    %scan3A_13 = arith.constant 20 : i32
    %dma_wait3A = arith.constant 39 : i32
    %dma_wait3A_14 = arith.constant 0 : i32
    %dma_wait3A_15 = tpu.memref_slice %arg11[%dma_wait3A, %dma_wait3A_14] : memref<40x125xi32, #tpu.memory_space<vmem>> -> memref<1x125xi32, #tpu.memory_space<vmem>>
    %dma_wait3A_16 = tpu.memref_squeeze %dma_wait3A_15 : memref<1x125xi32, #tpu.memory_space<vmem>> -> memref<125xi32, #tpu.memory_space<vmem>>
    %dma_wait3A_17 = arith.constant 0 : i32
    %dma_wait3A_18 = arith.constant 0 : i32
    %dma_wait3A_19 = tpu.memref_slice %arg14[%dma_wait3A_17, %dma_wait3A_18] : memref<10240x128xf32, #tpu.memory_space<vmem_shared>> -> memref<10240x128xf32, #tpu.memory_space<vmem_shared>>
    tpu.wait_indirect_dma semaphore(%arg18 : memref<!tpu.dma_semaphore, #tpu.memory_space<semaphore_mem>>) src(%arg13 : memref<125x128xf32, #tpu.memory_space<vmem>>) dst(%dma_wait3A_19 : memref<10240x128xf32, #tpu.memory_space<vmem_shared>>)
    %barrier3A_20 = arith.constant 0 : index
    tpu.barrier barrier_id(%barrier3A_20)
    %mul3A_21 = arith.constant 640 : i32
    %mul3A_22 = arith.muli %arg1, %mul3A_21 : i32
    %mul3A_23 = arith.constant 640 : i32
    %mul3A_24 = arith.muli %arg1, %mul3A_23 : i32
    %run_scoped3A = arith.constant 0 : i32
    "tpu.region"() ({
      %run_scoped3A_116 = tpu.sem_alloc : memref<!tpu.dma_semaphore, #tpu.memory_space<semaphore_mem>>
      %dma_start3A_117 = arith.constant 0 : i32
      %dma_start3A_118 = tpu.memref_slice %arg9[%arg0, %run_scoped3A, %mul3A_24, %dma_start3A_117] : memref<2x4x10240x128xf32, #tpu.memory_space<hbm>> -> memref<1x1x640x128xf32, #tpu.memory_space<hbm>>
      %dma_start3A_119 = tpu.memref_squeeze %dma_start3A_118 : memref<1x1x640x128xf32, #tpu.memory_space<hbm>> -> memref<640x128xf32, #tpu.memory_space<hbm>>
      %dma_start3A_120 = arith.constant 0 : i32
      %dma_start3A_121 = tpu.memref_slice %arg14[%mul3A_22, %dma_start3A_120] : memref<10240x128xf32, #tpu.memory_space<vmem_shared>> -> memref<640x128xf32, #tpu.memory_space<vmem_shared>>
      tpu.enqueue_dma source(%dma_start3A_121 : memref<640x128xf32, #tpu.memory_space<vmem_shared>>) target(%dma_start3A_119 : memref<640x128xf32, #tpu.memory_space<hbm>>) target_semaphore(%run_scoped3A_116 : memref<!tpu.dma_semaphore, #tpu.memory_space<semaphore_mem>>)
      %dma_wait3A_122 = arith.constant 0 : i32
      %dma_wait3A_123 = tpu.memref_slice %arg9[%arg0, %run_scoped3A, %mul3A_24, %dma_wait3A_122] : memref<2x4x10240x128xf32, #tpu.memory_space<hbm>> -> memref<1x1x640x128xf32, #tpu.memory_space<hbm>>
      %dma_wait3A_124 = tpu.memref_squeeze %dma_wait3A_123 : memref<1x1x640x128xf32, #tpu.memory_space<hbm>> -> memref<640x128xf32, #tpu.memory_space<hbm>>
      %dma_wait3A_125 = arith.constant 0 : i32
      %dma_wait3A_126 = tpu.memref_slice %arg14[%mul3A_22, %dma_wait3A_125] : memref<10240x128xf32, #tpu.memory_space<vmem_shared>> -> memref<640x128xf32, #tpu.memory_space<vmem_shared>>
      tpu.wait_dma2 semaphore(%run_scoped3A_116 : memref<!tpu.dma_semaphore, #tpu.memory_space<semaphore_mem>>) src(%dma_wait3A_126 : memref<640x128xf32, #tpu.memory_space<vmem_shared>>) dst(%dma_wait3A_124 : memref<640x128xf32, #tpu.memory_space<hbm>>)
      tpu.yield
    }) : () -> ()
    %barrier3A_25 = arith.constant 0 : index
    tpu.barrier barrier_id(%barrier3A_25)
    %mul3A_26 = arith.constant 640 : i32
    %mul3A_27 = arith.muli %arg1, %mul3A_26 : i32
    "tpu.region"() ({
      %run_scoped3A_116 = tpu.sem_alloc : memref<!tpu.dma_semaphore, #tpu.memory_space<semaphore_mem>>
      %dma_start3A_117 = arith.constant 0 : i32
      %dma_start3A_118 = tpu.memref_slice %arg14[%mul3A_27, %dma_start3A_117] : memref<10240x128xf32, #tpu.memory_space<vmem_shared>> -> memref<640x128xf32, #tpu.memory_space<vmem_shared>>
      tpu.enqueue_dma source(%arg8 : memref<640x128xf32, #tpu.memory_space<hbm>>) target(%dma_start3A_118 : memref<640x128xf32, #tpu.memory_space<vmem_shared>>) target_semaphore(%run_scoped3A_116 : memref<!tpu.dma_semaphore, #tpu.memory_space<semaphore_mem>>)
      %dma_wait3A_119 = arith.constant 0 : i32
      %dma_wait3A_120 = tpu.memref_slice %arg14[%mul3A_27, %dma_wait3A_119] : memref<10240x128xf32, #tpu.memory_space<vmem_shared>> -> memref<640x128xf32, #tpu.memory_space<vmem_shared>>
      tpu.wait_dma2 semaphore(%run_scoped3A_116 : memref<!tpu.dma_semaphore, #tpu.memory_space<semaphore_mem>>) src(%arg8 : memref<640x128xf32, #tpu.memory_space<hbm>>) dst(%dma_wait3A_120 : memref<640x128xf32, #tpu.memory_space<vmem_shared>>)
      tpu.yield
    }) : () -> ()
    %barrier3A_28 = arith.constant 0 : index
    tpu.barrier barrier_id(%barrier3A_28)
    %dma_start3A_29 = arith.constant 0 : i32
    %dma_start3A_30 = arith.constant 0 : i32
    %dma_start3A_31 = tpu.memref_slice %arg10[%dma_start3A_29, %dma_start3A_30] : memref<40x125xi32, #tpu.memory_space<vmem>> -> memref<1x125xi32, #tpu.memory_space<vmem>>
    %dma_start3A_32 = tpu.memref_squeeze %dma_start3A_31 : memref<1x125xi32, #tpu.memory_space<vmem>> -> memref<125xi32, #tpu.memory_space<vmem>>
    %dma_start3A_33 = arith.constant 0 : i32
    %dma_start3A_34 = arith.constant 0 : i32
    %dma_start3A_35 = tpu.memref_slice %arg3[%dma_start3A_33, %dma_start3A_34] : memref<10000x128xf32, #tpu.memory_space<hbm>> -> memref<10000x128xf32, #tpu.memory_space<hbm>>
    tpu.enqueue_indirect_dma source(%dma_start3A_35 : memref<10000x128xf32, #tpu.memory_space<hbm>>) target(%arg12 : memref<125x128xf32, #tpu.memory_space<vmem>>) offsets(%dma_start3A_32 : memref<125xi32, #tpu.memory_space<vmem>>) semaphore(%arg15 : memref<!tpu.dma_semaphore, #tpu.memory_space<semaphore_mem>>)
    %scan3A_36 = arith.constant 0 : i32
    %scan3A_37 = arith.constant 0 : i32
    %scan3A_38 = arith.constant 20 : i32
    %scan3A_39 = arith.addi %scan3A_37, %scan3A_38 : i32
    %scan3A_40 = arith.constant 2 : i32
    scf.for %scan3A_116 = %scan3A_37 to %scan3A_39 step %scan3A_40  : i32 {
      %mul3A_117 = arith.constant 2 : i32
      %mul3A_118 = arith.muli %mul3A_117, %scan3A_116 : i32
      %add3A_119 = arith.constant 0 : i32
      %add3A_120 = arith.addi %mul3A_118, %add3A_119 : i32
      %dma_wait3A_121 = arith.constant 0 : i32
      %dma_wait3A_122 = tpu.memref_slice %arg10[%add3A_120, %dma_wait3A_121] : memref<40x125xi32, #tpu.memory_space<vmem>> -> memref<1x125xi32, #tpu.memory_space<vmem>>
      %dma_wait3A_123 = tpu.memref_squeeze %dma_wait3A_122 : memref<1x125xi32, #tpu.memory_space<vmem>> -> memref<125xi32, #tpu.memory_space<vmem>>
      %dma_wait3A_124 = arith.constant 0 : i32
      %dma_wait3A_125 = arith.constant 0 : i32
      %dma_wait3A_126 = tpu.memref_slice %arg3[%dma_wait3A_124, %dma_wait3A_125] : memref<10000x128xf32, #tpu.memory_space<hbm>> -> memref<10000x128xf32, #tpu.memory_space<hbm>>
      tpu.wait_indirect_dma semaphore(%arg15 : memref<!tpu.dma_semaphore, #tpu.memory_space<semaphore_mem>>) src(%dma_wait3A_126 : memref<10000x128xf32, #tpu.memory_space<hbm>>) dst(%arg12 : memref<125x128xf32, #tpu.memory_space<vmem>>)
      %dma_start3A_127 = arith.constant 0 : i32
      %dma_start3A_128 = tpu.memref_slice %arg11[%add3A_120, %dma_start3A_127] : memref<40x125xi32, #tpu.memory_space<vmem>> -> memref<1x125xi32, #tpu.memory_space<vmem>>
      %dma_start3A_129 = tpu.memref_squeeze %dma_start3A_128 : memref<1x125xi32, #tpu.memory_space<vmem>> -> memref<125xi32, #tpu.memory_space<vmem>>
      %dma_start3A_130 = arith.constant 0 : i32
      %dma_start3A_131 = arith.constant 0 : i32
      %dma_start3A_132 = tpu.memref_slice %arg14[%dma_start3A_130, %dma_start3A_131] : memref<10240x128xf32, #tpu.memory_space<vmem_shared>> -> memref<10240x128xf32, #tpu.memory_space<vmem_shared>>
      tpu.enqueue_indirect_dma source(%arg12 : memref<125x128xf32, #tpu.memory_space<vmem>>) target(%dma_start3A_132 : memref<10240x128xf32, #tpu.memory_space<vmem_shared>>) offsets(%dma_start3A_129 : memref<125xi32, #tpu.memory_space<vmem>>) semaphore(%arg17 : memref<!tpu.dma_semaphore, #tpu.memory_space<semaphore_mem>>) {add = true}
      %gt3A = arith.constant 0 : i32
      %gt3A_133 = arith.cmpi sgt, %scan3A_116, %gt3A : i32
      %convert_element_type3A = arith.extui %gt3A_133 : i1 to i32
      %cond3A = arith.constant 0 : i32
      %cond3A_134 = arith.cmpi ne, %convert_element_type3A, %cond3A : i32
      scf.if %cond3A_134 {
        %add3A_234 = arith.constant 1 : i32
        %add3A_235 = arith.addi %add3A_120, %add3A_234 : i32
        %sub3A_236 = arith.constant 2 : i32
        %sub3A_237 = arith.subi %add3A_235, %sub3A_236 : i32
        %dma_wait3A_238 = arith.constant 0 : i32
        %dma_wait3A_239 = tpu.memref_slice %arg11[%sub3A_237, %dma_wait3A_238] : memref<40x125xi32, #tpu.memory_space<vmem>> -> memref<1x125xi32, #tpu.memory_space<vmem>>
        %dma_wait3A_240 = tpu.memref_squeeze %dma_wait3A_239 : memref<1x125xi32, #tpu.memory_space<vmem>> -> memref<125xi32, #tpu.memory_space<vmem>>
        %dma_wait3A_241 = arith.constant 0 : i32
        %dma_wait3A_242 = arith.constant 0 : i32
        %dma_wait3A_243 = tpu.memref_slice %arg14[%dma_wait3A_241, %dma_wait3A_242] : memref<10240x128xf32, #tpu.memory_space<vmem_shared>> -> memref<10240x128xf32, #tpu.memory_space<vmem_shared>>
        tpu.wait_indirect_dma semaphore(%arg18 : memref<!tpu.dma_semaphore, #tpu.memory_space<semaphore_mem>>) src(%arg13 : memref<125x128xf32, #tpu.memory_space<vmem>>) dst(%dma_wait3A_243 : memref<10240x128xf32, #tpu.memory_space<vmem_shared>>)
      } else {
      }
      %add3A_135 = arith.constant 1 : i32
      %add3A_136 = arith.addi %add3A_120, %add3A_135 : i32
      %dma_start3A_137 = arith.constant 0 : i32
      %dma_start3A_138 = tpu.memref_slice %arg10[%add3A_136, %dma_start3A_137] : memref<40x125xi32, #tpu.memory_space<vmem>> -> memref<1x125xi32, #tpu.memory_space<vmem>>
      %dma_start3A_139 = tpu.memref_squeeze %dma_start3A_138 : memref<1x125xi32, #tpu.memory_space<vmem>> -> memref<125xi32, #tpu.memory_space<vmem>>
      %dma_start3A_140 = arith.constant 0 : i32
      %dma_start3A_141 = arith.constant 0 : i32
      %dma_start3A_142 = tpu.memref_slice %arg3[%dma_start3A_140, %dma_start3A_141] : memref<10000x128xf32, #tpu.memory_space<hbm>> -> memref<10000x128xf32, #tpu.memory_space<hbm>>
      tpu.enqueue_indirect_dma source(%dma_start3A_142 : memref<10000x128xf32, #tpu.memory_space<hbm>>) target(%arg13 : memref<125x128xf32, #tpu.memory_space<vmem>>) offsets(%dma_start3A_139 : memref<125xi32, #tpu.memory_space<vmem>>) semaphore(%arg16 : memref<!tpu.dma_semaphore, #tpu.memory_space<semaphore_mem>>)
      %mul3A_143 = arith.constant 2 : i32
      %mul3A_144 = arith.muli %mul3A_143, %scan3A_116 : i32
      %add3A_145 = arith.constant 1 : i32
      %add3A_146 = arith.addi %mul3A_144, %add3A_145 : i32
      %dma_wait3A_147 = arith.constant 0 : i32
      %dma_wait3A_148 = tpu.memref_slice %arg10[%add3A_146, %dma_wait3A_147] : memref<40x125xi32, #tpu.memory_space<vmem>> -> memref<1x125xi32, #tpu.memory_space<vmem>>
      %dma_wait3A_149 = tpu.memref_squeeze %dma_wait3A_148 : memref<1x125xi32, #tpu.memory_space<vmem>> -> memref<125xi32, #tpu.memory_space<vmem>>
      %dma_wait3A_150 = arith.constant 0 : i32
      %dma_wait3A_151 = arith.constant 0 : i32
      %dma_wait3A_152 = tpu.memref_slice %arg3[%dma_wait3A_150, %dma_wait3A_151] : memref<10000x128xf32, #tpu.memory_space<hbm>> -> memref<10000x128xf32, #tpu.memory_space<hbm>>
      tpu.wait_indirect_dma semaphore(%arg16 : memref<!tpu.dma_semaphore, #tpu.memory_space<semaphore_mem>>) src(%dma_wait3A_152 : memref<10000x128xf32, #tpu.memory_space<hbm>>) dst(%arg13 : memref<125x128xf32, #tpu.memory_space<vmem>>)
      %dma_start3A_153 = arith.constant 0 : i32
      %dma_start3A_154 = tpu.memref_slice %arg11[%add3A_146, %dma_start3A_153] : memref<40x125xi32, #tpu.memory_space<vmem>> -> memref<1x125xi32, #tpu.memory_space<vmem>>
      %dma_start3A_155 = tpu.memref_squeeze %dma_start3A_154 : memref<1x125xi32, #tpu.memory_space<vmem>> -> memref<125xi32, #tpu.memory_space<vmem>>
      %dma_start3A_156 = arith.constant 0 : i32
      %dma_start3A_157 = arith.constant 0 : i32
      %dma_start3A_158 = tpu.memref_slice %arg14[%dma_start3A_156, %dma_start3A_157] : memref<10240x128xf32, #tpu.memory_space<vmem_shared>> -> memref<10240x128xf32, #tpu.memory_space<vmem_shared>>
      tpu.enqueue_indirect_dma source(%arg13 : memref<125x128xf32, #tpu.memory_space<vmem>>) target(%dma_start3A_158 : memref<10240x128xf32, #tpu.memory_space<vmem_shared>>) offsets(%dma_start3A_155 : memref<125xi32, #tpu.memory_space<vmem>>) semaphore(%arg18 : memref<!tpu.dma_semaphore, #tpu.memory_space<semaphore_mem>>) {add = true}
      %add3A_159 = arith.constant 1 : i32
      %add3A_160 = arith.addi %add3A_146, %add3A_159 : i32
      %sub3A = arith.constant 2 : i32
      %sub3A_161 = arith.subi %add3A_160, %sub3A : i32
      %dma_wait3A_162 = arith.constant 0 : i32
      %dma_wait3A_163 = tpu.memref_slice %arg11[%sub3A_161, %dma_wait3A_162] : memref<40x125xi32, #tpu.memory_space<vmem>> -> memref<1x125xi32, #tpu.memory_space<vmem>>
      %dma_wait3A_164 = tpu.memref_squeeze %dma_wait3A_163 : memref<1x125xi32, #tpu.memory_space<vmem>> -> memref<125xi32, #tpu.memory_space<vmem>>
      %dma_wait3A_165 = arith.constant 0 : i32
      %dma_wait3A_166 = arith.constant 0 : i32
      %dma_wait3A_167 = tpu.memref_slice %arg14[%dma_wait3A_165, %dma_wait3A_166] : memref<10240x128xf32, #tpu.memory_space<vmem_shared>> -> memref<10240x128xf32, #tpu.memory_space<vmem_shared>>
      tpu.wait_indirect_dma semaphore(%arg17 : memref<!tpu.dma_semaphore, #tpu.memory_space<semaphore_mem>>) src(%arg12 : memref<125x128xf32, #tpu.memory_space<vmem>>) dst(%dma_wait3A_167 : memref<10240x128xf32, #tpu.memory_space<vmem_shared>>)
      %lt3A = arith.constant 19 : i32
      %lt3A_168 = arith.cmpi slt, %scan3A_116, %lt3A : i32
      %convert_element_type3A_169 = arith.extui %lt3A_168 : i1 to i32
      %cond3A_170 = arith.constant 0 : i32
      %cond3A_171 = arith.cmpi ne, %convert_element_type3A_169, %cond3A_170 : i32
      scf.if %cond3A_171 {
        %add3A_234 = arith.constant 1 : i32
        %add3A_235 = arith.addi %add3A_146, %add3A_234 : i32
        %dma_start3A_236 = arith.constant 0 : i32
        %dma_start3A_237 = tpu.memref_slice %arg10[%add3A_235, %dma_start3A_236] : memref<40x125xi32, #tpu.memory_space<vmem>> -> memref<1x125xi32, #tpu.memory_space<vmem>>
        %dma_start3A_238 = tpu.memref_squeeze %dma_start3A_237 : memref<1x125xi32, #tpu.memory_space<vmem>> -> memref<125xi32, #tpu.memory_space<vmem>>
        %dma_start3A_239 = arith.constant 0 : i32
        %dma_start3A_240 = arith.constant 0 : i32
        %dma_start3A_241 = tpu.memref_slice %arg3[%dma_start3A_239, %dma_start3A_240] : memref<10000x128xf32, #tpu.memory_space<hbm>> -> memref<10000x128xf32, #tpu.memory_space<hbm>>
        tpu.enqueue_indirect_dma source(%dma_start3A_241 : memref<10000x128xf32, #tpu.memory_space<hbm>>) target(%arg12 : memref<125x128xf32, #tpu.memory_space<vmem>>) offsets(%dma_start3A_238 : memref<125xi32, #tpu.memory_space<vmem>>) semaphore(%arg15 : memref<!tpu.dma_semaphore, #tpu.memory_space<semaphore_mem>>)
      } else {
      }
      %scan3A_172 = arith.constant 1 : i32
      %scan3A_173 = arith.addi %scan3A_116, %scan3A_172 : i32
      %mul3A_174 = arith.constant 2 : i32
      %mul3A_175 = arith.muli %mul3A_174, %scan3A_173 : i32
      %add3A_176 = arith.constant 0 : i32
      %add3A_177 = arith.addi %mul3A_175, %add3A_176 : i32
      %dma_wait3A_178 = arith.constant 0 : i32
      %dma_wait3A_179 = tpu.memref_slice %arg10[%add3A_177, %dma_wait3A_178] : memref<40x125xi32, #tpu.memory_space<vmem>> -> memref<1x125xi32, #tpu.memory_space<vmem>>
      %dma_wait3A_180 = tpu.memref_squeeze %dma_wait3A_179 : memref<1x125xi32, #tpu.memory_space<vmem>> -> memref<125xi32, #tpu.memory_space<vmem>>
      %dma_wait3A_181 = arith.constant 0 : i32
      %dma_wait3A_182 = arith.constant 0 : i32
      %dma_wait3A_183 = tpu.memref_slice %arg3[%dma_wait3A_181, %dma_wait3A_182] : memref<10000x128xf32, #tpu.memory_space<hbm>> -> memref<10000x128xf32, #tpu.memory_space<hbm>>
      tpu.wait_indirect_dma semaphore(%arg15 : memref<!tpu.dma_semaphore, #tpu.memory_space<semaphore_mem>>) src(%dma_wait3A_183 : memref<10000x128xf32, #tpu.memory_space<hbm>>) dst(%arg12 : memref<125x128xf32, #tpu.memory_space<vmem>>)
      %dma_start3A_184 = arith.constant 0 : i32
      %dma_start3A_185 = tpu.memref_slice %arg11[%add3A_177, %dma_start3A_184] : memref<40x125xi32, #tpu.memory_space<vmem>> -> memref<1x125xi32, #tpu.memory_space<vmem>>
      %dma_start3A_186 = tpu.memref_squeeze %dma_start3A_185 : memref<1x125xi32, #tpu.memory_space<vmem>> -> memref<125xi32, #tpu.memory_space<vmem>>
      %dma_start3A_187 = arith.constant 0 : i32
      %dma_start3A_188 = arith.constant 0 : i32
      %dma_start3A_189 = tpu.memref_slice %arg14[%dma_start3A_187, %dma_start3A_188] : memref<10240x128xf32, #tpu.memory_space<vmem_shared>> -> memref<10240x128xf32, #tpu.memory_space<vmem_shared>>
      tpu.enqueue_indirect_dma source(%arg12 : memref<125x128xf32, #tpu.memory_space<vmem>>) target(%dma_start3A_189 : memref<10240x128xf32, #tpu.memory_space<vmem_shared>>) offsets(%dma_start3A_186 : memref<125xi32, #tpu.memory_space<vmem>>) semaphore(%arg17 : memref<!tpu.dma_semaphore, #tpu.memory_space<semaphore_mem>>) {add = true}
      %gt3A_190 = arith.constant 0 : i32
      %gt3A_191 = arith.cmpi sgt, %scan3A_173, %gt3A_190 : i32
      %convert_element_type3A_192 = arith.extui %gt3A_191 : i1 to i32
      %cond3A_193 = arith.constant 0 : i32
      %cond3A_194 = arith.cmpi ne, %convert_element_type3A_192, %cond3A_193 : i32
      scf.if %cond3A_194 {
        %add3A_234 = arith.constant 1 : i32
        %add3A_235 = arith.addi %add3A_177, %add3A_234 : i32
        %sub3A_236 = arith.constant 2 : i32
        %sub3A_237 = arith.subi %add3A_235, %sub3A_236 : i32
        %dma_wait3A_238 = arith.constant 0 : i32
        %dma_wait3A_239 = tpu.memref_slice %arg11[%sub3A_237, %dma_wait3A_238] : memref<40x125xi32, #tpu.memory_space<vmem>> -> memref<1x125xi32, #tpu.memory_space<vmem>>
        %dma_wait3A_240 = tpu.memref_squeeze %dma_wait3A_239 : memref<1x125xi32, #tpu.memory_space<vmem>> -> memref<125xi32, #tpu.memory_space<vmem>>
        %dma_wait3A_241 = arith.constant 0 : i32
        %dma_wait3A_242 = arith.constant 0 : i32
        %dma_wait3A_243 = tpu.memref_slice %arg14[%dma_wait3A_241, %dma_wait3A_242] : memref<10240x128xf32, #tpu.memory_space<vmem_shared>> -> memref<10240x128xf32, #tpu.memory_space<vmem_shared>>
        tpu.wait_indirect_dma semaphore(%arg18 : memref<!tpu.dma_semaphore, #tpu.memory_space<semaphore_mem>>) src(%arg13 : memref<125x128xf32, #tpu.memory_space<vmem>>) dst(%dma_wait3A_243 : memref<10240x128xf32, #tpu.memory_space<vmem_shared>>)
      } else {
      }
      %add3A_195 = arith.constant 1 : i32
      %add3A_196 = arith.addi %add3A_177, %add3A_195 : i32
      %dma_start3A_197 = arith.constant 0 : i32
      %dma_start3A_198 = tpu.memref_slice %arg10[%add3A_196, %dma_start3A_197] : memref<40x125xi32, #tpu.memory_space<vmem>> -> memref<1x125xi32, #tpu.memory_space<vmem>>
      %dma_start3A_199 = tpu.memref_squeeze %dma_start3A_198 : memref<1x125xi32, #tpu.memory_space<vmem>> -> memref<125xi32, #tpu.memory_space<vmem>>
      %dma_start3A_200 = arith.constant 0 : i32
      %dma_start3A_201 = arith.constant 0 : i32
      %dma_start3A_202 = tpu.memref_slice %arg3[%dma_start3A_200, %dma_start3A_201] : memref<10000x128xf32, #tpu.memory_space<hbm>> -> memref<10000x128xf32, #tpu.memory_space<hbm>>
      tpu.enqueue_indirect_dma source(%dma_start3A_202 : memref<10000x128xf32, #tpu.memory_space<hbm>>) target(%arg13 : memref<125x128xf32, #tpu.memory_space<vmem>>) offsets(%dma_start3A_199 : memref<125xi32, #tpu.memory_space<vmem>>) semaphore(%arg16 : memref<!tpu.dma_semaphore, #tpu.memory_space<semaphore_mem>>)
      %mul3A_203 = arith.constant 2 : i32
      %mul3A_204 = arith.muli %mul3A_203, %scan3A_173 : i32
      %add3A_205 = arith.constant 1 : i32
      %add3A_206 = arith.addi %mul3A_204, %add3A_205 : i32
      %dma_wait3A_207 = arith.constant 0 : i32
      %dma_wait3A_208 = tpu.memref_slice %arg10[%add3A_206, %dma_wait3A_207] : memref<40x125xi32, #tpu.memory_space<vmem>> -> memref<1x125xi32, #tpu.memory_space<vmem>>
      %dma_wait3A_209 = tpu.memref_squeeze %dma_wait3A_208 : memref<1x125xi32, #tpu.memory_space<vmem>> -> memref<125xi32, #tpu.memory_space<vmem>>
      %dma_wait3A_210 = arith.constant 0 : i32
      %dma_wait3A_211 = arith.constant 0 : i32
      %dma_wait3A_212 = tpu.memref_slice %arg3[%dma_wait3A_210, %dma_wait3A_211] : memref<10000x128xf32, #tpu.memory_space<hbm>> -> memref<10000x128xf32, #tpu.memory_space<hbm>>
      tpu.wait_indirect_dma semaphore(%arg16 : memref<!tpu.dma_semaphore, #tpu.memory_space<semaphore_mem>>) src(%dma_wait3A_212 : memref<10000x128xf32, #tpu.memory_space<hbm>>) dst(%arg13 : memref<125x128xf32, #tpu.memory_space<vmem>>)
      %dma_start3A_213 = arith.constant 0 : i32
      %dma_start3A_214 = tpu.memref_slice %arg11[%add3A_206, %dma_start3A_213] : memref<40x125xi32, #tpu.memory_space<vmem>> -> memref<1x125xi32, #tpu.memory_space<vmem>>
      %dma_start3A_215 = tpu.memref_squeeze %dma_start3A_214 : memref<1x125xi32, #tpu.memory_space<vmem>> -> memref<125xi32, #tpu.memory_space<vmem>>
      %dma_start3A_216 = arith.constant 0 : i32
      %dma_start3A_217 = arith.constant 0 : i32
      %dma_start3A_218 = tpu.memref_slice %arg14[%dma_start3A_216, %dma_start3A_217] : memref<10240x128xf32, #tpu.memory_space<vmem_shared>> -> memref<10240x128xf32, #tpu.memory_space<vmem_shared>>
      tpu.enqueue_indirect_dma source(%arg13 : memref<125x128xf32, #tpu.memory_space<vmem>>) target(%dma_start3A_218 : memref<10240x128xf32, #tpu.memory_space<vmem_shared>>) offsets(%dma_start3A_215 : memref<125xi32, #tpu.memory_space<vmem>>) semaphore(%arg18 : memref<!tpu.dma_semaphore, #tpu.memory_space<semaphore_mem>>) {add = true}
      %add3A_219 = arith.constant 1 : i32
      %add3A_220 = arith.addi %add3A_206, %add3A_219 : i32
      %sub3A_221 = arith.constant 2 : i32
      %sub3A_222 = arith.subi %add3A_220, %sub3A_221 : i32
      %dma_wait3A_223 = arith.constant 0 : i32
      %dma_wait3A_224 = tpu.memref_slice %arg11[%sub3A_222, %dma_wait3A_223] : memref<40x125xi32, #tpu.memory_space<vmem>> -> memref<1x125xi32, #tpu.memory_space<vmem>>
      %dma_wait3A_225 = tpu.memref_squeeze %dma_wait3A_224 : memref<1x125xi32, #tpu.memory_space<vmem>> -> memref<125xi32, #tpu.memory_space<vmem>>
      %dma_wait3A_226 = arith.constant 0 : i32
      %dma_wait3A_227 = arith.constant 0 : i32
      %dma_wait3A_228 = tpu.memref_slice %arg14[%dma_wait3A_226, %dma_wait3A_227] : memref<10240x128xf32, #tpu.memory_space<vmem_shared>> -> memref<10240x128xf32, #tpu.memory_space<vmem_shared>>
      tpu.wait_indirect_dma semaphore(%arg17 : memref<!tpu.dma_semaphore, #tpu.memory_space<semaphore_mem>>) src(%arg12 : memref<125x128xf32, #tpu.memory_space<vmem>>) dst(%dma_wait3A_228 : memref<10240x128xf32, #tpu.memory_space<vmem_shared>>)
      %lt3A_229 = arith.constant 19 : i32
      %lt3A_230 = arith.cmpi slt, %scan3A_173, %lt3A_229 : i32
      %convert_element_type3A_231 = arith.extui %lt3A_230 : i1 to i32
      %cond3A_232 = arith.constant 0 : i32
      %cond3A_233 = arith.cmpi ne, %convert_element_type3A_231, %cond3A_232 : i32
      scf.if %cond3A_233 {
        %add3A_234 = arith.constant 1 : i32
        %add3A_235 = arith.addi %add3A_206, %add3A_234 : i32
        %dma_start3A_236 = arith.constant 0 : i32
        %dma_start3A_237 = tpu.memref_slice %arg10[%add3A_235, %dma_start3A_236] : memref<40x125xi32, #tpu.memory_space<vmem>> -> memref<1x125xi32, #tpu.memory_space<vmem>>
        %dma_start3A_238 = tpu.memref_squeeze %dma_start3A_237 : memref<1x125xi32, #tpu.memory_space<vmem>> -> memref<125xi32, #tpu.memory_space<vmem>>
        %dma_start3A_239 = arith.constant 0 : i32
        %dma_start3A_240 = arith.constant 0 : i32
        %dma_start3A_241 = tpu.memref_slice %arg3[%dma_start3A_239, %dma_start3A_240] : memref<10000x128xf32, #tpu.memory_space<hbm>> -> memref<10000x128xf32, #tpu.memory_space<hbm>>
        tpu.enqueue_indirect_dma source(%dma_start3A_241 : memref<10000x128xf32, #tpu.memory_space<hbm>>) target(%arg12 : memref<125x128xf32, #tpu.memory_space<vmem>>) offsets(%dma_start3A_238 : memref<125xi32, #tpu.memory_space<vmem>>) semaphore(%arg15 : memref<!tpu.dma_semaphore, #tpu.memory_space<semaphore_mem>>)
      } else {
      }
    }
    %scan3A_41 = arith.constant 20 : i32
    %dma_wait3A_42 = arith.constant 39 : i32
    %dma_wait3A_43 = arith.constant 0 : i32
    %dma_wait3A_44 = tpu.memref_slice %arg11[%dma_wait3A_42, %dma_wait3A_43] : memref<40x125xi32, #tpu.memory_space<vmem>> -> memref<1x125xi32, #tpu.memory_space<vmem>>
    %dma_wait3A_45 = tpu.memref_squeeze %dma_wait3A_44 : memref<1x125xi32, #tpu.memory_space<vmem>> -> memref<125xi32, #tpu.memory_space<vmem>>
    %dma_wait3A_46 = arith.constant 0 : i32
    %dma_wait3A_47 = arith.constant 0 : i32
    %dma_wait3A_48 = tpu.memref_slice %arg14[%dma_wait3A_46, %dma_wait3A_47] : memref<10240x128xf32, #tpu.memory_space<vmem_shared>> -> memref<10240x128xf32, #tpu.memory_space<vmem_shared>>
    tpu.wait_indirect_dma semaphore(%arg18 : memref<!tpu.dma_semaphore, #tpu.memory_space<semaphore_mem>>) src(%arg13 : memref<125x128xf32, #tpu.memory_space<vmem>>) dst(%dma_wait3A_48 : memref<10240x128xf32, #tpu.memory_space<vmem_shared>>)
    %barrier3A_49 = arith.constant 0 : index
    tpu.barrier barrier_id(%barrier3A_49)
    %mul3A_50 = arith.constant 640 : i32
    %mul3A_51 = arith.muli %arg1, %mul3A_50 : i32
    %mul3A_52 = arith.constant 640 : i32
    %mul3A_53 = arith.muli %arg1, %mul3A_52 : i32
    %run_scoped3A_54 = arith.constant 1 : i32
    "tpu.region"() ({
      %run_scoped3A_116 = tpu.sem_alloc : memref<!tpu.dma_semaphore, #tpu.memory_space<semaphore_mem>>
      %dma_start3A_117 = arith.constant 0 : i32
      %dma_start3A_118 = tpu.memref_slice %arg9[%arg0, %run_scoped3A_54, %mul3A_53, %dma_start3A_117] : memref<2x4x10240x128xf32, #tpu.memory_space<hbm>> -> memref<1x1x640x128xf32, #tpu.memory_space<hbm>>
      %dma_start3A_119 = tpu.memref_squeeze %dma_start3A_118 : memref<1x1x640x128xf32, #tpu.memory_space<hbm>> -> memref<640x128xf32, #tpu.memory_space<hbm>>
      %dma_start3A_120 = arith.constant 0 : i32
      %dma_start3A_121 = tpu.memref_slice %arg14[%mul3A_51, %dma_start3A_120] : memref<10240x128xf32, #tpu.memory_space<vmem_shared>> -> memref<640x128xf32, #tpu.memory_space<vmem_shared>>
      tpu.enqueue_dma source(%dma_start3A_121 : memref<640x128xf32, #tpu.memory_space<vmem_shared>>) target(%dma_start3A_119 : memref<640x128xf32, #tpu.memory_space<hbm>>) target_semaphore(%run_scoped3A_116 : memref<!tpu.dma_semaphore, #tpu.memory_space<semaphore_mem>>)
      %dma_wait3A_122 = arith.constant 0 : i32
      %dma_wait3A_123 = tpu.memref_slice %arg9[%arg0, %run_scoped3A_54, %mul3A_53, %dma_wait3A_122] : memref<2x4x10240x128xf32, #tpu.memory_space<hbm>> -> memref<1x1x640x128xf32, #tpu.memory_space<hbm>>
      %dma_wait3A_124 = tpu.memref_squeeze %dma_wait3A_123 : memref<1x1x640x128xf32, #tpu.memory_space<hbm>> -> memref<640x128xf32, #tpu.memory_space<hbm>>
      %dma_wait3A_125 = arith.constant 0 : i32
      %dma_wait3A_126 = tpu.memref_slice %arg14[%mul3A_51, %dma_wait3A_125] : memref<10240x128xf32, #tpu.memory_space<vmem_shared>> -> memref<640x128xf32, #tpu.memory_space<vmem_shared>>
      tpu.wait_dma2 semaphore(%run_scoped3A_116 : memref<!tpu.dma_semaphore, #tpu.memory_space<semaphore_mem>>) src(%dma_wait3A_126 : memref<640x128xf32, #tpu.memory_space<vmem_shared>>) dst(%dma_wait3A_124 : memref<640x128xf32, #tpu.memory_space<hbm>>)
      tpu.yield
    }) : () -> ()
    %barrier3A_55 = arith.constant 0 : index
    tpu.barrier barrier_id(%barrier3A_55)
    %mul3A_56 = arith.constant 640 : i32
    %mul3A_57 = arith.muli %arg1, %mul3A_56 : i32
    "tpu.region"() ({
      %run_scoped3A_116 = tpu.sem_alloc : memref<!tpu.dma_semaphore, #tpu.memory_space<semaphore_mem>>
      %dma_start3A_117 = arith.constant 0 : i32
      %dma_start3A_118 = tpu.memref_slice %arg14[%mul3A_57, %dma_start3A_117] : memref<10240x128xf32, #tpu.memory_space<vmem_shared>> -> memref<640x128xf32, #tpu.memory_space<vmem_shared>>
      tpu.enqueue_dma source(%arg8 : memref<640x128xf32, #tpu.memory_space<hbm>>) target(%dma_start3A_118 : memref<640x128xf32, #tpu.memory_space<vmem_shared>>) target_semaphore(%run_scoped3A_116 : memref<!tpu.dma_semaphore, #tpu.memory_space<semaphore_mem>>)
      %dma_wait3A_119 = arith.constant 0 : i32
      %dma_wait3A_120 = tpu.memref_slice %arg14[%mul3A_57, %dma_wait3A_119] : memref<10240x128xf32, #tpu.memory_space<vmem_shared>> -> memref<640x128xf32, #tpu.memory_space<vmem_shared>>
      tpu.wait_dma2 semaphore(%run_scoped3A_116 : memref<!tpu.dma_semaphore, #tpu.memory_space<semaphore_mem>>) src(%arg8 : memref<640x128xf32, #tpu.memory_space<hbm>>) dst(%dma_wait3A_120 : memref<640x128xf32, #tpu.memory_space<vmem_shared>>)
      tpu.yield
    }) : () -> ()
    %barrier3A_58 = arith.constant 0 : index
    tpu.barrier barrier_id(%barrier3A_58)
    %dma_start3A_59 = arith.constant 0 : i32
    %dma_start3A_60 = arith.constant 0 : i32
    %dma_start3A_61 = tpu.memref_slice %arg10[%dma_start3A_59, %dma_start3A_60] : memref<40x125xi32, #tpu.memory_space<vmem>> -> memref<1x125xi32, #tpu.memory_space<vmem>>
    %dma_start3A_62 = tpu.memref_squeeze %dma_start3A_61 : memref<1x125xi32, #tpu.memory_space<vmem>> -> memref<125xi32, #tpu.memory_space<vmem>>
    %dma_start3A_63 = arith.constant 0 : i32
    %dma_start3A_64 = arith.constant 0 : i32
    %dma_start3A_65 = tpu.memref_slice %arg4[%dma_start3A_63, %dma_start3A_64] : memref<10000x128xf32, #tpu.memory_space<hbm>> -> memref<10000x128xf32, #tpu.memory_space<hbm>>
    tpu.enqueue_indirect_dma source(%dma_start3A_65 : memref<10000x128xf32, #tpu.memory_space<hbm>>) target(%arg12 : memref<125x128xf32, #tpu.memory_space<vmem>>) offsets(%dma_start3A_62 : memref<125xi32, #tpu.memory_space<vmem>>) semaphore(%arg15 : memref<!tpu.dma_semaphore, #tpu.memory_space<semaphore_mem>>)
    %scan3A_66 = arith.constant 0 : i32
    %scan3A_67 = arith.constant 0 : i32
    %scan3A_68 = arith.constant 20 : i32
    %scan3A_69 = arith.addi %scan3A_67, %scan3A_68 : i32
    %scan3A_70 = arith.constant 2 : i32
    scf.for %scan3A_116 = %scan3A_67 to %scan3A_69 step %scan3A_70  : i32 {
      %mul3A_117 = arith.constant 2 : i32
      %mul3A_118 = arith.muli %mul3A_117, %scan3A_116 : i32
      %add3A_119 = arith.constant 0 : i32
      %add3A_120 = arith.addi %mul3A_118, %add3A_119 : i32
      %dma_wait3A_121 = arith.constant 0 : i32
      %dma_wait3A_122 = tpu.memref_slice %arg10[%add3A_120, %dma_wait3A_121] : memref<40x125xi32, #tpu.memory_space<vmem>> -> memref<1x125xi32, #tpu.memory_space<vmem>>
      %dma_wait3A_123 = tpu.memref_squeeze %dma_wait3A_122 : memref<1x125xi32, #tpu.memory_space<vmem>> -> memref<125xi32, #tpu.memory_space<vmem>>
      %dma_wait3A_124 = arith.constant 0 : i32
      %dma_wait3A_125 = arith.constant 0 : i32
      %dma_wait3A_126 = tpu.memref_slice %arg4[%dma_wait3A_124, %dma_wait3A_125] : memref<10000x128xf32, #tpu.memory_space<hbm>> -> memref<10000x128xf32, #tpu.memory_space<hbm>>
      tpu.wait_indirect_dma semaphore(%arg15 : memref<!tpu.dma_semaphore, #tpu.memory_space<semaphore_mem>>) src(%dma_wait3A_126 : memref<10000x128xf32, #tpu.memory_space<hbm>>) dst(%arg12 : memref<125x128xf32, #tpu.memory_space<vmem>>)
      %dma_start3A_127 = arith.constant 0 : i32
      %dma_start3A_128 = tpu.memref_slice %arg11[%add3A_120, %dma_start3A_127] : memref<40x125xi32, #tpu.memory_space<vmem>> -> memref<1x125xi32, #tpu.memory_space<vmem>>
      %dma_start3A_129 = tpu.memref_squeeze %dma_start3A_128 : memref<1x125xi32, #tpu.memory_space<vmem>> -> memref<125xi32, #tpu.memory_space<vmem>>
      %dma_start3A_130 = arith.constant 0 : i32
      %dma_start3A_131 = arith.constant 0 : i32
      %dma_start3A_132 = tpu.memref_slice %arg14[%dma_start3A_130, %dma_start3A_131] : memref<10240x128xf32, #tpu.memory_space<vmem_shared>> -> memref<10240x128xf32, #tpu.memory_space<vmem_shared>>
      tpu.enqueue_indirect_dma source(%arg12 : memref<125x128xf32, #tpu.memory_space<vmem>>) target(%dma_start3A_132 : memref<10240x128xf32, #tpu.memory_space<vmem_shared>>) offsets(%dma_start3A_129 : memref<125xi32, #tpu.memory_space<vmem>>) semaphore(%arg17 : memref<!tpu.dma_semaphore, #tpu.memory_space<semaphore_mem>>) {add = true}
      %gt3A = arith.constant 0 : i32
      %gt3A_133 = arith.cmpi sgt, %scan3A_116, %gt3A : i32
      %convert_element_type3A = arith.extui %gt3A_133 : i1 to i32
      %cond3A = arith.constant 0 : i32
      %cond3A_134 = arith.cmpi ne, %convert_element_type3A, %cond3A : i32
      scf.if %cond3A_134 {
        %add3A_234 = arith.constant 1 : i32
        %add3A_235 = arith.addi %add3A_120, %add3A_234 : i32
        %sub3A_236 = arith.constant 2 : i32
        %sub3A_237 = arith.subi %add3A_235, %sub3A_236 : i32
        %dma_wait3A_238 = arith.constant 0 : i32
        %dma_wait3A_239 = tpu.memref_slice %arg11[%sub3A_237, %dma_wait3A_238] : memref<40x125xi32, #tpu.memory_space<vmem>> -> memref<1x125xi32, #tpu.memory_space<vmem>>
        %dma_wait3A_240 = tpu.memref_squeeze %dma_wait3A_239 : memref<1x125xi32, #tpu.memory_space<vmem>> -> memref<125xi32, #tpu.memory_space<vmem>>
        %dma_wait3A_241 = arith.constant 0 : i32
        %dma_wait3A_242 = arith.constant 0 : i32
        %dma_wait3A_243 = tpu.memref_slice %arg14[%dma_wait3A_241, %dma_wait3A_242] : memref<10240x128xf32, #tpu.memory_space<vmem_shared>> -> memref<10240x128xf32, #tpu.memory_space<vmem_shared>>
        tpu.wait_indirect_dma semaphore(%arg18 : memref<!tpu.dma_semaphore, #tpu.memory_space<semaphore_mem>>) src(%arg13 : memref<125x128xf32, #tpu.memory_space<vmem>>) dst(%dma_wait3A_243 : memref<10240x128xf32, #tpu.memory_space<vmem_shared>>)
      } else {
      }
      %add3A_135 = arith.constant 1 : i32
      %add3A_136 = arith.addi %add3A_120, %add3A_135 : i32
      %dma_start3A_137 = arith.constant 0 : i32
      %dma_start3A_138 = tpu.memref_slice %arg10[%add3A_136, %dma_start3A_137] : memref<40x125xi32, #tpu.memory_space<vmem>> -> memref<1x125xi32, #tpu.memory_space<vmem>>
      %dma_start3A_139 = tpu.memref_squeeze %dma_start3A_138 : memref<1x125xi32, #tpu.memory_space<vmem>> -> memref<125xi32, #tpu.memory_space<vmem>>
      %dma_start3A_140 = arith.constant 0 : i32
      %dma_start3A_141 = arith.constant 0 : i32
      %dma_start3A_142 = tpu.memref_slice %arg4[%dma_start3A_140, %dma_start3A_141] : memref<10000x128xf32, #tpu.memory_space<hbm>> -> memref<10000x128xf32, #tpu.memory_space<hbm>>
      tpu.enqueue_indirect_dma source(%dma_start3A_142 : memref<10000x128xf32, #tpu.memory_space<hbm>>) target(%arg13 : memref<125x128xf32, #tpu.memory_space<vmem>>) offsets(%dma_start3A_139 : memref<125xi32, #tpu.memory_space<vmem>>) semaphore(%arg16 : memref<!tpu.dma_semaphore, #tpu.memory_space<semaphore_mem>>)
      %mul3A_143 = arith.constant 2 : i32
      %mul3A_144 = arith.muli %mul3A_143, %scan3A_116 : i32
      %add3A_145 = arith.constant 1 : i32
      %add3A_146 = arith.addi %mul3A_144, %add3A_145 : i32
      %dma_wait3A_147 = arith.constant 0 : i32
      %dma_wait3A_148 = tpu.memref_slice %arg10[%add3A_146, %dma_wait3A_147] : memref<40x125xi32, #tpu.memory_space<vmem>> -> memref<1x125xi32, #tpu.memory_space<vmem>>
      %dma_wait3A_149 = tpu.memref_squeeze %dma_wait3A_148 : memref<1x125xi32, #tpu.memory_space<vmem>> -> memref<125xi32, #tpu.memory_space<vmem>>
      %dma_wait3A_150 = arith.constant 0 : i32
      %dma_wait3A_151 = arith.constant 0 : i32
      %dma_wait3A_152 = tpu.memref_slice %arg4[%dma_wait3A_150, %dma_wait3A_151] : memref<10000x128xf32, #tpu.memory_space<hbm>> -> memref<10000x128xf32, #tpu.memory_space<hbm>>
      tpu.wait_indirect_dma semaphore(%arg16 : memref<!tpu.dma_semaphore, #tpu.memory_space<semaphore_mem>>) src(%dma_wait3A_152 : memref<10000x128xf32, #tpu.memory_space<hbm>>) dst(%arg13 : memref<125x128xf32, #tpu.memory_space<vmem>>)
      %dma_start3A_153 = arith.constant 0 : i32
      %dma_start3A_154 = tpu.memref_slice %arg11[%add3A_146, %dma_start3A_153] : memref<40x125xi32, #tpu.memory_space<vmem>> -> memref<1x125xi32, #tpu.memory_space<vmem>>
      %dma_start3A_155 = tpu.memref_squeeze %dma_start3A_154 : memref<1x125xi32, #tpu.memory_space<vmem>> -> memref<125xi32, #tpu.memory_space<vmem>>
      %dma_start3A_156 = arith.constant 0 : i32
      %dma_start3A_157 = arith.constant 0 : i32
      %dma_start3A_158 = tpu.memref_slice %arg14[%dma_start3A_156, %dma_start3A_157] : memref<10240x128xf32, #tpu.memory_space<vmem_shared>> -> memref<10240x128xf32, #tpu.memory_space<vmem_shared>>
      tpu.enqueue_indirect_dma source(%arg13 : memref<125x128xf32, #tpu.memory_space<vmem>>) target(%dma_start3A_158 : memref<10240x128xf32, #tpu.memory_space<vmem_shared>>) offsets(%dma_start3A_155 : memref<125xi32, #tpu.memory_space<vmem>>) semaphore(%arg18 : memref<!tpu.dma_semaphore, #tpu.memory_space<semaphore_mem>>) {add = true}
      %add3A_159 = arith.constant 1 : i32
      %add3A_160 = arith.addi %add3A_146, %add3A_159 : i32
      %sub3A = arith.constant 2 : i32
      %sub3A_161 = arith.subi %add3A_160, %sub3A : i32
      %dma_wait3A_162 = arith.constant 0 : i32
      %dma_wait3A_163 = tpu.memref_slice %arg11[%sub3A_161, %dma_wait3A_162] : memref<40x125xi32, #tpu.memory_space<vmem>> -> memref<1x125xi32, #tpu.memory_space<vmem>>
      %dma_wait3A_164 = tpu.memref_squeeze %dma_wait3A_163 : memref<1x125xi32, #tpu.memory_space<vmem>> -> memref<125xi32, #tpu.memory_space<vmem>>
      %dma_wait3A_165 = arith.constant 0 : i32
      %dma_wait3A_166 = arith.constant 0 : i32
      %dma_wait3A_167 = tpu.memref_slice %arg14[%dma_wait3A_165, %dma_wait3A_166] : memref<10240x128xf32, #tpu.memory_space<vmem_shared>> -> memref<10240x128xf32, #tpu.memory_space<vmem_shared>>
      tpu.wait_indirect_dma semaphore(%arg17 : memref<!tpu.dma_semaphore, #tpu.memory_space<semaphore_mem>>) src(%arg12 : memref<125x128xf32, #tpu.memory_space<vmem>>) dst(%dma_wait3A_167 : memref<10240x128xf32, #tpu.memory_space<vmem_shared>>)
      %lt3A = arith.constant 19 : i32
      %lt3A_168 = arith.cmpi slt, %scan3A_116, %lt3A : i32
      %convert_element_type3A_169 = arith.extui %lt3A_168 : i1 to i32
      %cond3A_170 = arith.constant 0 : i32
      %cond3A_171 = arith.cmpi ne, %convert_element_type3A_169, %cond3A_170 : i32
      scf.if %cond3A_171 {
        %add3A_234 = arith.constant 1 : i32
        %add3A_235 = arith.addi %add3A_146, %add3A_234 : i32
        %dma_start3A_236 = arith.constant 0 : i32
        %dma_start3A_237 = tpu.memref_slice %arg10[%add3A_235, %dma_start3A_236] : memref<40x125xi32, #tpu.memory_space<vmem>> -> memref<1x125xi32, #tpu.memory_space<vmem>>
        %dma_start3A_238 = tpu.memref_squeeze %dma_start3A_237 : memref<1x125xi32, #tpu.memory_space<vmem>> -> memref<125xi32, #tpu.memory_space<vmem>>
        %dma_start3A_239 = arith.constant 0 : i32
        %dma_start3A_240 = arith.constant 0 : i32
        %dma_start3A_241 = tpu.memref_slice %arg4[%dma_start3A_239, %dma_start3A_240] : memref<10000x128xf32, #tpu.memory_space<hbm>> -> memref<10000x128xf32, #tpu.memory_space<hbm>>
        tpu.enqueue_indirect_dma source(%dma_start3A_241 : memref<10000x128xf32, #tpu.memory_space<hbm>>) target(%arg12 : memref<125x128xf32, #tpu.memory_space<vmem>>) offsets(%dma_start3A_238 : memref<125xi32, #tpu.memory_space<vmem>>) semaphore(%arg15 : memref<!tpu.dma_semaphore, #tpu.memory_space<semaphore_mem>>)
      } else {
      }
      %scan3A_172 = arith.constant 1 : i32
      %scan3A_173 = arith.addi %scan3A_116, %scan3A_172 : i32
      %mul3A_174 = arith.constant 2 : i32
      %mul3A_175 = arith.muli %mul3A_174, %scan3A_173 : i32
      %add3A_176 = arith.constant 0 : i32
      %add3A_177 = arith.addi %mul3A_175, %add3A_176 : i32
      %dma_wait3A_178 = arith.constant 0 : i32
      %dma_wait3A_179 = tpu.memref_slice %arg10[%add3A_177, %dma_wait3A_178] : memref<40x125xi32, #tpu.memory_space<vmem>> -> memref<1x125xi32, #tpu.memory_space<vmem>>
      %dma_wait3A_180 = tpu.memref_squeeze %dma_wait3A_179 : memref<1x125xi32, #tpu.memory_space<vmem>> -> memref<125xi32, #tpu.memory_space<vmem>>
      %dma_wait3A_181 = arith.constant 0 : i32
      %dma_wait3A_182 = arith.constant 0 : i32
      %dma_wait3A_183 = tpu.memref_slice %arg4[%dma_wait3A_181, %dma_wait3A_182] : memref<10000x128xf32, #tpu.memory_space<hbm>> -> memref<10000x128xf32, #tpu.memory_space<hbm>>
      tpu.wait_indirect_dma semaphore(%arg15 : memref<!tpu.dma_semaphore, #tpu.memory_space<semaphore_mem>>) src(%dma_wait3A_183 : memref<10000x128xf32, #tpu.memory_space<hbm>>) dst(%arg12 : memref<125x128xf32, #tpu.memory_space<vmem>>)
      %dma_start3A_184 = arith.constant 0 : i32
      %dma_start3A_185 = tpu.memref_slice %arg11[%add3A_177, %dma_start3A_184] : memref<40x125xi32, #tpu.memory_space<vmem>> -> memref<1x125xi32, #tpu.memory_space<vmem>>
      %dma_start3A_186 = tpu.memref_squeeze %dma_start3A_185 : memref<1x125xi32, #tpu.memory_space<vmem>> -> memref<125xi32, #tpu.memory_space<vmem>>
      %dma_start3A_187 = arith.constant 0 : i32
      %dma_start3A_188 = arith.constant 0 : i32
      %dma_start3A_189 = tpu.memref_slice %arg14[%dma_start3A_187, %dma_start3A_188] : memref<10240x128xf32, #tpu.memory_space<vmem_shared>> -> memref<10240x128xf32, #tpu.memory_space<vmem_shared>>
      tpu.enqueue_indirect_dma source(%arg12 : memref<125x128xf32, #tpu.memory_space<vmem>>) target(%dma_start3A_189 : memref<10240x128xf32, #tpu.memory_space<vmem_shared>>) offsets(%dma_start3A_186 : memref<125xi32, #tpu.memory_space<vmem>>) semaphore(%arg17 : memref<!tpu.dma_semaphore, #tpu.memory_space<semaphore_mem>>) {add = true}
      %gt3A_190 = arith.constant 0 : i32
      %gt3A_191 = arith.cmpi sgt, %scan3A_173, %gt3A_190 : i32
      %convert_element_type3A_192 = arith.extui %gt3A_191 : i1 to i32
      %cond3A_193 = arith.constant 0 : i32
      %cond3A_194 = arith.cmpi ne, %convert_element_type3A_192, %cond3A_193 : i32
      scf.if %cond3A_194 {
        %add3A_234 = arith.constant 1 : i32
        %add3A_235 = arith.addi %add3A_177, %add3A_234 : i32
        %sub3A_236 = arith.constant 2 : i32
        %sub3A_237 = arith.subi %add3A_235, %sub3A_236 : i32
        %dma_wait3A_238 = arith.constant 0 : i32
        %dma_wait3A_239 = tpu.memref_slice %arg11[%sub3A_237, %dma_wait3A_238] : memref<40x125xi32, #tpu.memory_space<vmem>> -> memref<1x125xi32, #tpu.memory_space<vmem>>
        %dma_wait3A_240 = tpu.memref_squeeze %dma_wait3A_239 : memref<1x125xi32, #tpu.memory_space<vmem>> -> memref<125xi32, #tpu.memory_space<vmem>>
        %dma_wait3A_241 = arith.constant 0 : i32
        %dma_wait3A_242 = arith.constant 0 : i32
        %dma_wait3A_243 = tpu.memref_slice %arg14[%dma_wait3A_241, %dma_wait3A_242] : memref<10240x128xf32, #tpu.memory_space<vmem_shared>> -> memref<10240x128xf32, #tpu.memory_space<vmem_shared>>
        tpu.wait_indirect_dma semaphore(%arg18 : memref<!tpu.dma_semaphore, #tpu.memory_space<semaphore_mem>>) src(%arg13 : memref<125x128xf32, #tpu.memory_space<vmem>>) dst(%dma_wait3A_243 : memref<10240x128xf32, #tpu.memory_space<vmem_shared>>)
      } else {
      }
      %add3A_195 = arith.constant 1 : i32
      %add3A_196 = arith.addi %add3A_177, %add3A_195 : i32
      %dma_start3A_197 = arith.constant 0 : i32
      %dma_start3A_198 = tpu.memref_slice %arg10[%add3A_196, %dma_start3A_197] : memref<40x125xi32, #tpu.memory_space<vmem>> -> memref<1x125xi32, #tpu.memory_space<vmem>>
      %dma_start3A_199 = tpu.memref_squeeze %dma_start3A_198 : memref<1x125xi32, #tpu.memory_space<vmem>> -> memref<125xi32, #tpu.memory_space<vmem>>
      %dma_start3A_200 = arith.constant 0 : i32
      %dma_start3A_201 = arith.constant 0 : i32
      %dma_start3A_202 = tpu.memref_slice %arg4[%dma_start3A_200, %dma_start3A_201] : memref<10000x128xf32, #tpu.memory_space<hbm>> -> memref<10000x128xf32, #tpu.memory_space<hbm>>
      tpu.enqueue_indirect_dma source(%dma_start3A_202 : memref<10000x128xf32, #tpu.memory_space<hbm>>) target(%arg13 : memref<125x128xf32, #tpu.memory_space<vmem>>) offsets(%dma_start3A_199 : memref<125xi32, #tpu.memory_space<vmem>>) semaphore(%arg16 : memref<!tpu.dma_semaphore, #tpu.memory_space<semaphore_mem>>)
      %mul3A_203 = arith.constant 2 : i32
      %mul3A_204 = arith.muli %mul3A_203, %scan3A_173 : i32
      %add3A_205 = arith.constant 1 : i32
      %add3A_206 = arith.addi %mul3A_204, %add3A_205 : i32
      %dma_wait3A_207 = arith.constant 0 : i32
      %dma_wait3A_208 = tpu.memref_slice %arg10[%add3A_206, %dma_wait3A_207] : memref<40x125xi32, #tpu.memory_space<vmem>> -> memref<1x125xi32, #tpu.memory_space<vmem>>
      %dma_wait3A_209 = tpu.memref_squeeze %dma_wait3A_208 : memref<1x125xi32, #tpu.memory_space<vmem>> -> memref<125xi32, #tpu.memory_space<vmem>>
      %dma_wait3A_210 = arith.constant 0 : i32
      %dma_wait3A_211 = arith.constant 0 : i32
      %dma_wait3A_212 = tpu.memref_slice %arg4[%dma_wait3A_210, %dma_wait3A_211] : memref<10000x128xf32, #tpu.memory_space<hbm>> -> memref<10000x128xf32, #tpu.memory_space<hbm>>
      tpu.wait_indirect_dma semaphore(%arg16 : memref<!tpu.dma_semaphore, #tpu.memory_space<semaphore_mem>>) src(%dma_wait3A_212 : memref<10000x128xf32, #tpu.memory_space<hbm>>) dst(%arg13 : memref<125x128xf32, #tpu.memory_space<vmem>>)
      %dma_start3A_213 = arith.constant 0 : i32
      %dma_start3A_214 = tpu.memref_slice %arg11[%add3A_206, %dma_start3A_213] : memref<40x125xi32, #tpu.memory_space<vmem>> -> memref<1x125xi32, #tpu.memory_space<vmem>>
      %dma_start3A_215 = tpu.memref_squeeze %dma_start3A_214 : memref<1x125xi32, #tpu.memory_space<vmem>> -> memref<125xi32, #tpu.memory_space<vmem>>
      %dma_start3A_216 = arith.constant 0 : i32
      %dma_start3A_217 = arith.constant 0 : i32
      %dma_start3A_218 = tpu.memref_slice %arg14[%dma_start3A_216, %dma_start3A_217] : memref<10240x128xf32, #tpu.memory_space<vmem_shared>> -> memref<10240x128xf32, #tpu.memory_space<vmem_shared>>
      tpu.enqueue_indirect_dma source(%arg13 : memref<125x128xf32, #tpu.memory_space<vmem>>) target(%dma_start3A_218 : memref<10240x128xf32, #tpu.memory_space<vmem_shared>>) offsets(%dma_start3A_215 : memref<125xi32, #tpu.memory_space<vmem>>) semaphore(%arg18 : memref<!tpu.dma_semaphore, #tpu.memory_space<semaphore_mem>>) {add = true}
      %add3A_219 = arith.constant 1 : i32
      %add3A_220 = arith.addi %add3A_206, %add3A_219 : i32
      %sub3A_221 = arith.constant 2 : i32
      %sub3A_222 = arith.subi %add3A_220, %sub3A_221 : i32
      %dma_wait3A_223 = arith.constant 0 : i32
      %dma_wait3A_224 = tpu.memref_slice %arg11[%sub3A_222, %dma_wait3A_223] : memref<40x125xi32, #tpu.memory_space<vmem>> -> memref<1x125xi32, #tpu.memory_space<vmem>>
      %dma_wait3A_225 = tpu.memref_squeeze %dma_wait3A_224 : memref<1x125xi32, #tpu.memory_space<vmem>> -> memref<125xi32, #tpu.memory_space<vmem>>
      %dma_wait3A_226 = arith.constant 0 : i32
      %dma_wait3A_227 = arith.constant 0 : i32
      %dma_wait3A_228 = tpu.memref_slice %arg14[%dma_wait3A_226, %dma_wait3A_227] : memref<10240x128xf32, #tpu.memory_space<vmem_shared>> -> memref<10240x128xf32, #tpu.memory_space<vmem_shared>>
      tpu.wait_indirect_dma semaphore(%arg17 : memref<!tpu.dma_semaphore, #tpu.memory_space<semaphore_mem>>) src(%arg12 : memref<125x128xf32, #tpu.memory_space<vmem>>) dst(%dma_wait3A_228 : memref<10240x128xf32, #tpu.memory_space<vmem_shared>>)
      %lt3A_229 = arith.constant 19 : i32
      %lt3A_230 = arith.cmpi slt, %scan3A_173, %lt3A_229 : i32
      %convert_element_type3A_231 = arith.extui %lt3A_230 : i1 to i32
      %cond3A_232 = arith.constant 0 : i32
      %cond3A_233 = arith.cmpi ne, %convert_element_type3A_231, %cond3A_232 : i32
      scf.if %cond3A_233 {
        %add3A_234 = arith.constant 1 : i32
        %add3A_235 = arith.addi %add3A_206, %add3A_234 : i32
        %dma_start3A_236 = arith.constant 0 : i32
        %dma_start3A_237 = tpu.memref_slice %arg10[%add3A_235, %dma_start3A_236] : memref<40x125xi32, #tpu.memory_space<vmem>> -> memref<1x125xi32, #tpu.memory_space<vmem>>
        %dma_start3A_238 = tpu.memref_squeeze %dma_start3A_237 : memref<1x125xi32, #tpu.memory_space<vmem>> -> memref<125xi32, #tpu.memory_space<vmem>>
        %dma_start3A_239 = arith.constant 0 : i32
        %dma_start3A_240 = arith.constant 0 : i32
        %dma_start3A_241 = tpu.memref_slice %arg4[%dma_start3A_239, %dma_start3A_240] : memref<10000x128xf32, #tpu.memory_space<hbm>> -> memref<10000x128xf32, #tpu.memory_space<hbm>>
        tpu.enqueue_indirect_dma source(%dma_start3A_241 : memref<10000x128xf32, #tpu.memory_space<hbm>>) target(%arg12 : memref<125x128xf32, #tpu.memory_space<vmem>>) offsets(%dma_start3A_238 : memref<125xi32, #tpu.memory_space<vmem>>) semaphore(%arg15 : memref<!tpu.dma_semaphore, #tpu.memory_space<semaphore_mem>>)
      } else {
      }
    }
    %scan3A_71 = arith.constant 20 : i32
    %dma_wait3A_72 = arith.constant 39 : i32
    %dma_wait3A_73 = arith.constant 0 : i32
    %dma_wait3A_74 = tpu.memref_slice %arg11[%dma_wait3A_72, %dma_wait3A_73] : memref<40x125xi32, #tpu.memory_space<vmem>> -> memref<1x125xi32, #tpu.memory_space<vmem>>
    %dma_wait3A_75 = tpu.memref_squeeze %dma_wait3A_74 : memref<1x125xi32, #tpu.memory_space<vmem>> -> memref<125xi32, #tpu.memory_space<vmem>>
    %dma_wait3A_76 = arith.constant 0 : i32
    %dma_wait3A_77 = arith.constant 0 : i32
    %dma_wait3A_78 = tpu.memref_slice %arg14[%dma_wait3A_76, %dma_wait3A_77] : memref<10240x128xf32, #tpu.memory_space<vmem_shared>> -> memref<10240x128xf32, #tpu.memory_space<vmem_shared>>
    tpu.wait_indirect_dma semaphore(%arg18 : memref<!tpu.dma_semaphore, #tpu.memory_space<semaphore_mem>>) src(%arg13 : memref<125x128xf32, #tpu.memory_space<vmem>>) dst(%dma_wait3A_78 : memref<10240x128xf32, #tpu.memory_space<vmem_shared>>)
    %barrier3A_79 = arith.constant 0 : index
    tpu.barrier barrier_id(%barrier3A_79)
    %mul3A_80 = arith.constant 640 : i32
    %mul3A_81 = arith.muli %arg1, %mul3A_80 : i32
    %mul3A_82 = arith.constant 640 : i32
    %mul3A_83 = arith.muli %arg1, %mul3A_82 : i32
    %run_scoped3A_84 = arith.constant 2 : i32
    "tpu.region"() ({
      %run_scoped3A_116 = tpu.sem_alloc : memref<!tpu.dma_semaphore, #tpu.memory_space<semaphore_mem>>
      %dma_start3A_117 = arith.constant 0 : i32
      %dma_start3A_118 = tpu.memref_slice %arg9[%arg0, %run_scoped3A_84, %mul3A_83, %dma_start3A_117] : memref<2x4x10240x128xf32, #tpu.memory_space<hbm>> -> memref<1x1x640x128xf32, #tpu.memory_space<hbm>>
      %dma_start3A_119 = tpu.memref_squeeze %dma_start3A_118 : memref<1x1x640x128xf32, #tpu.memory_space<hbm>> -> memref<640x128xf32, #tpu.memory_space<hbm>>
      %dma_start3A_120 = arith.constant 0 : i32
      %dma_start3A_121 = tpu.memref_slice %arg14[%mul3A_81, %dma_start3A_120] : memref<10240x128xf32, #tpu.memory_space<vmem_shared>> -> memref<640x128xf32, #tpu.memory_space<vmem_shared>>
      tpu.enqueue_dma source(%dma_start3A_121 : memref<640x128xf32, #tpu.memory_space<vmem_shared>>) target(%dma_start3A_119 : memref<640x128xf32, #tpu.memory_space<hbm>>) target_semaphore(%run_scoped3A_116 : memref<!tpu.dma_semaphore, #tpu.memory_space<semaphore_mem>>)
      %dma_wait3A_122 = arith.constant 0 : i32
      %dma_wait3A_123 = tpu.memref_slice %arg9[%arg0, %run_scoped3A_84, %mul3A_83, %dma_wait3A_122] : memref<2x4x10240x128xf32, #tpu.memory_space<hbm>> -> memref<1x1x640x128xf32, #tpu.memory_space<hbm>>
      %dma_wait3A_124 = tpu.memref_squeeze %dma_wait3A_123 : memref<1x1x640x128xf32, #tpu.memory_space<hbm>> -> memref<640x128xf32, #tpu.memory_space<hbm>>
      %dma_wait3A_125 = arith.constant 0 : i32
      %dma_wait3A_126 = tpu.memref_slice %arg14[%mul3A_81, %dma_wait3A_125] : memref<10240x128xf32, #tpu.memory_space<vmem_shared>> -> memref<640x128xf32, #tpu.memory_space<vmem_shared>>
      tpu.wait_dma2 semaphore(%run_scoped3A_116 : memref<!tpu.dma_semaphore, #tpu.memory_space<semaphore_mem>>) src(%dma_wait3A_126 : memref<640x128xf32, #tpu.memory_space<vmem_shared>>) dst(%dma_wait3A_124 : memref<640x128xf32, #tpu.memory_space<hbm>>)
      tpu.yield
    }) : () -> ()
    %barrier3A_85 = arith.constant 0 : index
    tpu.barrier barrier_id(%barrier3A_85)
    %mul3A_86 = arith.constant 640 : i32
    %mul3A_87 = arith.muli %arg1, %mul3A_86 : i32
    "tpu.region"() ({
      %run_scoped3A_116 = tpu.sem_alloc : memref<!tpu.dma_semaphore, #tpu.memory_space<semaphore_mem>>
      %dma_start3A_117 = arith.constant 0 : i32
      %dma_start3A_118 = tpu.memref_slice %arg14[%mul3A_87, %dma_start3A_117] : memref<10240x128xf32, #tpu.memory_space<vmem_shared>> -> memref<640x128xf32, #tpu.memory_space<vmem_shared>>
      tpu.enqueue_dma source(%arg8 : memref<640x128xf32, #tpu.memory_space<hbm>>) target(%dma_start3A_118 : memref<640x128xf32, #tpu.memory_space<vmem_shared>>) target_semaphore(%run_scoped3A_116 : memref<!tpu.dma_semaphore, #tpu.memory_space<semaphore_mem>>)
      %dma_wait3A_119 = arith.constant 0 : i32
      %dma_wait3A_120 = tpu.memref_slice %arg14[%mul3A_87, %dma_wait3A_119] : memref<10240x128xf32, #tpu.memory_space<vmem_shared>> -> memref<640x128xf32, #tpu.memory_space<vmem_shared>>
      tpu.wait_dma2 semaphore(%run_scoped3A_116 : memref<!tpu.dma_semaphore, #tpu.memory_space<semaphore_mem>>) src(%arg8 : memref<640x128xf32, #tpu.memory_space<hbm>>) dst(%dma_wait3A_120 : memref<640x128xf32, #tpu.memory_space<vmem_shared>>)
      tpu.yield
    }) : () -> ()
    %barrier3A_88 = arith.constant 0 : index
    tpu.barrier barrier_id(%barrier3A_88)
    %dma_start3A_89 = arith.constant 0 : i32
    %dma_start3A_90 = arith.constant 0 : i32
    %dma_start3A_91 = tpu.memref_slice %arg10[%dma_start3A_89, %dma_start3A_90] : memref<40x125xi32, #tpu.memory_space<vmem>> -> memref<1x125xi32, #tpu.memory_space<vmem>>
    %dma_start3A_92 = tpu.memref_squeeze %dma_start3A_91 : memref<1x125xi32, #tpu.memory_space<vmem>> -> memref<125xi32, #tpu.memory_space<vmem>>
    %dma_start3A_93 = arith.constant 0 : i32
    %dma_start3A_94 = arith.constant 0 : i32
    %dma_start3A_95 = tpu.memref_slice %arg5[%dma_start3A_93, %dma_start3A_94] : memref<10000x128xf32, #tpu.memory_space<hbm>> -> memref<10000x128xf32, #tpu.memory_space<hbm>>
    tpu.enqueue_indirect_dma source(%dma_start3A_95 : memref<10000x128xf32, #tpu.memory_space<hbm>>) target(%arg12 : memref<125x128xf32, #tpu.memory_space<vmem>>) offsets(%dma_start3A_92 : memref<125xi32, #tpu.memory_space<vmem>>) semaphore(%arg15 : memref<!tpu.dma_semaphore, #tpu.memory_space<semaphore_mem>>)
    %scan3A_96 = arith.constant 0 : i32
    %scan3A_97 = arith.constant 0 : i32
    %scan3A_98 = arith.constant 20 : i32
    %scan3A_99 = arith.addi %scan3A_97, %scan3A_98 : i32
    %scan3A_100 = arith.constant 2 : i32
    scf.for %scan3A_116 = %scan3A_97 to %scan3A_99 step %scan3A_100  : i32 {
      %mul3A_117 = arith.constant 2 : i32
      %mul3A_118 = arith.muli %mul3A_117, %scan3A_116 : i32
      %add3A_119 = arith.constant 0 : i32
      %add3A_120 = arith.addi %mul3A_118, %add3A_119 : i32
      %dma_wait3A_121 = arith.constant 0 : i32
      %dma_wait3A_122 = tpu.memref_slice %arg10[%add3A_120, %dma_wait3A_121] : memref<40x125xi32, #tpu.memory_space<vmem>> -> memref<1x125xi32, #tpu.memory_space<vmem>>
      %dma_wait3A_123 = tpu.memref_squeeze %dma_wait3A_122 : memref<1x125xi32, #tpu.memory_space<vmem>> -> memref<125xi32, #tpu.memory_space<vmem>>
      %dma_wait3A_124 = arith.constant 0 : i32
      %dma_wait3A_125 = arith.constant 0 : i32
      %dma_wait3A_126 = tpu.memref_slice %arg5[%dma_wait3A_124, %dma_wait3A_125] : memref<10000x128xf32, #tpu.memory_space<hbm>> -> memref<10000x128xf32, #tpu.memory_space<hbm>>
      tpu.wait_indirect_dma semaphore(%arg15 : memref<!tpu.dma_semaphore, #tpu.memory_space<semaphore_mem>>) src(%dma_wait3A_126 : memref<10000x128xf32, #tpu.memory_space<hbm>>) dst(%arg12 : memref<125x128xf32, #tpu.memory_space<vmem>>)
      %dma_start3A_127 = arith.constant 0 : i32
      %dma_start3A_128 = tpu.memref_slice %arg11[%add3A_120, %dma_start3A_127] : memref<40x125xi32, #tpu.memory_space<vmem>> -> memref<1x125xi32, #tpu.memory_space<vmem>>
      %dma_start3A_129 = tpu.memref_squeeze %dma_start3A_128 : memref<1x125xi32, #tpu.memory_space<vmem>> -> memref<125xi32, #tpu.memory_space<vmem>>
      %dma_start3A_130 = arith.constant 0 : i32
      %dma_start3A_131 = arith.constant 0 : i32
      %dma_start3A_132 = tpu.memref_slice %arg14[%dma_start3A_130, %dma_start3A_131] : memref<10240x128xf32, #tpu.memory_space<vmem_shared>> -> memref<10240x128xf32, #tpu.memory_space<vmem_shared>>
      tpu.enqueue_indirect_dma source(%arg12 : memref<125x128xf32, #tpu.memory_space<vmem>>) target(%dma_start3A_132 : memref<10240x128xf32, #tpu.memory_space<vmem_shared>>) offsets(%dma_start3A_129 : memref<125xi32, #tpu.memory_space<vmem>>) semaphore(%arg17 : memref<!tpu.dma_semaphore, #tpu.memory_space<semaphore_mem>>) {add = true}
      %gt3A = arith.constant 0 : i32
      %gt3A_133 = arith.cmpi sgt, %scan3A_116, %gt3A : i32
      %convert_element_type3A = arith.extui %gt3A_133 : i1 to i32
      %cond3A = arith.constant 0 : i32
      %cond3A_134 = arith.cmpi ne, %convert_element_type3A, %cond3A : i32
      scf.if %cond3A_134 {
        %add3A_234 = arith.constant 1 : i32
        %add3A_235 = arith.addi %add3A_120, %add3A_234 : i32
        %sub3A_236 = arith.constant 2 : i32
        %sub3A_237 = arith.subi %add3A_235, %sub3A_236 : i32
        %dma_wait3A_238 = arith.constant 0 : i32
        %dma_wait3A_239 = tpu.memref_slice %arg11[%sub3A_237, %dma_wait3A_238] : memref<40x125xi32, #tpu.memory_space<vmem>> -> memref<1x125xi32, #tpu.memory_space<vmem>>
        %dma_wait3A_240 = tpu.memref_squeeze %dma_wait3A_239 : memref<1x125xi32, #tpu.memory_space<vmem>> -> memref<125xi32, #tpu.memory_space<vmem>>
        %dma_wait3A_241 = arith.constant 0 : i32
        %dma_wait3A_242 = arith.constant 0 : i32
        %dma_wait3A_243 = tpu.memref_slice %arg14[%dma_wait3A_241, %dma_wait3A_242] : memref<10240x128xf32, #tpu.memory_space<vmem_shared>> -> memref<10240x128xf32, #tpu.memory_space<vmem_shared>>
        tpu.wait_indirect_dma semaphore(%arg18 : memref<!tpu.dma_semaphore, #tpu.memory_space<semaphore_mem>>) src(%arg13 : memref<125x128xf32, #tpu.memory_space<vmem>>) dst(%dma_wait3A_243 : memref<10240x128xf32, #tpu.memory_space<vmem_shared>>)
      } else {
      }
      %add3A_135 = arith.constant 1 : i32
      %add3A_136 = arith.addi %add3A_120, %add3A_135 : i32
      %dma_start3A_137 = arith.constant 0 : i32
      %dma_start3A_138 = tpu.memref_slice %arg10[%add3A_136, %dma_start3A_137] : memref<40x125xi32, #tpu.memory_space<vmem>> -> memref<1x125xi32, #tpu.memory_space<vmem>>
      %dma_start3A_139 = tpu.memref_squeeze %dma_start3A_138 : memref<1x125xi32, #tpu.memory_space<vmem>> -> memref<125xi32, #tpu.memory_space<vmem>>
      %dma_start3A_140 = arith.constant 0 : i32
      %dma_start3A_141 = arith.constant 0 : i32
      %dma_start3A_142 = tpu.memref_slice %arg5[%dma_start3A_140, %dma_start3A_141] : memref<10000x128xf32, #tpu.memory_space<hbm>> -> memref<10000x128xf32, #tpu.memory_space<hbm>>
      tpu.enqueue_indirect_dma source(%dma_start3A_142 : memref<10000x128xf32, #tpu.memory_space<hbm>>) target(%arg13 : memref<125x128xf32, #tpu.memory_space<vmem>>) offsets(%dma_start3A_139 : memref<125xi32, #tpu.memory_space<vmem>>) semaphore(%arg16 : memref<!tpu.dma_semaphore, #tpu.memory_space<semaphore_mem>>)
      %mul3A_143 = arith.constant 2 : i32
      %mul3A_144 = arith.muli %mul3A_143, %scan3A_116 : i32
      %add3A_145 = arith.constant 1 : i32
      %add3A_146 = arith.addi %mul3A_144, %add3A_145 : i32
      %dma_wait3A_147 = arith.constant 0 : i32
      %dma_wait3A_148 = tpu.memref_slice %arg10[%add3A_146, %dma_wait3A_147] : memref<40x125xi32, #tpu.memory_space<vmem>> -> memref<1x125xi32, #tpu.memory_space<vmem>>
      %dma_wait3A_149 = tpu.memref_squeeze %dma_wait3A_148 : memref<1x125xi32, #tpu.memory_space<vmem>> -> memref<125xi32, #tpu.memory_space<vmem>>
      %dma_wait3A_150 = arith.constant 0 : i32
      %dma_wait3A_151 = arith.constant 0 : i32
      %dma_wait3A_152 = tpu.memref_slice %arg5[%dma_wait3A_150, %dma_wait3A_151] : memref<10000x128xf32, #tpu.memory_space<hbm>> -> memref<10000x128xf32, #tpu.memory_space<hbm>>
      tpu.wait_indirect_dma semaphore(%arg16 : memref<!tpu.dma_semaphore, #tpu.memory_space<semaphore_mem>>) src(%dma_wait3A_152 : memref<10000x128xf32, #tpu.memory_space<hbm>>) dst(%arg13 : memref<125x128xf32, #tpu.memory_space<vmem>>)
      %dma_start3A_153 = arith.constant 0 : i32
      %dma_start3A_154 = tpu.memref_slice %arg11[%add3A_146, %dma_start3A_153] : memref<40x125xi32, #tpu.memory_space<vmem>> -> memref<1x125xi32, #tpu.memory_space<vmem>>
      %dma_start3A_155 = tpu.memref_squeeze %dma_start3A_154 : memref<1x125xi32, #tpu.memory_space<vmem>> -> memref<125xi32, #tpu.memory_space<vmem>>
      %dma_start3A_156 = arith.constant 0 : i32
      %dma_start3A_157 = arith.constant 0 : i32
      %dma_start3A_158 = tpu.memref_slice %arg14[%dma_start3A_156, %dma_start3A_157] : memref<10240x128xf32, #tpu.memory_space<vmem_shared>> -> memref<10240x128xf32, #tpu.memory_space<vmem_shared>>
      tpu.enqueue_indirect_dma source(%arg13 : memref<125x128xf32, #tpu.memory_space<vmem>>) target(%dma_start3A_158 : memref<10240x128xf32, #tpu.memory_space<vmem_shared>>) offsets(%dma_start3A_155 : memref<125xi32, #tpu.memory_space<vmem>>) semaphore(%arg18 : memref<!tpu.dma_semaphore, #tpu.memory_space<semaphore_mem>>) {add = true}
      %add3A_159 = arith.constant 1 : i32
      %add3A_160 = arith.addi %add3A_146, %add3A_159 : i32
      %sub3A = arith.constant 2 : i32
      %sub3A_161 = arith.subi %add3A_160, %sub3A : i32
      %dma_wait3A_162 = arith.constant 0 : i32
      %dma_wait3A_163 = tpu.memref_slice %arg11[%sub3A_161, %dma_wait3A_162] : memref<40x125xi32, #tpu.memory_space<vmem>> -> memref<1x125xi32, #tpu.memory_space<vmem>>
      %dma_wait3A_164 = tpu.memref_squeeze %dma_wait3A_163 : memref<1x125xi32, #tpu.memory_space<vmem>> -> memref<125xi32, #tpu.memory_space<vmem>>
      %dma_wait3A_165 = arith.constant 0 : i32
      %dma_wait3A_166 = arith.constant 0 : i32
      %dma_wait3A_167 = tpu.memref_slice %arg14[%dma_wait3A_165, %dma_wait3A_166] : memref<10240x128xf32, #tpu.memory_space<vmem_shared>> -> memref<10240x128xf32, #tpu.memory_space<vmem_shared>>
      tpu.wait_indirect_dma semaphore(%arg17 : memref<!tpu.dma_semaphore, #tpu.memory_space<semaphore_mem>>) src(%arg12 : memref<125x128xf32, #tpu.memory_space<vmem>>) dst(%dma_wait3A_167 : memref<10240x128xf32, #tpu.memory_space<vmem_shared>>)
      %lt3A = arith.constant 19 : i32
      %lt3A_168 = arith.cmpi slt, %scan3A_116, %lt3A : i32
      %convert_element_type3A_169 = arith.extui %lt3A_168 : i1 to i32
      %cond3A_170 = arith.constant 0 : i32
      %cond3A_171 = arith.cmpi ne, %convert_element_type3A_169, %cond3A_170 : i32
      scf.if %cond3A_171 {
        %add3A_234 = arith.constant 1 : i32
        %add3A_235 = arith.addi %add3A_146, %add3A_234 : i32
        %dma_start3A_236 = arith.constant 0 : i32
        %dma_start3A_237 = tpu.memref_slice %arg10[%add3A_235, %dma_start3A_236] : memref<40x125xi32, #tpu.memory_space<vmem>> -> memref<1x125xi32, #tpu.memory_space<vmem>>
        %dma_start3A_238 = tpu.memref_squeeze %dma_start3A_237 : memref<1x125xi32, #tpu.memory_space<vmem>> -> memref<125xi32, #tpu.memory_space<vmem>>
        %dma_start3A_239 = arith.constant 0 : i32
        %dma_start3A_240 = arith.constant 0 : i32
        %dma_start3A_241 = tpu.memref_slice %arg5[%dma_start3A_239, %dma_start3A_240] : memref<10000x128xf32, #tpu.memory_space<hbm>> -> memref<10000x128xf32, #tpu.memory_space<hbm>>
        tpu.enqueue_indirect_dma source(%dma_start3A_241 : memref<10000x128xf32, #tpu.memory_space<hbm>>) target(%arg12 : memref<125x128xf32, #tpu.memory_space<vmem>>) offsets(%dma_start3A_238 : memref<125xi32, #tpu.memory_space<vmem>>) semaphore(%arg15 : memref<!tpu.dma_semaphore, #tpu.memory_space<semaphore_mem>>)
      } else {
      }
      %scan3A_172 = arith.constant 1 : i32
      %scan3A_173 = arith.addi %scan3A_116, %scan3A_172 : i32
      %mul3A_174 = arith.constant 2 : i32
      %mul3A_175 = arith.muli %mul3A_174, %scan3A_173 : i32
      %add3A_176 = arith.constant 0 : i32
      %add3A_177 = arith.addi %mul3A_175, %add3A_176 : i32
      %dma_wait3A_178 = arith.constant 0 : i32
      %dma_wait3A_179 = tpu.memref_slice %arg10[%add3A_177, %dma_wait3A_178] : memref<40x125xi32, #tpu.memory_space<vmem>> -> memref<1x125xi32, #tpu.memory_space<vmem>>
      %dma_wait3A_180 = tpu.memref_squeeze %dma_wait3A_179 : memref<1x125xi32, #tpu.memory_space<vmem>> -> memref<125xi32, #tpu.memory_space<vmem>>
      %dma_wait3A_181 = arith.constant 0 : i32
      %dma_wait3A_182 = arith.constant 0 : i32
      %dma_wait3A_183 = tpu.memref_slice %arg5[%dma_wait3A_181, %dma_wait3A_182] : memref<10000x128xf32, #tpu.memory_space<hbm>> -> memref<10000x128xf32, #tpu.memory_space<hbm>>
      tpu.wait_indirect_dma semaphore(%arg15 : memref<!tpu.dma_semaphore, #tpu.memory_space<semaphore_mem>>) src(%dma_wait3A_183 : memref<10000x128xf32, #tpu.memory_space<hbm>>) dst(%arg12 : memref<125x128xf32, #tpu.memory_space<vmem>>)
      %dma_start3A_184 = arith.constant 0 : i32
      %dma_start3A_185 = tpu.memref_slice %arg11[%add3A_177, %dma_start3A_184] : memref<40x125xi32, #tpu.memory_space<vmem>> -> memref<1x125xi32, #tpu.memory_space<vmem>>
      %dma_start3A_186 = tpu.memref_squeeze %dma_start3A_185 : memref<1x125xi32, #tpu.memory_space<vmem>> -> memref<125xi32, #tpu.memory_space<vmem>>
      %dma_start3A_187 = arith.constant 0 : i32
      %dma_start3A_188 = arith.constant 0 : i32
      %dma_start3A_189 = tpu.memref_slice %arg14[%dma_start3A_187, %dma_start3A_188] : memref<10240x128xf32, #tpu.memory_space<vmem_shared>> -> memref<10240x128xf32, #tpu.memory_space<vmem_shared>>
      tpu.enqueue_indirect_dma source(%arg12 : memref<125x128xf32, #tpu.memory_space<vmem>>) target(%dma_start3A_189 : memref<10240x128xf32, #tpu.memory_space<vmem_shared>>) offsets(%dma_start3A_186 : memref<125xi32, #tpu.memory_space<vmem>>) semaphore(%arg17 : memref<!tpu.dma_semaphore, #tpu.memory_space<semaphore_mem>>) {add = true}
      %gt3A_190 = arith.constant 0 : i32
      %gt3A_191 = arith.cmpi sgt, %scan3A_173, %gt3A_190 : i32
      %convert_element_type3A_192 = arith.extui %gt3A_191 : i1 to i32
      %cond3A_193 = arith.constant 0 : i32
      %cond3A_194 = arith.cmpi ne, %convert_element_type3A_192, %cond3A_193 : i32
      scf.if %cond3A_194 {
        %add3A_234 = arith.constant 1 : i32
        %add3A_235 = arith.addi %add3A_177, %add3A_234 : i32
        %sub3A_236 = arith.constant 2 : i32
        %sub3A_237 = arith.subi %add3A_235, %sub3A_236 : i32
        %dma_wait3A_238 = arith.constant 0 : i32
        %dma_wait3A_239 = tpu.memref_slice %arg11[%sub3A_237, %dma_wait3A_238] : memref<40x125xi32, #tpu.memory_space<vmem>> -> memref<1x125xi32, #tpu.memory_space<vmem>>
        %dma_wait3A_240 = tpu.memref_squeeze %dma_wait3A_239 : memref<1x125xi32, #tpu.memory_space<vmem>> -> memref<125xi32, #tpu.memory_space<vmem>>
        %dma_wait3A_241 = arith.constant 0 : i32
        %dma_wait3A_242 = arith.constant 0 : i32
        %dma_wait3A_243 = tpu.memref_slice %arg14[%dma_wait3A_241, %dma_wait3A_242] : memref<10240x128xf32, #tpu.memory_space<vmem_shared>> -> memref<10240x128xf32, #tpu.memory_space<vmem_shared>>
        tpu.wait_indirect_dma semaphore(%arg18 : memref<!tpu.dma_semaphore, #tpu.memory_space<semaphore_mem>>) src(%arg13 : memref<125x128xf32, #tpu.memory_space<vmem>>) dst(%dma_wait3A_243 : memref<10240x128xf32, #tpu.memory_space<vmem_shared>>)
      } else {
      }
      %add3A_195 = arith.constant 1 : i32
      %add3A_196 = arith.addi %add3A_177, %add3A_195 : i32
      %dma_start3A_197 = arith.constant 0 : i32
      %dma_start3A_198 = tpu.memref_slice %arg10[%add3A_196, %dma_start3A_197] : memref<40x125xi32, #tpu.memory_space<vmem>> -> memref<1x125xi32, #tpu.memory_space<vmem>>
      %dma_start3A_199 = tpu.memref_squeeze %dma_start3A_198 : memref<1x125xi32, #tpu.memory_space<vmem>> -> memref<125xi32, #tpu.memory_space<vmem>>
      %dma_start3A_200 = arith.constant 0 : i32
      %dma_start3A_201 = arith.constant 0 : i32
      %dma_start3A_202 = tpu.memref_slice %arg5[%dma_start3A_200, %dma_start3A_201] : memref<10000x128xf32, #tpu.memory_space<hbm>> -> memref<10000x128xf32, #tpu.memory_space<hbm>>
      tpu.enqueue_indirect_dma source(%dma_start3A_202 : memref<10000x128xf32, #tpu.memory_space<hbm>>) target(%arg13 : memref<125x128xf32, #tpu.memory_space<vmem>>) offsets(%dma_start3A_199 : memref<125xi32, #tpu.memory_space<vmem>>) semaphore(%arg16 : memref<!tpu.dma_semaphore, #tpu.memory_space<semaphore_mem>>)
      %mul3A_203 = arith.constant 2 : i32
      %mul3A_204 = arith.muli %mul3A_203, %scan3A_173 : i32
      %add3A_205 = arith.constant 1 : i32
      %add3A_206 = arith.addi %mul3A_204, %add3A_205 : i32
      %dma_wait3A_207 = arith.constant 0 : i32
      %dma_wait3A_208 = tpu.memref_slice %arg10[%add3A_206, %dma_wait3A_207] : memref<40x125xi32, #tpu.memory_space<vmem>> -> memref<1x125xi32, #tpu.memory_space<vmem>>
      %dma_wait3A_209 = tpu.memref_squeeze %dma_wait3A_208 : memref<1x125xi32, #tpu.memory_space<vmem>> -> memref<125xi32, #tpu.memory_space<vmem>>
      %dma_wait3A_210 = arith.constant 0 : i32
      %dma_wait3A_211 = arith.constant 0 : i32
      %dma_wait3A_212 = tpu.memref_slice %arg5[%dma_wait3A_210, %dma_wait3A_211] : memref<10000x128xf32, #tpu.memory_space<hbm>> -> memref<10000x128xf32, #tpu.memory_space<hbm>>
      tpu.wait_indirect_dma semaphore(%arg16 : memref<!tpu.dma_semaphore, #tpu.memory_space<semaphore_mem>>) src(%dma_wait3A_212 : memref<10000x128xf32, #tpu.memory_space<hbm>>) dst(%arg13 : memref<125x128xf32, #tpu.memory_space<vmem>>)
      %dma_start3A_213 = arith.constant 0 : i32
      %dma_start3A_214 = tpu.memref_slice %arg11[%add3A_206, %dma_start3A_213] : memref<40x125xi32, #tpu.memory_space<vmem>> -> memref<1x125xi32, #tpu.memory_space<vmem>>
      %dma_start3A_215 = tpu.memref_squeeze %dma_start3A_214 : memref<1x125xi32, #tpu.memory_space<vmem>> -> memref<125xi32, #tpu.memory_space<vmem>>
      %dma_start3A_216 = arith.constant 0 : i32
      %dma_start3A_217 = arith.constant 0 : i32
      %dma_start3A_218 = tpu.memref_slice %arg14[%dma_start3A_216, %dma_start3A_217] : memref<10240x128xf32, #tpu.memory_space<vmem_shared>> -> memref<10240x128xf32, #tpu.memory_space<vmem_shared>>
      tpu.enqueue_indirect_dma source(%arg13 : memref<125x128xf32, #tpu.memory_space<vmem>>) target(%dma_start3A_218 : memref<10240x128xf32, #tpu.memory_space<vmem_shared>>) offsets(%dma_start3A_215 : memref<125xi32, #tpu.memory_space<vmem>>) semaphore(%arg18 : memref<!tpu.dma_semaphore, #tpu.memory_space<semaphore_mem>>) {add = true}
      %add3A_219 = arith.constant 1 : i32
      %add3A_220 = arith.addi %add3A_206, %add3A_219 : i32
      %sub3A_221 = arith.constant 2 : i32
      %sub3A_222 = arith.subi %add3A_220, %sub3A_221 : i32
      %dma_wait3A_223 = arith.constant 0 : i32
      %dma_wait3A_224 = tpu.memref_slice %arg11[%sub3A_222, %dma_wait3A_223] : memref<40x125xi32, #tpu.memory_space<vmem>> -> memref<1x125xi32, #tpu.memory_space<vmem>>
      %dma_wait3A_225 = tpu.memref_squeeze %dma_wait3A_224 : memref<1x125xi32, #tpu.memory_space<vmem>> -> memref<125xi32, #tpu.memory_space<vmem>>
      %dma_wait3A_226 = arith.constant 0 : i32
      %dma_wait3A_227 = arith.constant 0 : i32
      %dma_wait3A_228 = tpu.memref_slice %arg14[%dma_wait3A_226, %dma_wait3A_227] : memref<10240x128xf32, #tpu.memory_space<vmem_shared>> -> memref<10240x128xf32, #tpu.memory_space<vmem_shared>>
      tpu.wait_indirect_dma semaphore(%arg17 : memref<!tpu.dma_semaphore, #tpu.memory_space<semaphore_mem>>) src(%arg12 : memref<125x128xf32, #tpu.memory_space<vmem>>) dst(%dma_wait3A_228 : memref<10240x128xf32, #tpu.memory_space<vmem_shared>>)
      %lt3A_229 = arith.constant 19 : i32
      %lt3A_230 = arith.cmpi slt, %scan3A_173, %lt3A_229 : i32
      %convert_element_type3A_231 = arith.extui %lt3A_230 : i1 to i32
      %cond3A_232 = arith.constant 0 : i32
      %cond3A_233 = arith.cmpi ne, %convert_element_type3A_231, %cond3A_232 : i32
      scf.if %cond3A_233 {
        %add3A_234 = arith.constant 1 : i32
        %add3A_235 = arith.addi %add3A_206, %add3A_234 : i32
        %dma_start3A_236 = arith.constant 0 : i32
        %dma_start3A_237 = tpu.memref_slice %arg10[%add3A_235, %dma_start3A_236] : memref<40x125xi32, #tpu.memory_space<vmem>> -> memref<1x125xi32, #tpu.memory_space<vmem>>
        %dma_start3A_238 = tpu.memref_squeeze %dma_start3A_237 : memref<1x125xi32, #tpu.memory_space<vmem>> -> memref<125xi32, #tpu.memory_space<vmem>>
        %dma_start3A_239 = arith.constant 0 : i32
        %dma_start3A_240 = arith.constant 0 : i32
        %dma_start3A_241 = tpu.memref_slice %arg5[%dma_start3A_239, %dma_start3A_240] : memref<10000x128xf32, #tpu.memory_space<hbm>> -> memref<10000x128xf32, #tpu.memory_space<hbm>>
        tpu.enqueue_indirect_dma source(%dma_start3A_241 : memref<10000x128xf32, #tpu.memory_space<hbm>>) target(%arg12 : memref<125x128xf32, #tpu.memory_space<vmem>>) offsets(%dma_start3A_238 : memref<125xi32, #tpu.memory_space<vmem>>) semaphore(%arg15 : memref<!tpu.dma_semaphore, #tpu.memory_space<semaphore_mem>>)
      } else {
      }
    }
    %scan3A_101 = arith.constant 20 : i32
    %dma_wait3A_102 = arith.constant 39 : i32
    %dma_wait3A_103 = arith.constant 0 : i32
    %dma_wait3A_104 = tpu.memref_slice %arg11[%dma_wait3A_102, %dma_wait3A_103] : memref<40x125xi32, #tpu.memory_space<vmem>> -> memref<1x125xi32, #tpu.memory_space<vmem>>
    %dma_wait3A_105 = tpu.memref_squeeze %dma_wait3A_104 : memref<1x125xi32, #tpu.memory_space<vmem>> -> memref<125xi32, #tpu.memory_space<vmem>>
    %dma_wait3A_106 = arith.constant 0 : i32
    %dma_wait3A_107 = arith.constant 0 : i32
    %dma_wait3A_108 = tpu.memref_slice %arg14[%dma_wait3A_106, %dma_wait3A_107] : memref<10240x128xf32, #tpu.memory_space<vmem_shared>> -> memref<10240x128xf32, #tpu.memory_space<vmem_shared>>
    tpu.wait_indirect_dma semaphore(%arg18 : memref<!tpu.dma_semaphore, #tpu.memory_space<semaphore_mem>>) src(%arg13 : memref<125x128xf32, #tpu.memory_space<vmem>>) dst(%dma_wait3A_108 : memref<10240x128xf32, #tpu.memory_space<vmem_shared>>)
    %barrier3A_109 = arith.constant 0 : index
    tpu.barrier barrier_id(%barrier3A_109)
    %mul3A_110 = arith.constant 640 : i32
    %mul3A_111 = arith.muli %arg1, %mul3A_110 : i32
    %mul3A_112 = arith.constant 640 : i32
    %mul3A_113 = arith.muli %arg1, %mul3A_112 : i32
    %run_scoped3A_114 = arith.constant 3 : i32
    "tpu.region"() ({
      %run_scoped3A_116 = tpu.sem_alloc : memref<!tpu.dma_semaphore, #tpu.memory_space<semaphore_mem>>
      %dma_start3A_117 = arith.constant 0 : i32
      %dma_start3A_118 = tpu.memref_slice %arg9[%arg0, %run_scoped3A_114, %mul3A_113, %dma_start3A_117] : memref<2x4x10240x128xf32, #tpu.memory_space<hbm>> -> memref<1x1x640x128xf32, #tpu.memory_space<hbm>>
      %dma_start3A_119 = tpu.memref_squeeze %dma_start3A_118 : memref<1x1x640x128xf32, #tpu.memory_space<hbm>> -> memref<640x128xf32, #tpu.memory_space<hbm>>
      %dma_start3A_120 = arith.constant 0 : i32
      %dma_start3A_121 = tpu.memref_slice %arg14[%mul3A_111, %dma_start3A_120] : memref<10240x128xf32, #tpu.memory_space<vmem_shared>> -> memref<640x128xf32, #tpu.memory_space<vmem_shared>>
      tpu.enqueue_dma source(%dma_start3A_121 : memref<640x128xf32, #tpu.memory_space<vmem_shared>>) target(%dma_start3A_119 : memref<640x128xf32, #tpu.memory_space<hbm>>) target_semaphore(%run_scoped3A_116 : memref<!tpu.dma_semaphore, #tpu.memory_space<semaphore_mem>>)
      %dma_wait3A_122 = arith.constant 0 : i32
      %dma_wait3A_123 = tpu.memref_slice %arg9[%arg0, %run_scoped3A_114, %mul3A_113, %dma_wait3A_122] : memref<2x4x10240x128xf32, #tpu.memory_space<hbm>> -> memref<1x1x640x128xf32, #tpu.memory_space<hbm>>
      %dma_wait3A_124 = tpu.memref_squeeze %dma_wait3A_123 : memref<1x1x640x128xf32, #tpu.memory_space<hbm>> -> memref<640x128xf32, #tpu.memory_space<hbm>>
      %dma_wait3A_125 = arith.constant 0 : i32
      %dma_wait3A_126 = tpu.memref_slice %arg14[%mul3A_111, %dma_wait3A_125] : memref<10240x128xf32, #tpu.memory_space<vmem_shared>> -> memref<640x128xf32, #tpu.memory_space<vmem_shared>>
      tpu.wait_dma2 semaphore(%run_scoped3A_116 : memref<!tpu.dma_semaphore, #tpu.memory_space<semaphore_mem>>) src(%dma_wait3A_126 : memref<640x128xf32, #tpu.memory_space<vmem_shared>>) dst(%dma_wait3A_124 : memref<640x128xf32, #tpu.memory_space<hbm>>)
      tpu.yield
    }) : () -> ()
    %barrier3A_115 = arith.constant 0 : index
    tpu.barrier barrier_id(%barrier3A_115)
    return
  }
}

module attributes {stable_mosaic.version = 14 : i64} {
  func.func @body(%arg0: i32, %arg1: memref<1000x256xf32, #tpu.memory_space<vmem>>, %arg2: memref<256x256xf32, #tpu.memory_space<vmem>>, %arg3: memref<256x512xf32, #tpu.memory_space<vmem>>, %arg4: memref<1000x2xf32, #tpu.memory_space<vmem>>, %arg5: memref<1000x128xf32, #tpu.memory_space<vmem>>, %arg6: memref<1000x128xf32, #tpu.memory_space<vmem>>, %arg7: memref<1000x128xf32, #tpu.memory_space<vmem>>, %arg8: memref<1000x128xf32, #tpu.memory_space<vmem>>, %arg9: memref<256x512xf32, #tpu.memory_space<vmem>>) attributes {dimension_semantics = [#tpu.dimension_semantics<arbitrary>], iteration_bounds = array<i64: 10>, scalar_prefetch = 0 : i64, scratch_operands = 1 : i64, tpu.core_type = #tpu.core_type<tc>, window_params = [{transform_indices = @transform_0, window_bounds = array<i64: 1000, 256>}, {pipeline_mode = #tpu.pipeline_mode<synchronous>, transform_indices = @transform_1, window_bounds = array<i64: 256, 256>}, {pipeline_mode = #tpu.pipeline_mode<synchronous>, transform_indices = @transform_2, window_bounds = array<i64: 256, 512>}, {transform_indices = @transform_3, window_bounds = array<i64: 1000, 2>}, {transform_indices = @transform_4, window_bounds = array<i64: 1000, 128>}, {transform_indices = @transform_5, window_bounds = array<i64: 1000, 128>}, {transform_indices = @transform_6, window_bounds = array<i64: 1000, 128>}, {transform_indices = @transform_7, window_bounds = array<i64: 1000, 128>}]} {
    %eq3A = arith.constant 0 : i32
    %eq3A_0 = arith.cmpi eq, %arg0, %eq3A : i32
    %convert_element_type3A = arith.extui %eq3A_0 : i1 to i32
    %cond3A = arith.constant 0 : i32
    %cond3A_1 = arith.cmpi ne, %convert_element_type3A, %cond3A : i32
    scf.if %cond3A_1 {
      %get3A_31 = arith.constant 0 : index
      %get3A_32 = arith.constant 0 : index
      %get3A_33 = vector.load %arg2[%get3A_31, %get3A_32] : memref<256x256xf32, #tpu.memory_space<vmem>>, vector<256x256xf32>
      %get3A_34 = arith.constant 0 : index
      %get3A_35 = arith.constant 0 : index
      %get3A_36 = vector.load %arg3[%get3A_34, %get3A_35] : memref<256x512xf32, #tpu.memory_space<vmem>>, vector<256x512xf32>
      %dot_general3A_37 = arith.constant dense<0.000000e+00> : vector<256x512xf32>
      %dot_general3A_38 = tpu.matmul %get3A_33, %get3A_36, %dot_general3A_37 {dimension_numbers = #tpu.dot_dimension_numbers<[1], [0], [0], [1], [0, 0, 1, 1], [], []>, transpose_lhs_hint = false} : vector<256x256xf32>, vector<256x512xf32>, vector<256x512xf32> -> vector<256x512xf32>
      %swap3A_39 = arith.constant 0 : index
      %swap3A_40 = arith.constant 0 : index
      %swap3A_41 = vector.load %arg9[%swap3A_39, %swap3A_40] : memref<256x512xf32, #tpu.memory_space<vmem>>, vector<256x512xf32>
      tpu.vector_store %arg9[%swap3A_39, %swap3A_40], %dot_general3A_38 {strides = array<i32>} : memref<256x512xf32, #tpu.memory_space<vmem>>, vector<256x512xf32>,
    } else {
    }
    %get3A = arith.constant 0 : index
    %get3A_2 = arith.constant 0 : index
    %get3A_3 = vector.load %arg4[%get3A, %get3A_2] : memref<1000x2xf32, #tpu.memory_space<vmem>>, vector<1000x2xf32>
    %slice3A = vector.extract_strided_slice %get3A_3 {offsets = [0, 0], sizes = [1000, 1], strides = [1, 1]} : vector<1000x2xf32> to vector<1000x1xf32>
    %slice3A_4 = vector.extract_strided_slice %get3A_3 {offsets = [0, 1], sizes = [1000, 1], strides = [1, 1]} : vector<1000x2xf32> to vector<1000x1xf32>
    %add3A = arith.addf %slice3A, %slice3A_4 : vector<1000x1xf32>
    %add3A_5 = arith.constant 1.000000e+00 : f32
    %add3A_6 = vector.broadcast %add3A_5 : f32 to vector<1000x1xf32>
    %add3A_7 = arith.addf %add3A, %add3A_6 : vector<1000x1xf32>
    %rsqrt3A = math.rsqrt %add3A_7 : vector<1000x1xf32>
    %get3A_8 = arith.constant 0 : index
    %get3A_9 = arith.constant 0 : index
    %get3A_10 = vector.load %arg1[%get3A_8, %get3A_9] : memref<1000x256xf32, #tpu.memory_space<vmem>>, vector<1000x256xf32>
    %get3A_11 = arith.constant 0 : index
    %get3A_12 = arith.constant 0 : index
    %get3A_13 = vector.load %arg9[%get3A_11, %get3A_12] : memref<256x512xf32, #tpu.memory_space<vmem>>, vector<256x512xf32>
    %dot_general3A = arith.constant dense<0.000000e+00> : vector<1000x512xf32>
    %dot_general3A_14 = tpu.matmul %get3A_10, %get3A_13, %dot_general3A {dimension_numbers = #tpu.dot_dimension_numbers<[1], [0], [0], [1], [0, 0, 1, 1], [], []>, transpose_lhs_hint = false} : vector<1000x256xf32>, vector<256x512xf32>, vector<1000x512xf32> -> vector<1000x512xf32>
    %mul3A = vector.broadcast %rsqrt3A : vector<1000x1xf32> to vector<1000x512xf32>
    %mul3A_15 = arith.mulf %dot_general3A_14, %mul3A : vector<1000x512xf32>
    %slice3A_16 = vector.extract_strided_slice %mul3A_15 {offsets = [0, 0], sizes = [1000, 128], strides = [1, 1]} : vector<1000x512xf32> to vector<1000x128xf32>
    %swap3A = arith.constant 0 : index
    %swap3A_17 = arith.constant 0 : index
    %swap3A_18 = vector.load %arg5[%swap3A, %swap3A_17] : memref<1000x128xf32, #tpu.memory_space<vmem>>, vector<1000x128xf32>
    tpu.vector_store %arg5[%swap3A, %swap3A_17], %slice3A_16 {strides = array<i32>} : memref<1000x128xf32, #tpu.memory_space<vmem>>, vector<1000x128xf32>,
    %slice3A_19 = vector.extract_strided_slice %mul3A_15 {offsets = [0, 128], sizes = [1000, 128], strides = [1, 1]} : vector<1000x512xf32> to vector<1000x128xf32>
    %swap3A_20 = arith.constant 0 : index
    %swap3A_21 = arith.constant 0 : index
    %swap3A_22 = vector.load %arg6[%swap3A_20, %swap3A_21] : memref<1000x128xf32, #tpu.memory_space<vmem>>, vector<1000x128xf32>
    tpu.vector_store %arg6[%swap3A_20, %swap3A_21], %slice3A_19 {strides = array<i32>} : memref<1000x128xf32, #tpu.memory_space<vmem>>, vector<1000x128xf32>,
    %slice3A_23 = vector.extract_strided_slice %mul3A_15 {offsets = [0, 256], sizes = [1000, 128], strides = [1, 1]} : vector<1000x512xf32> to vector<1000x128xf32>
    %swap3A_24 = arith.constant 0 : index
    %swap3A_25 = arith.constant 0 : index
    %swap3A_26 = vector.load %arg7[%swap3A_24, %swap3A_25] : memref<1000x128xf32, #tpu.memory_space<vmem>>, vector<1000x128xf32>
    tpu.vector_store %arg7[%swap3A_24, %swap3A_25], %slice3A_23 {strides = array<i32>} : memref<1000x128xf32, #tpu.memory_space<vmem>>, vector<1000x128xf32>,
    %slice3A_27 = vector.extract_strided_slice %mul3A_15 {offsets = [0, 384], sizes = [1000, 128], strides = [1, 1]} : vector<1000x512xf32> to vector<1000x128xf32>
    %swap3A_28 = arith.constant 0 : index
    %swap3A_29 = arith.constant 0 : index
    %swap3A_30 = vector.load %arg8[%swap3A_28, %swap3A_29] : memref<1000x128xf32, #tpu.memory_space<vmem>>, vector<1000x128xf32>
    tpu.vector_store %arg8[%swap3A_28, %swap3A_29], %slice3A_27 {strides = array<i32>} : memref<1000x128xf32, #tpu.memory_space<vmem>>, vector<1000x128xf32>,
    return
  }
  func.func @transform_0(%arg0: i32) -> (i32, i32) {
    %c0_i32 = arith.constant 0 : i32
    %c0_i32_0 = arith.constant 0 : i32
    return %arg0, %c0_i32 : i32, i32
  }
  func.func @transform_1(%arg0: i32) -> (i32, i32) {
    %c0_i32 = arith.constant 0 : i32
    %c0_i32_0 = arith.constant 0 : i32
    %c0_i32_1 = arith.constant 0 : i32
    return %c0_i32, %c0_i32_0 : i32, i32
  }
  func.func @transform_2(%arg0: i32) -> (i32, i32) {
    %c0_i32 = arith.constant 0 : i32
    %c0_i32_0 = arith.constant 0 : i32
    %c0_i32_1 = arith.constant 0 : i32
    return %c0_i32, %c0_i32_0 : i32, i32
  }
  func.func @transform_3(%arg0: i32) -> (i32, i32) {
    %c0_i32 = arith.constant 0 : i32
    %c0_i32_0 = arith.constant 0 : i32
    return %arg0, %c0_i32 : i32, i32
  }
  func.func @transform_4(%arg0: i32) -> (i32, i32) {
    %c0_i32 = arith.constant 0 : i32
    %c0_i32_0 = arith.constant 0 : i32
    return %arg0, %c0_i32 : i32, i32
  }
  func.func @transform_5(%arg0: i32) -> (i32, i32) {
    %c0_i32 = arith.constant 0 : i32
    %c0_i32_0 = arith.constant 0 : i32
    return %arg0, %c0_i32 : i32, i32
  }
  func.func @transform_6(%arg0: i32) -> (i32, i32) {
    %c0_i32 = arith.constant 0 : i32
    %c0_i32_0 = arith.constant 0 : i32
    return %arg0, %c0_i32 : i32, i32
  }
  func.func @transform_7(%arg0: i32) -> (i32, i32) {
    %c0_i32 = arith.constant 0 : i32
    %c0_i32_0 = arith.constant 0 : i32
    return %arg0, %c0_i32 : i32, i32
  }
}

module attributes {stable_mosaic.version = 14 : i64} {
  func.func @body(%arg0: i32, %arg1: memref<2x4x1000x128xf32, #tpu.memory_space<vmem>>, %arg2: memref<1000x128xf32, #tpu.memory_space<vmem>>, %arg3: memref<1000x128xf32, #tpu.memory_space<vmem>>, %arg4: memref<1000x128xf32, #tpu.memory_space<vmem>>, %arg5: memref<1000x128xf32, #tpu.memory_space<vmem>>, %arg6: memref<4x128x256xf32, #tpu.memory_space<vmem>>, %arg7: memref<4x128xf32, #tpu.memory_space<vmem>>, %arg8: memref<1000x2xf32, #tpu.memory_space<vmem>>, %arg9: memref<1000x128xf32, #tpu.memory_space<vmem>>, %arg10: memref<1000x128xf32, #tpu.memory_space<vmem>>) attributes {dimension_semantics = [#tpu.dimension_semantics<arbitrary>], iteration_bounds = array<i64: 10>, scalar_prefetch = 0 : i64, scratch_operands = 0 : i64, tpu.core_type = #tpu.core_type<tc>, window_params = [{transform_indices = @transform_0, window_bounds = array<i64: 2, 4, 1000, 128>}, {transform_indices = @transform_1, window_bounds = array<i64: 1000, 128>}, {transform_indices = @transform_2, window_bounds = array<i64: 1000, 128>}, {transform_indices = @transform_3, window_bounds = array<i64: 1000, 128>}, {transform_indices = @transform_4, window_bounds = array<i64: 1000, 128>}, {pipeline_mode = #tpu.pipeline_mode<synchronous>, transform_indices = @transform_5, window_bounds = array<i64: 4, 128, 256>}, {pipeline_mode = #tpu.pipeline_mode<synchronous>, transform_indices = @transform_6, window_bounds = array<i64: 4, 128>}, {transform_indices = @transform_7, window_bounds = array<i64: 1000, 2>}, {transform_indices = @transform_8, window_bounds = array<i64: 1000, 128>}, {transform_indices = @transform_9, window_bounds = array<i64: 1000, 128>}]} {
    %get3A = arith.constant 0 : index
    %get3A_0 = arith.constant 0 : index
    %get3A_1 = vector.load %arg8[%get3A, %get3A_0] : memref<1000x2xf32, #tpu.memory_space<vmem>>, vector<1000x2xf32>
    %slice3A = vector.extract_strided_slice %get3A_1 {offsets = [0, 0], sizes = [1000, 1], strides = [1, 1]} : vector<1000x2xf32> to vector<1000x1xf32>
    %slice3A_2 = vector.extract_strided_slice %get3A_1 {offsets = [0, 1], sizes = [1000, 1], strides = [1, 1]} : vector<1000x2xf32> to vector<1000x1xf32>
    %add3A = arith.addf %slice3A, %slice3A_2 : vector<1000x1xf32>
    %add3A_3 = arith.constant 1.000000e+00 : f32
    %add3A_4 = vector.broadcast %add3A_3 : f32 to vector<1000x1xf32>
    %add3A_5 = arith.addf %add3A, %add3A_4 : vector<1000x1xf32>
    %rsqrt3A = math.rsqrt %add3A_5 : vector<1000x1xf32>
    %broadcast_in_dim3A = arith.constant 0.000000e+00 : f32
    %broadcast_in_dim3A_6 = vector.broadcast %broadcast_in_dim3A : f32 to vector<1000x256xf32>
    %get3A_7 = arith.constant 0 : index
    %get3A_8 = arith.constant 0 : index
    %get3A_9 = arith.constant 0 : index
    %get3A_10 = arith.constant 0 : index
    %get3A_11 = vector.load %arg1[%get3A_7, %get3A_8, %get3A_9, %get3A_10] : memref<2x4x1000x128xf32, #tpu.memory_space<vmem>>, vector<1x1x1000x128xf32>
    %get3A_12 = vector.shape_cast %get3A_11 : vector<1x1x1000x128xf32> to vector<1000x128xf32>
    %get3A_13 = arith.constant 1 : index
    %get3A_14 = arith.constant 0 : index
    %get3A_15 = arith.constant 0 : index
    %get3A_16 = arith.constant 0 : index
    %get3A_17 = vector.load %arg1[%get3A_13, %get3A_14, %get3A_15, %get3A_16] : memref<2x4x1000x128xf32, #tpu.memory_space<vmem>>, vector<1x1x1000x128xf32>
    %get3A_18 = vector.shape_cast %get3A_17 : vector<1x1x1000x128xf32> to vector<1000x128xf32>
    %add3A_19 = arith.addf %get3A_12, %get3A_18 : vector<1000x128xf32>
    %get3A_20 = arith.constant 0 : index
    %get3A_21 = arith.constant 0 : index
    %get3A_22 = vector.load %arg2[%get3A_20, %get3A_21] : memref<1000x128xf32, #tpu.memory_space<vmem>>, vector<1000x128xf32>
    %add3A_23 = arith.addf %add3A_19, %get3A_22 : vector<1000x128xf32>
    %mul3A = vector.broadcast %rsqrt3A : vector<1000x1xf32> to vector<1000x128xf32>
    %mul3A_24 = arith.mulf %add3A_23, %mul3A : vector<1000x128xf32>
    %get3A_25 = arith.constant 0 : index
    %get3A_26 = arith.constant 0 : index
    %get3A_27 = vector.load %arg7[%get3A_25, %get3A_26] : memref<4x128xf32, #tpu.memory_space<vmem>>, vector<1x128xf32>
    %get3A_28 = vector.shape_cast %get3A_27 : vector<1x128xf32> to vector<128xf32>
    %broadcast_in_dim3A_29 = vector.shape_cast %get3A_28 : vector<128xf32> to vector<1x128xf32>
    %add3A_30 = vector.broadcast %broadcast_in_dim3A_29 : vector<1x128xf32> to vector<1000x128xf32>
    %add3A_31 = arith.addf %mul3A_24, %add3A_30 : vector<1000x128xf32>
    %max3A = arith.constant 0.000000e+00 : f32
    %max3A_32 = vector.broadcast %max3A : f32 to vector<1000x128xf32>
    %max3A_33 = arith.maximumf %add3A_31, %max3A_32 : vector<1000x128xf32>
    %get3A_34 = arith.constant 0 : index
    %get3A_35 = arith.constant 0 : index
    %get3A_36 = arith.constant 0 : index
    %get3A_37 = vector.load %arg6[%get3A_34, %get3A_35, %get3A_36] : memref<4x128x256xf32, #tpu.memory_space<vmem>>, vector<1x128x256xf32>
    %get3A_38 = vector.shape_cast %get3A_37 : vector<1x128x256xf32> to vector<128x256xf32>
    %dot_general3A = arith.constant dense<0.000000e+00> : vector<1000x256xf32>
    %dot_general3A_39 = tpu.matmul %max3A_33, %get3A_38, %dot_general3A {dimension_numbers = #tpu.dot_dimension_numbers<[1], [0], [0], [1], [0, 0, 1, 1], [], []>, transpose_lhs_hint = false} : vector<1000x128xf32>, vector<128x256xf32>, vector<1000x256xf32> -> vector<1000x256xf32>
    %add3A_40 = arith.addf %broadcast_in_dim3A_6, %dot_general3A_39 : vector<1000x256xf32>
    %get3A_41 = arith.constant 0 : index
    %get3A_42 = arith.constant 1 : index
    %get3A_43 = arith.constant 0 : index
    %get3A_44 = arith.constant 0 : index
    %get3A_45 = vector.load %arg1[%get3A_41, %get3A_42, %get3A_43, %get3A_44] : memref<2x4x1000x128xf32, #tpu.memory_space<vmem>>, vector<1x1x1000x128xf32>
    %get3A_46 = vector.shape_cast %get3A_45 : vector<1x1x1000x128xf32> to vector<1000x128xf32>
    %get3A_47 = arith.constant 1 : index
    %get3A_48 = arith.constant 1 : index
    %get3A_49 = arith.constant 0 : index
    %get3A_50 = arith.constant 0 : index
    %get3A_51 = vector.load %arg1[%get3A_47, %get3A_48, %get3A_49, %get3A_50] : memref<2x4x1000x128xf32, #tpu.memory_space<vmem>>, vector<1x1x1000x128xf32>
    %get3A_52 = vector.shape_cast %get3A_51 : vector<1x1x1000x128xf32> to vector<1000x128xf32>
    %add3A_53 = arith.addf %get3A_46, %get3A_52 : vector<1000x128xf32>
    %get3A_54 = arith.constant 0 : index
    %get3A_55 = arith.constant 0 : index
    %get3A_56 = vector.load %arg3[%get3A_54, %get3A_55] : memref<1000x128xf32, #tpu.memory_space<vmem>>, vector<1000x128xf32>
    %add3A_57 = arith.addf %add3A_53, %get3A_56 : vector<1000x128xf32>
    %mul3A_58 = vector.broadcast %rsqrt3A : vector<1000x1xf32> to vector<1000x128xf32>
    %mul3A_59 = arith.mulf %add3A_57, %mul3A_58 : vector<1000x128xf32>
    %get3A_60 = arith.constant 1 : index
    %get3A_61 = arith.constant 0 : index
    %get3A_62 = vector.load %arg7[%get3A_60, %get3A_61] : memref<4x128xf32, #tpu.memory_space<vmem>>, vector<1x128xf32>
    %get3A_63 = vector.shape_cast %get3A_62 : vector<1x128xf32> to vector<128xf32>
    %broadcast_in_dim3A_64 = vector.shape_cast %get3A_63 : vector<128xf32> to vector<1x128xf32>
    %add3A_65 = vector.broadcast %broadcast_in_dim3A_64 : vector<1x128xf32> to vector<1000x128xf32>
    %add3A_66 = arith.addf %mul3A_59, %add3A_65 : vector<1000x128xf32>
    %max3A_67 = arith.constant 0.000000e+00 : f32
    %max3A_68 = vector.broadcast %max3A_67 : f32 to vector<1000x128xf32>
    %max3A_69 = arith.maximumf %add3A_66, %max3A_68 : vector<1000x128xf32>
    %get3A_70 = arith.constant 1 : index
    %get3A_71 = arith.constant 0 : index
    %get3A_72 = arith.constant 0 : index
    %get3A_73 = vector.load %arg6[%get3A_70, %get3A_71, %get3A_72] : memref<4x128x256xf32, #tpu.memory_space<vmem>>, vector<1x128x256xf32>
    %get3A_74 = vector.shape_cast %get3A_73 : vector<1x128x256xf32> to vector<128x256xf32>
    %dot_general3A_75 = arith.constant dense<0.000000e+00> : vector<1000x256xf32>
    %dot_general3A_76 = tpu.matmul %max3A_69, %get3A_74, %dot_general3A_75 {dimension_numbers = #tpu.dot_dimension_numbers<[1], [0], [0], [1], [0, 0, 1, 1], [], []>, transpose_lhs_hint = false} : vector<1000x128xf32>, vector<128x256xf32>, vector<1000x256xf32> -> vector<1000x256xf32>
    %add3A_77 = arith.addf %add3A_40, %dot_general3A_76 : vector<1000x256xf32>
    %get3A_78 = arith.constant 0 : index
    %get3A_79 = arith.constant 2 : index
    %get3A_80 = arith.constant 0 : index
    %get3A_81 = arith.constant 0 : index
    %get3A_82 = vector.load %arg1[%get3A_78, %get3A_79, %get3A_80, %get3A_81] : memref<2x4x1000x128xf32, #tpu.memory_space<vmem>>, vector<1x1x1000x128xf32>
    %get3A_83 = vector.shape_cast %get3A_82 : vector<1x1x1000x128xf32> to vector<1000x128xf32>
    %get3A_84 = arith.constant 1 : index
    %get3A_85 = arith.constant 2 : index
    %get3A_86 = arith.constant 0 : index
    %get3A_87 = arith.constant 0 : index
    %get3A_88 = vector.load %arg1[%get3A_84, %get3A_85, %get3A_86, %get3A_87] : memref<2x4x1000x128xf32, #tpu.memory_space<vmem>>, vector<1x1x1000x128xf32>
    %get3A_89 = vector.shape_cast %get3A_88 : vector<1x1x1000x128xf32> to vector<1000x128xf32>
    %add3A_90 = arith.addf %get3A_83, %get3A_89 : vector<1000x128xf32>
    %get3A_91 = arith.constant 0 : index
    %get3A_92 = arith.constant 0 : index
    %get3A_93 = vector.load %arg4[%get3A_91, %get3A_92] : memref<1000x128xf32, #tpu.memory_space<vmem>>, vector<1000x128xf32>
    %add3A_94 = arith.addf %add3A_90, %get3A_93 : vector<1000x128xf32>
    %mul3A_95 = vector.broadcast %rsqrt3A : vector<1000x1xf32> to vector<1000x128xf32>
    %mul3A_96 = arith.mulf %add3A_94, %mul3A_95 : vector<1000x128xf32>
    %get3A_97 = arith.constant 2 : index
    %get3A_98 = arith.constant 0 : index
    %get3A_99 = vector.load %arg7[%get3A_97, %get3A_98] : memref<4x128xf32, #tpu.memory_space<vmem>>, vector<1x128xf32>
    %get3A_100 = vector.shape_cast %get3A_99 : vector<1x128xf32> to vector<128xf32>
    %broadcast_in_dim3A_101 = vector.shape_cast %get3A_100 : vector<128xf32> to vector<1x128xf32>
    %add3A_102 = vector.broadcast %broadcast_in_dim3A_101 : vector<1x128xf32> to vector<1000x128xf32>
    %add3A_103 = arith.addf %mul3A_96, %add3A_102 : vector<1000x128xf32>
    %max3A_104 = arith.constant 0.000000e+00 : f32
    %max3A_105 = vector.broadcast %max3A_104 : f32 to vector<1000x128xf32>
    %max3A_106 = arith.maximumf %add3A_103, %max3A_105 : vector<1000x128xf32>
    %get3A_107 = arith.constant 2 : index
    %get3A_108 = arith.constant 0 : index
    %get3A_109 = arith.constant 0 : index
    %get3A_110 = vector.load %arg6[%get3A_107, %get3A_108, %get3A_109] : memref<4x128x256xf32, #tpu.memory_space<vmem>>, vector<1x128x256xf32>
    %get3A_111 = vector.shape_cast %get3A_110 : vector<1x128x256xf32> to vector<128x256xf32>
    %dot_general3A_112 = arith.constant dense<0.000000e+00> : vector<1000x256xf32>
    %dot_general3A_113 = tpu.matmul %max3A_106, %get3A_111, %dot_general3A_112 {dimension_numbers = #tpu.dot_dimension_numbers<[1], [0], [0], [1], [0, 0, 1, 1], [], []>, transpose_lhs_hint = false} : vector<1000x128xf32>, vector<128x256xf32>, vector<1000x256xf32> -> vector<1000x256xf32>
    %add3A_114 = arith.addf %add3A_77, %dot_general3A_113 : vector<1000x256xf32>
    %get3A_115 = arith.constant 0 : index
    %get3A_116 = arith.constant 3 : index
    %get3A_117 = arith.constant 0 : index
    %get3A_118 = arith.constant 0 : index
    %get3A_119 = vector.load %arg1[%get3A_115, %get3A_116, %get3A_117, %get3A_118] : memref<2x4x1000x128xf32, #tpu.memory_space<vmem>>, vector<1x1x1000x128xf32>
    %get3A_120 = vector.shape_cast %get3A_119 : vector<1x1x1000x128xf32> to vector<1000x128xf32>
    %get3A_121 = arith.constant 1 : index
    %get3A_122 = arith.constant 3 : index
    %get3A_123 = arith.constant 0 : index
    %get3A_124 = arith.constant 0 : index
    %get3A_125 = vector.load %arg1[%get3A_121, %get3A_122, %get3A_123, %get3A_124] : memref<2x4x1000x128xf32, #tpu.memory_space<vmem>>, vector<1x1x1000x128xf32>
    %get3A_126 = vector.shape_cast %get3A_125 : vector<1x1x1000x128xf32> to vector<1000x128xf32>
    %add3A_127 = arith.addf %get3A_120, %get3A_126 : vector<1000x128xf32>
    %get3A_128 = arith.constant 0 : index
    %get3A_129 = arith.constant 0 : index
    %get3A_130 = vector.load %arg5[%get3A_128, %get3A_129] : memref<1000x128xf32, #tpu.memory_space<vmem>>, vector<1000x128xf32>
    %add3A_131 = arith.addf %add3A_127, %get3A_130 : vector<1000x128xf32>
    %mul3A_132 = vector.broadcast %rsqrt3A : vector<1000x1xf32> to vector<1000x128xf32>
    %mul3A_133 = arith.mulf %add3A_131, %mul3A_132 : vector<1000x128xf32>
    %get3A_134 = arith.constant 3 : index
    %get3A_135 = arith.constant 0 : index
    %get3A_136 = vector.load %arg7[%get3A_134, %get3A_135] : memref<4x128xf32, #tpu.memory_space<vmem>>, vector<1x128xf32>
    %get3A_137 = vector.shape_cast %get3A_136 : vector<1x128xf32> to vector<128xf32>
    %broadcast_in_dim3A_138 = vector.shape_cast %get3A_137 : vector<128xf32> to vector<1x128xf32>
    %add3A_139 = vector.broadcast %broadcast_in_dim3A_138 : vector<1x128xf32> to vector<1000x128xf32>
    %add3A_140 = arith.addf %mul3A_133, %add3A_139 : vector<1000x128xf32>
    %max3A_141 = arith.constant 0.000000e+00 : f32
    %max3A_142 = vector.broadcast %max3A_141 : f32 to vector<1000x128xf32>
    %max3A_143 = arith.maximumf %add3A_140, %max3A_142 : vector<1000x128xf32>
    %get3A_144 = arith.constant 3 : index
    %get3A_145 = arith.constant 0 : index
    %get3A_146 = arith.constant 0 : index
    %get3A_147 = vector.load %arg6[%get3A_144, %get3A_145, %get3A_146] : memref<4x128x256xf32, #tpu.memory_space<vmem>>, vector<1x128x256xf32>
    %get3A_148 = vector.shape_cast %get3A_147 : vector<1x128x256xf32> to vector<128x256xf32>
    %dot_general3A_149 = arith.constant dense<0.000000e+00> : vector<1000x256xf32>
    %dot_general3A_150 = tpu.matmul %max3A_143, %get3A_148, %dot_general3A_149 {dimension_numbers = #tpu.dot_dimension_numbers<[1], [0], [0], [1], [0, 0, 1, 1], [], []>, transpose_lhs_hint = false} : vector<1000x128xf32>, vector<128x256xf32>, vector<1000x256xf32> -> vector<1000x256xf32>
    %add3A_151 = arith.addf %add3A_114, %dot_general3A_150 : vector<1000x256xf32>
    %mul3A_152 = vector.broadcast %rsqrt3A : vector<1000x1xf32> to vector<1000x256xf32>
    %mul3A_153 = arith.mulf %add3A_151, %mul3A_152 : vector<1000x256xf32>
    %slice3A_154 = vector.extract_strided_slice %mul3A_153 {offsets = [0, 0], sizes = [1000, 128], strides = [1, 1]} : vector<1000x256xf32> to vector<1000x128xf32>
    %swap3A = arith.constant 0 : index
    %swap3A_155 = arith.constant 0 : index
    %swap3A_156 = vector.load %arg9[%swap3A, %swap3A_155] : memref<1000x128xf32, #tpu.memory_space<vmem>>, vector<1000x128xf32>
    tpu.vector_store %arg9[%swap3A, %swap3A_155], %slice3A_154 {strides = array<i32>} : memref<1000x128xf32, #tpu.memory_space<vmem>>, vector<1000x128xf32>,
    %slice3A_157 = vector.extract_strided_slice %mul3A_153 {offsets = [0, 128], sizes = [1000, 128], strides = [1, 1]} : vector<1000x256xf32> to vector<1000x128xf32>
    %swap3A_158 = arith.constant 0 : index
    %swap3A_159 = arith.constant 0 : index
    %swap3A_160 = vector.load %arg10[%swap3A_158, %swap3A_159] : memref<1000x128xf32, #tpu.memory_space<vmem>>, vector<1000x128xf32>
    tpu.vector_store %arg10[%swap3A_158, %swap3A_159], %slice3A_157 {strides = array<i32>} : memref<1000x128xf32, #tpu.memory_space<vmem>>, vector<1000x128xf32>,
    return
  }
  func.func @transform_0(%arg0: i32) -> (i32, i32, i32, i32) {
    %c0_i32 = arith.constant 0 : i32
    %c0_i32_0 = arith.constant 0 : i32
    %c0_i32_1 = arith.constant 0 : i32
    %c0_i32_2 = arith.constant 0 : i32
    return %c0_i32, %c0_i32_0, %arg0, %c0_i32_1 : i32, i32, i32, i32
  }
  func.func @transform_1(%arg0: i32) -> (i32, i32) {
    %c0_i32 = arith.constant 0 : i32
    %c0_i32_0 = arith.constant 0 : i32
    return %arg0, %c0_i32 : i32, i32
  }
  func.func @transform_2(%arg0: i32) -> (i32, i32) {
    %c0_i32 = arith.constant 0 : i32
    %c0_i32_0 = arith.constant 0 : i32
    return %arg0, %c0_i32 : i32, i32
  }
  func.func @transform_3(%arg0: i32) -> (i32, i32) {
    %c0_i32 = arith.constant 0 : i32
    %c0_i32_0 = arith.constant 0 : i32
    return %arg0, %c0_i32 : i32, i32
  }
  func.func @transform_4(%arg0: i32) -> (i32, i32) {
    %c0_i32 = arith.constant 0 : i32
    %c0_i32_0 = arith.constant 0 : i32
    return %arg0, %c0_i32 : i32, i32
  }
  func.func @transform_5(%arg0: i32) -> (i32, i32, i32) {
    %c0_i32 = arith.constant 0 : i32
    %c0_i32_0 = arith.constant 0 : i32
    %c0_i32_1 = arith.constant 0 : i32
    %c0_i32_2 = arith.constant 0 : i32
    return %c0_i32, %c0_i32_0, %c0_i32_1 : i32, i32, i32
  }
  func.func @transform_6(%arg0: i32) -> (i32, i32) {
    %c0_i32 = arith.constant 0 : i32
    %c0_i32_0 = arith.constant 0 : i32
    %c0_i32_1 = arith.constant 0 : i32
    return %c0_i32, %c0_i32_0 : i32, i32
  }
  func.func @transform_7(%arg0: i32) -> (i32, i32) {
    %c0_i32 = arith.constant 0 : i32
    %c0_i32_0 = arith.constant 0 : i32
    return %arg0, %c0_i32 : i32, i32
  }
  func.func @transform_8(%arg0: i32) -> (i32, i32) {
    %c0_i32 = arith.constant 0 : i32
    %c0_i32_0 = arith.constant 0 : i32
    return %arg0, %c0_i32 : i32, i32
  }
  func.func @transform_9(%arg0: i32) -> (i32, i32) {
    %c0_i32 = arith.constant 0 : i32
    %c0_i32_0 = arith.constant 0 : i32
    return %arg0, %c0_i32 : i32, i32
  }
}

module attributes {stable_mosaic.version = 14 : i64} {
  func.func @body(%arg0: i32, %arg1: memref<2x2x1000x128xf32, #tpu.memory_space<vmem>>, %arg2: memref<1000x128xf32, #tpu.memory_space<vmem>>, %arg3: memref<1000x128xf32, #tpu.memory_space<vmem>>, %arg4: memref<2x128xf32, #tpu.memory_space<vmem>>, %arg5: memref<1000x2xf32, #tpu.memory_space<vmem>>, %arg6: memref<1000x256xf32, #tpu.memory_space<vmem>>) attributes {dimension_semantics = [#tpu.dimension_semantics<arbitrary>], iteration_bounds = array<i64: 10>, scalar_prefetch = 0 : i64, scratch_operands = 0 : i64, tpu.core_type = #tpu.core_type<tc>, window_params = [{transform_indices = @transform_0, window_bounds = array<i64: 2, 2, 1000, 128>}, {transform_indices = @transform_1, window_bounds = array<i64: 1000, 128>}, {transform_indices = @transform_2, window_bounds = array<i64: 1000, 128>}, {pipeline_mode = #tpu.pipeline_mode<synchronous>, transform_indices = @transform_3, window_bounds = array<i64: 2, 128>}, {transform_indices = @transform_4, window_bounds = array<i64: 1000, 2>}, {transform_indices = @transform_5, window_bounds = array<i64: 1000, 256>}]} {
    %get3A = arith.constant 0 : index
    %get3A_0 = arith.constant 0 : index
    %get3A_1 = vector.load %arg5[%get3A, %get3A_0] : memref<1000x2xf32, #tpu.memory_space<vmem>>, vector<1000x2xf32>
    %slice3A = vector.extract_strided_slice %get3A_1 {offsets = [0, 0], sizes = [1000, 1], strides = [1, 1]} : vector<1000x2xf32> to vector<1000x1xf32>
    %slice3A_2 = vector.extract_strided_slice %get3A_1 {offsets = [0, 1], sizes = [1000, 1], strides = [1, 1]} : vector<1000x2xf32> to vector<1000x1xf32>
    %add3A = arith.addf %slice3A, %slice3A_2 : vector<1000x1xf32>
    %add3A_3 = arith.constant 1.000000e+00 : f32
    %add3A_4 = vector.broadcast %add3A_3 : f32 to vector<1000x1xf32>
    %add3A_5 = arith.addf %add3A, %add3A_4 : vector<1000x1xf32>
    %rsqrt3A = math.rsqrt %add3A_5 : vector<1000x1xf32>
    %get3A_6 = arith.constant 0 : index
    %get3A_7 = arith.constant 0 : index
    %get3A_8 = arith.constant 0 : index
    %get3A_9 = arith.constant 0 : index
    %get3A_10 = vector.load %arg1[%get3A_6, %get3A_7, %get3A_8, %get3A_9] : memref<2x2x1000x128xf32, #tpu.memory_space<vmem>>, vector<1x1x1000x128xf32>
    %get3A_11 = vector.shape_cast %get3A_10 : vector<1x1x1000x128xf32> to vector<1000x128xf32>
    %get3A_12 = arith.constant 1 : index
    %get3A_13 = arith.constant 0 : index
    %get3A_14 = arith.constant 0 : index
    %get3A_15 = arith.constant 0 : index
    %get3A_16 = vector.load %arg1[%get3A_12, %get3A_13, %get3A_14, %get3A_15] : memref<2x2x1000x128xf32, #tpu.memory_space<vmem>>, vector<1x1x1000x128xf32>
    %get3A_17 = vector.shape_cast %get3A_16 : vector<1x1x1000x128xf32> to vector<1000x128xf32>
    %add3A_18 = arith.addf %get3A_11, %get3A_17 : vector<1000x128xf32>
    %get3A_19 = arith.constant 0 : index
    %get3A_20 = arith.constant 0 : index
    %get3A_21 = vector.load %arg2[%get3A_19, %get3A_20] : memref<1000x128xf32, #tpu.memory_space<vmem>>, vector<1000x128xf32>
    %add3A_22 = arith.addf %add3A_18, %get3A_21 : vector<1000x128xf32>
    %mul3A = vector.broadcast %rsqrt3A : vector<1000x1xf32> to vector<1000x128xf32>
    %mul3A_23 = arith.mulf %add3A_22, %mul3A : vector<1000x128xf32>
    %get3A_24 = arith.constant 0 : index
    %get3A_25 = arith.constant 0 : index
    %get3A_26 = vector.load %arg4[%get3A_24, %get3A_25] : memref<2x128xf32, #tpu.memory_space<vmem>>, vector<1x128xf32>
    %get3A_27 = vector.shape_cast %get3A_26 : vector<1x128xf32> to vector<128xf32>
    %broadcast_in_dim3A = vector.shape_cast %get3A_27 : vector<128xf32> to vector<1x128xf32>
    %add3A_28 = vector.broadcast %broadcast_in_dim3A : vector<1x128xf32> to vector<1000x128xf32>
    %add3A_29 = arith.addf %mul3A_23, %add3A_28 : vector<1000x128xf32>
    %swap3A = arith.constant 0 : index
    %swap3A_30 = arith.constant 0 : index
    %swap3A_31 = vector.load %arg6[%swap3A, %swap3A_30] : memref<1000x256xf32, #tpu.memory_space<vmem>>, vector<1000x128xf32>
    tpu.vector_store %arg6[%swap3A, %swap3A_30], %add3A_29 {strides = array<i32>} : memref<1000x256xf32, #tpu.memory_space<vmem>>, vector<1000x128xf32>,
    %get3A_32 = arith.constant 0 : index
    %get3A_33 = arith.constant 1 : index
    %get3A_34 = arith.constant 0 : index
    %get3A_35 = arith.constant 0 : index
    %get3A_36 = vector.load %arg1[%get3A_32, %get3A_33, %get3A_34, %get3A_35] : memref<2x2x1000x128xf32, #tpu.memory_space<vmem>>, vector<1x1x1000x128xf32>
    %get3A_37 = vector.shape_cast %get3A_36 : vector<1x1x1000x128xf32> to vector<1000x128xf32>
    %get3A_38 = arith.constant 1 : index
    %get3A_39 = arith.constant 1 : index
    %get3A_40 = arith.constant 0 : index
    %get3A_41 = arith.constant 0 : index
    %get3A_42 = vector.load %arg1[%get3A_38, %get3A_39, %get3A_40, %get3A_41] : memref<2x2x1000x128xf32, #tpu.memory_space<vmem>>, vector<1x1x1000x128xf32>
    %get3A_43 = vector.shape_cast %get3A_42 : vector<1x1x1000x128xf32> to vector<1000x128xf32>
    %add3A_44 = arith.addf %get3A_37, %get3A_43 : vector<1000x128xf32>
    %get3A_45 = arith.constant 0 : index
    %get3A_46 = arith.constant 0 : index
    %get3A_47 = vector.load %arg3[%get3A_45, %get3A_46] : memref<1000x128xf32, #tpu.memory_space<vmem>>, vector<1000x128xf32>
    %add3A_48 = arith.addf %add3A_44, %get3A_47 : vector<1000x128xf32>
    %mul3A_49 = vector.broadcast %rsqrt3A : vector<1000x1xf32> to vector<1000x128xf32>
    %mul3A_50 = arith.mulf %add3A_48, %mul3A_49 : vector<1000x128xf32>
    %get3A_51 = arith.constant 1 : index
    %get3A_52 = arith.constant 0 : index
    %get3A_53 = vector.load %arg4[%get3A_51, %get3A_52] : memref<2x128xf32, #tpu.memory_space<vmem>>, vector<1x128xf32>
    %get3A_54 = vector.shape_cast %get3A_53 : vector<1x128xf32> to vector<128xf32>
    %broadcast_in_dim3A_55 = vector.shape_cast %get3A_54 : vector<128xf32> to vector<1x128xf32>
    %add3A_56 = vector.broadcast %broadcast_in_dim3A_55 : vector<1x128xf32> to vector<1000x128xf32>
    %add3A_57 = arith.addf %mul3A_50, %add3A_56 : vector<1000x128xf32>
    %swap3A_58 = arith.constant 0 : index
    %swap3A_59 = arith.constant 128 : index
    %swap3A_60 = vector.load %arg6[%swap3A_58, %swap3A_59] : memref<1000x256xf32, #tpu.memory_space<vmem>>, vector<1000x128xf32>
    tpu.vector_store %arg6[%swap3A_58, %swap3A_59], %add3A_57 {strides = array<i32>} : memref<1000x256xf32, #tpu.memory_space<vmem>>, vector<1000x128xf32>,
    return
  }
  func.func @transform_0(%arg0: i32) -> (i32, i32, i32, i32) {
    %c0_i32 = arith.constant 0 : i32
    %c0_i32_0 = arith.constant 0 : i32
    %c0_i32_1 = arith.constant 0 : i32
    %c0_i32_2 = arith.constant 0 : i32
    return %c0_i32, %c0_i32_0, %arg0, %c0_i32_1 : i32, i32, i32, i32
  }
  func.func @transform_1(%arg0: i32) -> (i32, i32) {
    %c0_i32 = arith.constant 0 : i32
    %c0_i32_0 = arith.constant 0 : i32
    return %arg0, %c0_i32 : i32, i32
  }
  func.func @transform_2(%arg0: i32) -> (i32, i32) {
    %c0_i32 = arith.constant 0 : i32
    %c0_i32_0 = arith.constant 0 : i32
    return %arg0, %c0_i32 : i32, i32
  }
  func.func @transform_3(%arg0: i32) -> (i32, i32) {
    %c0_i32 = arith.constant 0 : i32
    %c0_i32_0 = arith.constant 0 : i32
    %c0_i32_1 = arith.constant 0 : i32
    return %c0_i32, %c0_i32_0 : i32, i32
  }
  func.func @transform_4(%arg0: i32) -> (i32, i32) {
    %c0_i32 = arith.constant 0 : i32
    %c0_i32_0 = arith.constant 0 : i32
    return %arg0, %c0_i32 : i32, i32
  }
  func.func @transform_5(%arg0: i32) -> (i32, i32) {
    %c0_i32 = arith.constant 0 : i32
    %c0_i32_0 = arith.constant 0 : i32
    return %arg0, %c0_i32 : i32, i32
  }
}

</mosaic_0001>

<sc_bundles>
// kernel: kernel.11.cloned.1.call-start
scs
__scs_entry_jumppad:
0x0: {  	(pc) =	sbr.rel $0x88, $3  }
0x1: {  	(tag) =	ssettag $0x0;
	lr =	simm.s32 $0x1  }
0x2: {  	[smem:$0x3F9A] =	sst lr;
	_ =	strace $0xD0000000  }
0x3: {  	_ = 	snop  }
0x4: {  	_ = 	snop  }
0x5: {  	_ = 	snop  }
0x6: {  	_ = 	snop  }
0x7: {  	_ = 	snop  }
__scs_overlays_trampoline_lowered:
0x8: {  	[smem:$0x3FA9] =	sst s0  }
0x9: {  	[smem:$0x3FAA] =	sst s1  }
0xa: {  	[smem:$0x3FAB] =	sst s2  }
0xb: {  	[smem:$0x3FAC] =	sst s3  }
0xc: {  	[smem:$0x3FAD] =	sst s4  }
0xd: {  	[smem:$0x3FAE] =	sst s5  }
0xe: {  	[smem:$0x3FAF] =	sst s6  }
0xf: {  	[smem:$0x3FB0] =	sst s7  }
0x10: {  	[smem:$0x3FB1] =	sst s8  }
0x11: {  	[smem:$0x3FB2] =	sst s9;
	s0 =	simm.s32 @!p0 $0x0  }
0x12: {  	s1 =	sld [smem:$0x3F98];
	s0 =	simm.s32 @p0 $0x1  }
0x13: {  	[smem:$0x3FB3] =	sst s0;
	s0 =	simm.s32 @!p1 $0x0  }
0x14: {  	s2 =	sld [smem:$0x3F97];
	s0 =	simm.s32 @p1 $0x1  }
0x15: {  	[smem:$0x3FB4] =	sst s0;
	s0 =	simm.s32 @!p2 $0x0  }
0x16: {  	s3 =	sld [smem:$0x3FDB];
	s0 =	simm.s32 @p2 $0x1  }
0x17: {  	s4 =	simm.s32 $0x1BF5;
	[smem:$0x3FB6] =	sst s0  }
0x18: {  	s0 =	sld [smem:$0x3F99];
	_ =	swait.ge [sflag:s4], $0x0  }
0x19: {  	s7 =	sld [smem:$0x3F9A]  }
0x1a: {  	s8 =	sadd.s32 $0xFFFFE003, lr  }
0x1b: {  	s9 =	sadd.s32 $0xFFFFFEF7, lr;
	s5 =	simm.s32 $0xFFFFFFFF;
	p2 =	slt.u32 s8, $0xFFFFF086  }
0x1c: {  	p1 =	slt.u32 s9, $0xF7A;
	s5 =	simm.s32 @!p2 $0x0  }
0x1d: {  	s5 =	simm.s32 @p1 $0x1;
	p0 =	seq.s32 s7, s2  }
0x1e: {  	s7 =	smul.u32 @!p0 $0xF7A, s2;
	p2 =	seq.s32 @!p0 s5, $0x0  }
0x1f: {  	s9 =	smul.u32 $0xF7A, s1;
	s8 =	simm.s32 @!p0 $0x1BF5;
	p2 =	por !p2, p0  }
0x20: {  	[sflag:s8] =	ssyncset.s32 @!p0 $0xFFFFF086;
	s6 =	sadd.s32 @!p0 s3, s7;
	s7 =	simm.s32 @!p0 $0x108  }
0x21: {  	s3 =	sadd.s32 s3, s9;
	s6 =	sadd.s32 @!p0 $0x88, s6;
	s7 =	simm.s32 @p2 $0x1082  }
0x22: {  	[simem:s7], [sflag:s8] =	dma.local @!p0 [hbm:s6], $0xF7A  }
0x23: {  	s9 =	sor.u32 $0xD0000000, s2;
	s6 =	simm.s32 $0x108;
	_ =	swait.ge @!p0 [sflag:s8], $0x0  }
0x24: {  	s3 =	sadd.s32 $0x88, s3;
	s6 =	simm.s32 @!p1 $0x1082;
	[sflag:s4] =	ssyncset.s32 $0xFFFFF086  }
0x25: {  	[simem:s6], [sflag:s4] =	dma.local [hbm:s3], $0xF7A  }
0x26: {  	[smem:$0x3F9A] =	sst s1;
	(tag) =	ssettag s2;
	_ =	strace s9  }
0x27: {  	s1 =	sld [smem:$0x3FAA]  }
0x28: {  	s2 =	sld [smem:$0x3FAB]  }
0x29: {  	s4 =	sld [smem:$0x3FAD]  }
0x2a: {  	p0 =	seq.s32 s5, $0x0;
	s5 =	sld [smem:$0x3FAE]  }
0x2b: {  	s6 =	sld [smem:$0x3FAF]  }
0x2c: {  	s7 =	sld [smem:$0x3FB0]  }
0x2d: {  	s3 =	simm.s32 $0x108;
	s8 =	sld [smem:$0x3FB1]  }
0x2e: {  	s3 =	simm.s32 @!p0 $0x1082;
	s9 =	sld [smem:$0x3FB2]  }
0x2f: {  	lr =	sadd.s32 s0, s3;
	s0 =	sld [smem:$0x3FA9]  }
0x30: {  	s3 =	sld [smem:$0x3FAC]  }
0x31: {  	[smem:$0x3FB5] =	sst s10  }
0x32: {  	s10 =	sld [smem:$0x3FB3];
	_ =	sdelay $0x3  }
0x33: {  	p0 =	seq.s32 s10, $0x1;
	s10 =	sld [smem:$0x3FB5];
	_ =	sdelay $0x3  }
0x34: {  	[smem:$0x3FB5] =	sst s10  }
0x35: {  	s10 =	sld [smem:$0x3FB4];
	_ =	sdelay $0x3  }
0x36: {  	p1 =	seq.s32 s10, $0x1;
	s10 =	sld [smem:$0x3FB5];
	_ =	sdelay $0x3  }
0x37: {  	[smem:$0x3FB5] =	sst s10  }
0x38: {  	s10 =	sld [smem:$0x3FB6]  }
0x39: {  	_ = 	snop;
	(pc) =	sbr.ind lr, $3  }
0x3a: {  	_ = 	snop  }
0x3b: {  	_ = 	snop  }
0x3c: {  	p2 =	seq.s32 s10, $0x1;
	s10 =	sld [smem:$0x3FB5]  }
0x3d: {  	_ =	shalt  }
0x3e: {  	_ =	shalt  }
0x3f: {  	_ =	shalt  }
0x40: {  	_ =	shalt  }
0x41: {  	_ =	shalt  }
0x42: {  	_ =	shalt  }
0x43: {  	_ =	shalt  }
0x44: {  	_ =	shalt  }
0x45: {  	_ =	shalt  }
0x46: {  	_ =	shalt  }
0x47: {  	_ =	shalt  }
0x48: {  	_ =	shalt  }
0x49: {  	_ =	shalt  }
0x4a: {  	_ =	shalt  }
0x4b: {  	_ =	shalt  }
0x4c: {  	_ =	shalt  }
0x4d: {  	_ =	shalt  }
0x4e: {  	_ =	shalt  }
0x4f: {  	_ =	shalt  }
0x50: {  	_ =	shalt  }
0x51: {  	_ =	shalt  }
0x52: {  	_ =	shalt  }
0x53: {  	_ =	shalt  }
0x54: {  	_ =	shalt  }
0x55: {  	_ =	shalt  }
0x56: {  	_ =	shalt  }
0x57: {  	_ =	shalt  }
0x58: {  	_ =	shalt  }
0x59: {  	_ =	shalt  }
0x5a: {  	_ =	shalt  }
0x5b: {  	_ =	shalt  }
0x5c: {  	_ =	shalt  }
0x5d: {  	_ =	shalt  }
0x5e: {  	_ =	shalt  }
0x5f: {  	_ =	shalt  }
0x60: {  	_ =	shalt  }
0x61: {  	_ =	shalt  }
0x62: {  	_ =	shalt  }
0x63: {  	_ =	shalt  }
0x64: {  	_ =	shalt  }
0x65: {  	_ =	shalt  }
0x66: {  	_ =	shalt  }
0x67: {  	_ =	shalt  }
0x68: {  	_ =	shalt  }
0x69: {  	_ =	shalt  }
0x6a: {  	_ =	shalt  }
0x6b: {  	_ =	shalt  }
0x6c: {  	_ =	shalt  }
0x6d: {  	_ =	shalt  }
0x6e: {  	_ =	shalt  }
0x6f: {  	_ =	shalt  }
0x70: {  	_ =	shalt  }
0x71: {  	_ =	shalt  }
0x72: {  	_ =	shalt  }
0x73: {  	_ =	shalt  }
0x74: {  	_ =	shalt  }
0x75: {  	_ =	shalt  }
0x76: {  	_ =	shalt  }
0x77: {  	_ =	shalt  }
0x78: {  	_ =	shalt  }
0x79: {  	_ =	shalt  }
0x7a: {  	_ =	shalt  }
0x7b: {  	_ =	shalt  }
0x7c: {  	_ =	shalt  }
0x7d: {  	_ =	shalt  }
0x7e: {  	_ =	shalt  }
0x7f: {  	_ =	shalt  }
0x80: {  	_ =	shalt  }
0x81: {  	_ =	shalt  }
0x82: {  	_ =	shalt  }
0x83: {  	_ =	shalt  }
0x84: {  	_ =	shalt  }
0x85: {  	_ =	shalt  }
0x86: {  	_ =	shalt  }
0x87: {  	_ =	shalt  }
.Lfunc_end0:
.L_simem_size_0:
called_computation.1_lowered:
.L_overlay_start_0:
0x88: {  	s2 =	sld [smem:$0x3FD9]  }
0x89: {  	s3 =	sld [smem:$0x3FFE];
	_ =	sdelay $0x1  }
0x8a: {  	s1 =	srdreg.scid  }
0x8b: {  	s0 =	sand.u32 $0x1, s1  }
0x8c: {  	s16 =	sshll.u32 s0, $0xA;
	s2 =	sadd.s32 s3, s2  }
0x8d: {  	s2 =	sadd.s32 s2, s16  }
0x8e: {  	[smem:$0x3FC1] =	sst s2  }
0x8f: {  	_ = 	snop  }
0x90: {  	(tm) =	ssettm $0x1  }
0x91: {  	s17 =	sld [smem:$0x3FFB];
	_ =	sdelay $0x3  }
0x92: {  	_ =	strace s17  }
0x93: {  	s2 =	sld [smem:$0x3FFC];
	_ =	sdelay $0x3  }
0x94: {  	_ =	strace s2  }
0x95: {  	s2 =	sld [smem:$0x3FFD];
	_ =	sdelay $0x3  }
0x96: {  	_ =	strace s2  }
0x97: {  	_ =	strace $0x8FFFFFFF  }
0x98: {  	s18 =	sld [smem:$0x3FDB];
	_ =	sdelay $0x1  }
0x99: {  	s19 =	simm.s32 $_scs_section_size  }
0x9a: {  	s4 =	simm.s32 $_size__tile_overlayer_lowered;
	s5 =	simm.s32 $_tile_overlayer_lowered  }
0x9b: {  	s22 =	simm.s32 $0x1BFF;
	s21 =	sshll.u32 s5, $0x1;
	s2 =	sadd.s32 s19, s18  }
0x9c: {  	s6 =	simm.s32 $0x0;
	s20 =	sshll.u32 s4, $0x1;
	s4 =	sadd.s32 s21, s2  }
0x9d: {  	[timem:s6], [sflag:s22] =	dma.local [hbm:s4], s20  }
0x9e: {  	_ =	swait.ge [sflag:s22], s20  }
0x9f: {  	s3 =	ssub.s32 $0x0, s20;
	[sflag:s22] =	ssyncset.done $0x0  }
0xa0: {  	[sflag:s22] =	ssyncadd.s32 s3;
	_ =	sdelay $0x1  }
0xa1: {  	s23 =	simm.s32 $0x1B8B  }
0xa2: {  	_ =	swait.ge [sflag:s23], $0x1  }
0xa3: {  	[sflag:s23] =	ssyncset.done $0x0  }
0xa4: {  	s25 =	simm.s32 $0x1B8E;
	s24 =	sld [smem:$0x3FFE];
	[sflag:s23] =	ssyncadd.s32 $0xFFFFFFFF  }
0xa5: {  	s26 =	simm.s32 $execute0_lowered;
	[smem:$0x3FD2] =	sst s25  }
0xa6: {  	s4 =	sshll.u32 s26, $0x1;
	_ =	strace $0x80000049;
	[dreg:$0x1] =	wrdreg $0xFFFFFFFF  }
0xa7: {  	s28 =	simm.s32 $_size_execute0_lowered;
	s2 =	sadd.s32 s2, s4;
	[dreg:$0x0] =	wrdreg $0x0  }
0xa8: {  	s4 =	sshll.u32 s28, $0x1;
	[dreg:$0x2] =	wrdreg s2  }
0xa9: {  	[dreg:$0x3] =	wrdreg s4  }
0xaa: {  	[dreg:$0x4] =	wrdreg $0xC0  }
0xab: {  	_ =	task [dreg:s6], $0x5FFFF  }
0xac: {  	[dreg:$0x1] =	wrdreg $0xFFFFFFFF  }
0xad: {  	[dreg:$0x0] =	wrdreg $0x60  }
0xae: {  	[dreg:$0x2] =	wrdreg s24  }
0xaf: {  	[dreg:$0x3] =	wrdreg $0xA8000  }
0xb0: {  	[dreg:$0x4] =	wrdreg $0x9  }
0xb1: {  	_ =	task.clear_ibuf [dreg:s6], $0x5FFFF;
	_ =	strace $0x90000049  }
0xb2: {  	s29 =	simm.s32 $0x9;
	_ =	strace $0x8000004B  }
0xb3: {  	_ =	swait.ge [sflag:s29], $0x1  }
0xb4: {  	[sflag:s29] =	ssyncadd.s32 $0xFFFFFFFF  }
0xb5: {  	_ =	strace $0x9000004B  }
0xb6: {  	_ =	sfence  }
0xb7: {  	s30 =	sld [smem:$0x0];
	_ =	sdelay $0x2  }
0xb8: {  	s31 =	sshll.u32 s1, $0xD;
	s1 =	sshrl.u32 s1, $0x2  }
0xb9: {  	s3 =	sand.u32 $0x4000, s31;
	s1 =	sadd.s32 s1, s30  }
0xba: {  	s0 =	sor.u32 s3, s0;
	s1 =	sshll.u32 s1, $0x11  }
0xbb: {  	s0 =	sor.u32 s1, s0  }
0xbc: {  	s0 =	sadd.s32 $0x8F2B, s0  }
0xbd: {  	[sflag:s0] =	ssyncadd.remote.s32 $0x1  }
0xbe: {  	_ =	sfence.sel $0xFFFF  }
0xbf: {  	[dreg:$0x0] =	wrdreg $0xFFFFFFFF;
	(pc) =	sbr.abs _section_cstart, $3  }
0xc0: {  	[dreg:$0x1] =	wrdreg $0xFFFFFFFF  }
0xc1: {  	_ =	task.clear_ibuf [dreg:s6], $0x2FFFF;
	_ =	strace $0x9FFFFFFF  }
0xc2: {  	(tm) =	ssettm $0x7FFFFFFF  }
0xc3: {  	_ =	shalt  }
tec
execute0_lowered:
.L_overlay_start_1:
0x0: {  	(tag) =	ssettag $0x1  }
0x1: {  	s0 =	srdreg.scid;
	s1 =	rddreg [dreg:$0x0]  }
0x2: {  	s12 =	stileid.u32;
	s2 =	rddreg [dreg:$0x1];
	s16 =	simm.s32 $0x5  }
0x3: {  	s28 =	simm.s32 $0x100;
	s29 =	simm.s32 $0x1500;
	s30 =	simm.s32 $0x4  }
0x4: {  	s31 =	simm.s32 $0x180;
	s0 =	sand.u32 $0x1, s0;
	s10 =	smul.u32 $0x14000, s12  }
0x5: {  	s5 =	sadd.s32 $0x34C00, s1;
	s6 =	sadd.s32 $0x5BE00, s1;
	s7 =	sadd.s32 $0x83000, s1  }
0x6: {  	s18 =	smul.u32 $0x50000, s12;
	s26 =	sshll.u32 s12, $0x6;
	s3 =	sshll.u32 s0, $0x4  }
0x7: {  	s9 =	smul.u32 $0x500000, s0;
	s0 =	ssub.s32 $0x2, s0;
	s4 =	sor.u32 s12, s3  }
0x8: {  	s3 =	simm.s32 $0x0;
	s19 =	sshrl.u32 s0, $0x1;
	s21 =	sshrl.u32 s18, $0x2  }
0x9: {  	s18 =	sor.u32 $0x1C05, s26;
	s26 =	simm.s32 $0x1480;
	s8 =	smul.u32 $0x280, s4  }
0xa: {  	[smem:$0x7FF] =	sst s3;
	s4 =	sadd.s32 $0xDA00, s1;
	s17 =	sadd.s32 s10, s9  }
0xb: {  	s0 =	ssub.s32 s0, s19;
	s10 =	simm.s32 $0x0;
	_ =	strace $0x8000004A  }
0xc: {  	s9 =	sshrl.u32 s17, $0x3;
	s15 =	smax.u32 s0, $0x1;
	s11 =	sadd.s32 s8, s1  }
0xd: {  	s17 =	simm.s32 $0x1400;
	s8 =	sadd.s32 $0xAA200, s1;
	s20 =	sadd.s32 $0x8A00, s11  }
0xe: {  	s1 =	sadd.s32 s9, s1;
	s22 =	sadd.s32 $0x2E00, s11;
	[dreg:$0x3] =	wrdreg s20  }
0xf: {  	s0 =	simm.s32 $0x200;
	s23 =	sadd.s32 $0xACA00, s1;
	[dreg:$0x4] =	wrdreg s22  }
0x10: {  	s9 =	sadd.s32 s21, s2;
	s24 =	sadd.s32 $0xD4A00, s1;
	[dreg:$0x5] =	wrdreg s23  }
.Ltmp0:
0x11: {  	s25 =	sadd.s32 $0xFCA00, s1;
	[dreg:$0x6] =	wrdreg s24;
	(pc) =	sbr.rel .LBB2_1-.Ltmp0, $4  }
0x12: {  	s21 =	simm.s32 $0x2800;
	s1 =	sadd.s32 $0x124A00, s1;
	[dreg:$0x7] =	wrdreg s25  }
0x13: {  	s19 =	sshrl.u32 s9, $0x3;
	s9 =	simm.s32 $0x3;
	[dreg:$0x8] =	wrdreg s1  }
0x14: {  	s20 =	simm.s32 $0x7D;
	s22 =	simm.s32 $0x1;
	s23 =	simm.s32 $0x80  }
0x15: {  	s24 =	simm.s32 $0x6800;
	s25 =	simm.s32 $0x2;
	s1 =	simm.s32 $0x1580  }
.LBB2_13:
0x16: {  	_ =	swait.ge [sflag:s30], $0x3E80  }
0x17: {  	[sflag:s30] =	ssyncset.done $0x0  }
0x18: {  	[sflag:s30] =	ssyncadd.s32 $0xFFFFC180  }
0x19: {  	s10 =	sadd.s32 $0x1, s10;
	[bflag:$0x0] =	sbarrier.arrive $0xFFFF  }
0x1a: {  	p0 =	sne.s32 s10, s15;
	s11 =	rddreg [dreg:$0x8]  }
0x1b: {  	[hbm:s11], [sflag:s18] =	dma.local [spmem:s19], $0x2800  }
.Ltmp1:
0x1c: {  	_ =	swait.ge [sflag:s16], $0x2800;
	(pc) =	sbr.rel @!p0 .LBB2_14-.Ltmp1, $3  }
0x1d: {  	[sflag:s16] =	ssyncset.done $0x0  }
0x1e: {  	[sflag:s16] =	ssyncadd.s32 $0xFFFFD800  }
0x1f: {  	[bflag:$0x0] =	sbarrier.arrive $0xFFFF;
	_ =	sdelay $0x1  }
.LBB2_1:
0x20: {  	s11 =	rddreg [dreg:$0x3]  }
0x21: {  	[tilespmem:s3], [sflag:$0x5] =	stream.linear.gather [hbm4b:s11+s3], $0x1400, $0x38;
	[tilespmem:$0x1E800] =	vst v63  }
0x22: {  	_ =	swait.ge [sflag:s16], $0x1400  }
0x23: {  	[sflag:s16] =	ssyncset.done $0x0  }
0x24: {  	s14 =	rddreg [dreg:$0x4];
	[sflag:s16] =	ssyncadd.s32 $0xFFFFEC00  }
0x25: {  	[tilespmem:s17], [sflag:$0x5] =	stream.linear.gather [hbm4b:s14+s3], $0x1400, $0x38;
	[tilespmem:$0x1E800] =	vst v63  }
0x26: {  	_ =	swait.ge [sflag:s16], $0x1400  }
0x27: {  	[sflag:s16] =	ssyncset.done $0x0  }
0x28: {  	[sflag:s16] =	ssyncadd.s32 $0xFFFFEC00  }
0x29: {  	[spmem:s19], [sflag:s18] =	dma.local [hbm:s8], $0x2800  }
0x2a: {  	_ =	swait.ge [sflag:s16], $0x2800  }
0x2b: {  	[sflag:s16] =	ssyncset.done $0x0  }
0x2c: {  	[sflag:s16] =	ssyncadd.s32 $0xFFFFD800  }
0x2d: {  	[bflag:$0x0] =	sbarrier.arrive $0xFFFF  }
0x2e: {  	[tilespmem:s21], [sflag:$0x1] =	stream.indirect.gather [hbm4b:s4+s20], $0x80, s3, s20, $0xb8;
	[tilespmem:$0x1E800] =	vst v63  }
0x2f: {  	_ =	swait.ge [sflag:s22], $0x3E80  }
0x30: {  	[sflag:s22] =	ssyncset.done $0x0  }
0x31: {  	[sflag:s22] =	ssyncadd.s32 $0xFFFFC180  }
0x32: {  	[spmem:s2] =	stream.indirect.scatter.add.f32 [tilespmem:s21], [sflag:$0x3], $0x80, s17, s20, $0xb8;
	[tilespmem:$0x1E800] =	vst v63  }
0x33: {  	_ = 	snop  }
0x34: {  	[tilespmem:s24], [sflag:$0x2] =	stream.indirect.gather [hbm4b:s4+s20], $0x80, s23, s20, $0xb8;
	[tilespmem:$0x1E800] =	vst v63  }
0x35: {  	_ =	swait.ge [sflag:s25], $0x3E80  }
0x36: {  	[sflag:s25] =	ssyncset.done $0x0  }
0x37: {  	[sflag:s25] =	ssyncadd.s32 $0xFFFFC180  }
0x38: {  	[spmem:s2] =	stream.indirect.scatter.add.f32 [tilespmem:s24], [sflag:$0x4], $0x80, s26, s20, $0xb8;
	[tilespmem:$0x1E800] =	vst v63  }
0x39: {  	_ =	swait.ge [sflag:s9], $0x3E80  }
0x3a: {  	[sflag:s9] =	ssyncset.done $0x0  }
0x3b: {  	[sflag:s9] =	ssyncadd.s32 $0xFFFFC180  }
0x3c: {  	[tilespmem:s21], [sflag:$0x1] =	stream.indirect.gather [hbm4b:s4+s20], $0x80, s28, s20, $0xb8;
	[tilespmem:$0x1E800] =	vst v63  }
0x3d: {  	_ =	swait.ge [sflag:s22], $0x3E80  }
0x3e: {  	[sflag:s22] =	ssyncset.done $0x0  }
0x3f: {  	[sflag:s22] =	ssyncadd.s32 $0xFFFFC180  }
0x40: {  	[spmem:s2] =	stream.indirect.scatter.add.f32 [tilespmem:s21], [sflag:$0x3], $0x80, s29, s20, $0xb8;
	[tilespmem:$0x1E800] =	vst v63  }
0x41: {  	_ =	swait.ge [sflag:s30], $0x3E80  }
0x42: {  	[sflag:s30] =	ssyncset.done $0x0  }
0x43: {  	[sflag:s30] =	ssyncadd.s32 $0xFFFFC180  }
0x44: {  	[tilespmem:s24], [sflag:$0x2] =	stream.indirect.gather [hbm4b:s4+s20], $0x80, s31, s20, $0xb8;
	[tilespmem:$0x1E800] =	vst v63  }
0x45: {  	_ =	swait.ge [sflag:s25], $0x3E80  }
0x46: {  	[sflag:s25] =	ssyncset.done $0x0  }
0x47: {  	[sflag:s25] =	ssyncadd.s32 $0xFFFFC180  }
0x48: {  	[spmem:s2] =	stream.indirect.scatter.add.f32 [tilespmem:s24], [sflag:$0x4], $0x80, s1, s20, $0xb8;
	[tilespmem:$0x1E800] =	vst v63  }
0x49: {  	_ =	swait.ge [sflag:s9], $0x3E80  }
0x4a: {  	[sflag:s9] =	ssyncset.done $0x0  }
0x4b: {  	s12 =	simm.s32 $0x0;
	s11 =	simm.s32 $0x3;
	[sflag:s9] =	ssyncadd.s32 $0xFFFFC180  }
0x4c: {  	[tilespmem:s21], [sflag:$0x1] =	stream.indirect.gather [hbm4b:s4+s20], $0x80, s0, s20, $0xb8;
	[tilespmem:$0x1E800] =	vst v63  }
.LBB2_2:
0x4d: {  	_ =	swait.ge [sflag:s22], $0x3E80  }
0x4e: {  	s13 =	sshra.s32 s12, $0x2;
	[sflag:s22] =	ssyncset.done $0x0  }
0x4f: {  	s14 =	sadd.s32 $0x1600, s13;
	[sflag:s22] =	ssyncadd.s32 $0xFFFFC180  }
0x50: {  	[spmem:s2] =	stream.indirect.scatter.add.f32 [tilespmem:s21], [sflag:$0x3], $0x80, s14, s20, $0xb8;
	[tilespmem:$0x1E800] =	vst v63  }
0x51: {  	_ =	swait.ge [sflag:s30], $0x3E80  }
0x52: {  	[sflag:s30] =	ssyncset.done $0x0  }
0x53: {  	s14 =	sadd.s32 $0x280, s13;
	[sflag:s30] =	ssyncadd.s32 $0xFFFFC180  }
0x54: {  	[tilespmem:s24], [sflag:$0x2] =	stream.indirect.gather [hbm4b:s4+s20], $0x80, s14, s20, $0xb8;
	[tilespmem:$0x1E800] =	vst v63  }
0x55: {  	_ =	swait.ge [sflag:s25], $0x3E80  }
0x56: {  	[sflag:s25] =	ssyncset.done $0x0  }
0x57: {  	s14 =	sadd.s32 $0x1680, s13;
	[sflag:s25] =	ssyncadd.s32 $0xFFFFC180  }
0x58: {  	[spmem:s2] =	stream.indirect.scatter.add.f32 [tilespmem:s24], [sflag:$0x4], $0x80, s14, s20, $0xb8;
	[tilespmem:$0x1E800] =	vst v63  }
0x59: {  	_ =	swait.ge [sflag:s9], $0x3E80  }
0x5a: {  	[sflag:s9] =	ssyncset.done $0x0  }
0x5b: {  	s14 =	sadd.s32 $0x300, s13;
	[sflag:s9] =	ssyncadd.s32 $0xFFFFC180  }
0x5c: {  	[tilespmem:s21], [sflag:$0x1] =	stream.indirect.gather [hbm4b:s4+s20], $0x80, s14, s20, $0xb8;
	[tilespmem:$0x1E800] =	vst v63  }
0x5d: {  	_ =	swait.ge [sflag:s22], $0x3E80  }
0x5e: {  	[sflag:s22] =	ssyncset.done $0x0  }
0x5f: {  	s14 =	sadd.s32 $0x1700, s13;
	[sflag:s22] =	ssyncadd.s32 $0xFFFFC180  }
0x60: {  	[spmem:s2] =	stream.indirect.scatter.add.f32 [tilespmem:s21], [sflag:$0x3], $0x80, s14, s20, $0xb8;
	[tilespmem:$0x1E800] =	vst v63  }
0x61: {  	_ =	swait.ge [sflag:s30], $0x3E80  }
0x62: {  	[sflag:s30] =	ssyncset.done $0x0  }
0x63: {  	s14 =	sadd.s32 $0x380, s13;
	[sflag:s30] =	ssyncadd.s32 $0xFFFFC180  }
0x64: {  	[tilespmem:s24], [sflag:$0x2] =	stream.indirect.gather [hbm4b:s4+s20], $0x80, s14, s20, $0xb8;
	[tilespmem:$0x1E800] =	vst v63  }
0x65: {  	_ =	swait.ge [sflag:s25], $0x3E80  }
0x66: {  	p0 =	sgt.u32 s11, $0x12;
	[sflag:s25] =	ssyncset.done $0x0  }
.Ltmp2:
0x67: {  	s14 =	sadd.s32 $0x1780, s13;
	[sflag:s25] =	ssyncadd.s32 $0xFFFFC180;
	(pc) =	sbr.rel @p0 .LBB2_4-.Ltmp2, $4  }
0x68: {  	[spmem:s2] =	stream.indirect.scatter.add.f32 [tilespmem:s24], [sflag:$0x4], $0x80, s14, s20, $0xb8;
	[tilespmem:$0x1E800] =	vst v63  }
0x69: {  	_ =	swait.ge [sflag:s9], $0x3E80  }
0x6a: {  	[sflag:s9] =	ssyncset.done $0x0  }
0x6b: {  	[sflag:s9] =	ssyncadd.s32 $0xFFFFC180  }
.Ltmp3:
0x6c: {  	(pc) =	sbr.rel .LBB2_2-.Ltmp3, $3  }
0x6d: {  	_ =	sdelay $0x1  }
0x6e: {  	s13 =	sadd.s32 $0x400, s13;
	s12 =	sadd.s32 $0x800, s12;
	s11 =	sadd.s32 $0x2, s11  }
0x6f: {  	[tilespmem:s21], [sflag:$0x1] =	stream.indirect.gather [hbm4b:s4+s20], $0x80, s13, s20, $0xb8;
	[tilespmem:$0x1E800] =	vst v63  }
.LBB2_4:
0x70: {  	_ =	swait.ge [sflag:s30], $0x3E80  }
0x71: {  	[sflag:s30] =	ssyncset.done $0x0  }
0x72: {  	[sflag:s30] =	ssyncadd.s32 $0xFFFFC180  }
0x73: {  	[bflag:$0x0] =	sbarrier.arrive $0xFFFF  }
0x74: {  	s11 =	rddreg [dreg:$0x5]  }
0x75: {  	[hbm:s11], [sflag:s18] =	dma.local [spmem:s19], $0x2800  }
0x76: {  	_ =	swait.ge [sflag:s16], $0x2800  }
0x77: {  	[sflag:s16] =	ssyncset.done $0x0  }
0x78: {  	[sflag:s16] =	ssyncadd.s32 $0xFFFFD800  }
0x79: {  	[bflag:$0x0] =	sbarrier.arrive $0xFFFF  }
0x7a: {  	[spmem:s19], [sflag:s18] =	dma.local [hbm:s8], $0x2800  }
0x7b: {  	_ =	swait.ge [sflag:s16], $0x2800  }
0x7c: {  	[sflag:s16] =	ssyncset.done $0x0  }
0x7d: {  	[sflag:s16] =	ssyncadd.s32 $0xFFFFD800  }
0x7e: {  	s11 =	simm.s32 $0x0;
	[bflag:$0x0] =	sbarrier.arrive $0xFFFF  }
0x7f: {  	[tilespmem:s21], [sflag:$0x1] =	stream.indirect.gather [hbm4b:s5+s20], $0x80, s11, s20, $0xb8;
	[tilespmem:$0x1E800] =	vst v63  }
0x80: {  	_ =	swait.ge [sflag:s22], $0x3E80  }
0x81: {  	[sflag:s22] =	ssyncset.done $0x0  }
0x82: {  	[sflag:s22] =	ssyncadd.s32 $0xFFFFC180  }
0x83: {  	[spmem:s2] =	stream.indirect.scatter.add.f32 [tilespmem:s21], [sflag:$0x3], $0x80, s17, s20, $0xb8;
	[tilespmem:$0x1E800] =	vst v63  }
0x84: {  	_ = 	snop  }
0x85: {  	[tilespmem:s24], [sflag:$0x2] =	stream.indirect.gather [hbm4b:s5+s20], $0x80, s23, s20, $0xb8;
	[tilespmem:$0x1E800] =	vst v63  }
0x86: {  	_ =	swait.ge [sflag:s25], $0x3E80  }
0x87: {  	[sflag:s25] =	ssyncset.done $0x0  }
0x88: {  	s12 =	simm.s32 $0x3;
	[sflag:s25] =	ssyncadd.s32 $0xFFFFC180  }
0x89: {  	[spmem:s2] =	stream.indirect.scatter.add.f32 [tilespmem:s24], [sflag:$0x4], $0x80, s26, s20, $0xb8;
	[tilespmem:$0x1E800] =	vst v63  }
0x8a: {  	_ =	swait.ge [sflag:s12], $0x3E80  }
0x8b: {  	[sflag:s12] =	ssyncset.done $0x0  }
0x8c: {  	[sflag:s12] =	ssyncadd.s32 $0xFFFFC180  }
0x8d: {  	[tilespmem:s21], [sflag:$0x1] =	stream.indirect.gather [hbm4b:s5+s20], $0x80, s28, s20, $0xb8;
	[tilespmem:$0x1E800] =	vst v63  }
0x8e: {  	_ =	swait.ge [sflag:s22], $0x3E80  }
0x8f: {  	[sflag:s22] =	ssyncset.done $0x0  }
0x90: {  	[sflag:s22] =	ssyncadd.s32 $0xFFFFC180  }
0x91: {  	[spmem:s2] =	stream.indirect.scatter.add.f32 [tilespmem:s21], [sflag:$0x3], $0x80, s29, s20, $0xb8;
	[tilespmem:$0x1E800] =	vst v63  }
0x92: {  	_ =	swait.ge [sflag:s30], $0x3E80  }
0x93: {  	[sflag:s30] =	ssyncset.done $0x0  }
0x94: {  	[sflag:s30] =	ssyncadd.s32 $0xFFFFC180  }
0x95: {  	[tilespmem:s24], [sflag:$0x2] =	stream.indirect.gather [hbm4b:s5+s20], $0x80, s31, s20, $0xb8;
	[tilespmem:$0x1E800] =	vst v63  }
0x96: {  	_ =	swait.ge [sflag:s25], $0x3E80  }
0x97: {  	[sflag:s25] =	ssyncset.done $0x0  }
0x98: {  	[sflag:s25] =	ssyncadd.s32 $0xFFFFC180  }
0x99: {  	[spmem:s2] =	stream.indirect.scatter.add.f32 [tilespmem:s24], [sflag:$0x4], $0x80, s1, s20, $0xb8;
	[tilespmem:$0x1E800] =	vst v63  }
0x9a: {  	_ =	swait.ge [sflag:s12], $0x3E80  }
0x9b: {  	[sflag:s12] =	ssyncset.done $0x0  }
0x9c: {  	[sflag:s12] =	ssyncadd.s32 $0xFFFFC180  }
0x9d: {  	[tilespmem:s21], [sflag:$0x1] =	stream.indirect.gather [hbm4b:s5+s20], $0x80, s0, s20, $0xb8;
	[tilespmem:$0x1E800] =	vst v63  }
.LBB2_5:
0x9e: {  	_ =	swait.ge [sflag:s22], $0x3E80  }
0x9f: {  	s13 =	sshra.s32 s11, $0x2;
	[sflag:s22] =	ssyncset.done $0x0  }
0xa0: {  	s14 =	sadd.s32 $0x1600, s13;
	[sflag:s22] =	ssyncadd.s32 $0xFFFFC180  }
0xa1: {  	[spmem:s2] =	stream.indirect.scatter.add.f32 [tilespmem:s21], [sflag:$0x3], $0x80, s14, s20, $0xb8;
	[tilespmem:$0x1E800] =	vst v63  }
0xa2: {  	_ =	swait.ge [sflag:s30], $0x3E80  }
0xa3: {  	[sflag:s30] =	ssyncset.done $0x0  }
0xa4: {  	s14 =	sadd.s32 $0x280, s13;
	[sflag:s30] =	ssyncadd.s32 $0xFFFFC180  }
0xa5: {  	[tilespmem:s24], [sflag:$0x2] =	stream.indirect.gather [hbm4b:s5+s20], $0x80, s14, s20, $0xb8;
	[tilespmem:$0x1E800] =	vst v63  }
0xa6: {  	_ =	swait.ge [sflag:s25], $0x3E80  }
0xa7: {  	[sflag:s25] =	ssyncset.done $0x0  }
0xa8: {  	s14 =	sadd.s32 $0x1680, s13;
	[sflag:s25] =	ssyncadd.s32 $0xFFFFC180  }
0xa9: {  	[spmem:s2] =	stream.indirect.scatter.add.f32 [tilespmem:s24], [sflag:$0x4], $0x80, s14, s20, $0xb8;
	[tilespmem:$0x1E800] =	vst v63  }
0xaa: {  	_ =	swait.ge [sflag:s9], $0x3E80  }
0xab: {  	[sflag:s9] =	ssyncset.done $0x0  }
0xac: {  	s14 =	sadd.s32 $0x300, s13;
	[sflag:s9] =	ssyncadd.s32 $0xFFFFC180  }
0xad: {  	[tilespmem:s21], [sflag:$0x1] =	stream.indirect.gather [hbm4b:s5+s20], $0x80, s14, s20, $0xb8;
	[tilespmem:$0x1E800] =	vst v63  }
0xae: {  	_ =	swait.ge [sflag:s22], $0x3E80  }
0xaf: {  	[sflag:s22] =	ssyncset.done $0x0  }
0xb0: {  	s14 =	sadd.s32 $0x1700, s13;
	[sflag:s22] =	ssyncadd.s32 $0xFFFFC180  }
0xb1: {  	[spmem:s2] =	stream.indirect.scatter.add.f32 [tilespmem:s21], [sflag:$0x3], $0x80, s14, s20, $0xb8;
	[tilespmem:$0x1E800] =	vst v63  }
0xb2: {  	_ =	swait.ge [sflag:s30], $0x3E80  }
0xb3: {  	[sflag:s30] =	ssyncset.done $0x0  }
0xb4: {  	s14 =	sadd.s32 $0x380, s13;
	[sflag:s30] =	ssyncadd.s32 $0xFFFFC180  }
0xb5: {  	[tilespmem:s24], [sflag:$0x2] =	stream.indirect.gather [hbm4b:s5+s20], $0x80, s14, s20, $0xb8;
	[tilespmem:$0x1E800] =	vst v63  }
0xb6: {  	_ =	swait.ge [sflag:s25], $0x3E80  }
0xb7: {  	p0 =	sgt.u32 s12, $0x12;
	[sflag:s25] =	ssyncset.done $0x0  }
.Ltmp4:
0xb8: {  	s14 =	sadd.s32 $0x1780, s13;
	[sflag:s25] =	ssyncadd.s32 $0xFFFFC180;
	(pc) =	sbr.rel @p0 .LBB2_7-.Ltmp4, $4  }
0xb9: {  	[spmem:s2] =	stream.indirect.scatter.add.f32 [tilespmem:s24], [sflag:$0x4], $0x80, s14, s20, $0xb8;
	[tilespmem:$0x1E800] =	vst v63  }
0xba: {  	_ =	swait.ge [sflag:s9], $0x3E80  }
0xbb: {  	[sflag:s9] =	ssyncset.done $0x0  }
0xbc: {  	[sflag:s9] =	ssyncadd.s32 $0xFFFFC180  }
.Ltmp5:
0xbd: {  	(pc) =	sbr.rel .LBB2_5-.Ltmp5, $3  }
0xbe: {  	_ =	sdelay $0x1  }
0xbf: {  	s13 =	sadd.s32 $0x400, s13;
	s11 =	sadd.s32 $0x800, s11;
	s12 =	sadd.s32 $0x2, s12  }
0xc0: {  	[tilespmem:s21], [sflag:$0x1] =	stream.indirect.gather [hbm4b:s5+s20], $0x80, s13, s20, $0xb8;
	[tilespmem:$0x1E800] =	vst v63  }
.LBB2_7:
0xc1: {  	_ =	swait.ge [sflag:s30], $0x3E80  }
0xc2: {  	[sflag:s30] =	ssyncset.done $0x0  }
0xc3: {  	[sflag:s30] =	ssyncadd.s32 $0xFFFFC180  }
0xc4: {  	[bflag:$0x0] =	sbarrier.arrive $0xFFFF  }
0xc5: {  	s11 =	rddreg [dreg:$0x6]  }
0xc6: {  	[hbm:s11], [sflag:s18] =	dma.local [spmem:s19], $0x2800  }
0xc7: {  	_ =	swait.ge [sflag:s16], $0x2800  }
0xc8: {  	[sflag:s16] =	ssyncset.done $0x0  }
0xc9: {  	[sflag:s16] =	ssyncadd.s32 $0xFFFFD800  }
0xca: {  	[bflag:$0x0] =	sbarrier.arrive $0xFFFF  }
0xcb: {  	[spmem:s19], [sflag:s18] =	dma.local [hbm:s8], $0x2800  }
0xcc: {  	_ =	swait.ge [sflag:s16], $0x2800  }
0xcd: {  	[sflag:s16] =	ssyncset.done $0x0  }
0xce: {  	[sflag:s16] =	ssyncadd.s32 $0xFFFFD800  }
0xcf: {  	s11 =	simm.s32 $0x0;
	[bflag:$0x0] =	sbarrier.arrive $0xFFFF  }
0xd0: {  	[tilespmem:s21], [sflag:$0x1] =	stream.indirect.gather [hbm4b:s6+s20], $0x80, s11, s20, $0xb8;
	[tilespmem:$0x1E800] =	vst v63  }
0xd1: {  	_ =	swait.ge [sflag:s22], $0x3E80  }
0xd2: {  	[sflag:s22] =	ssyncset.done $0x0  }
0xd3: {  	[sflag:s22] =	ssyncadd.s32 $0xFFFFC180  }
0xd4: {  	[spmem:s2] =	stream.indirect.scatter.add.f32 [tilespmem:s21], [sflag:$0x3], $0x80, s17, s20, $0xb8;
	[tilespmem:$0x1E800] =	vst v63  }
0xd5: {  	_ = 	snop  }
0xd6: {  	[tilespmem:s24], [sflag:$0x2] =	stream.indirect.gather [hbm4b:s6+s20], $0x80, s23, s20, $0xb8;
	[tilespmem:$0x1E800] =	vst v63  }
0xd7: {  	_ =	swait.ge [sflag:s25], $0x3E80  }
0xd8: {  	[sflag:s25] =	ssyncset.done $0x0  }
0xd9: {  	s12 =	simm.s32 $0x3;
	[sflag:s25] =	ssyncadd.s32 $0xFFFFC180  }
0xda: {  	[spmem:s2] =	stream.indirect.scatter.add.f32 [tilespmem:s24], [sflag:$0x4], $0x80, s26, s20, $0xb8;
	[tilespmem:$0x1E800] =	vst v63  }
0xdb: {  	_ =	swait.ge [sflag:s12], $0x3E80  }
0xdc: {  	[sflag:s12] =	ssyncset.done $0x0  }
0xdd: {  	[sflag:s12] =	ssyncadd.s32 $0xFFFFC180  }
0xde: {  	[tilespmem:s21], [sflag:$0x1] =	stream.indirect.gather [hbm4b:s6+s20], $0x80, s28, s20, $0xb8;
	[tilespmem:$0x1E800] =	vst v63  }
0xdf: {  	_ =	swait.ge [sflag:s22], $0x3E80  }
0xe0: {  	[sflag:s22] =	ssyncset.done $0x0  }
0xe1: {  	[sflag:s22] =	ssyncadd.s32 $0xFFFFC180  }
0xe2: {  	[spmem:s2] =	stream.indirect.scatter.add.f32 [tilespmem:s21], [sflag:$0x3], $0x80, s29, s20, $0xb8;
	[tilespmem:$0x1E800] =	vst v63  }
0xe3: {  	_ =	swait.ge [sflag:s30], $0x3E80  }
0xe4: {  	[sflag:s30] =	ssyncset.done $0x0  }
0xe5: {  	[sflag:s30] =	ssyncadd.s32 $0xFFFFC180  }
0xe6: {  	[tilespmem:s24], [sflag:$0x2] =	stream.indirect.gather [hbm4b:s6+s20], $0x80, s31, s20, $0xb8;
	[tilespmem:$0x1E800] =	vst v63  }
0xe7: {  	_ =	swait.ge [sflag:s25], $0x3E80  }
0xe8: {  	[sflag:s25] =	ssyncset.done $0x0  }
0xe9: {  	[sflag:s25] =	ssyncadd.s32 $0xFFFFC180  }
0xea: {  	[spmem:s2] =	stream.indirect.scatter.add.f32 [tilespmem:s24], [sflag:$0x4], $0x80, s1, s20, $0xb8;
	[tilespmem:$0x1E800] =	vst v63  }
0xeb: {  	_ =	swait.ge [sflag:s12], $0x3E80  }
0xec: {  	[sflag:s12] =	ssyncset.done $0x0  }
0xed: {  	[sflag:s12] =	ssyncadd.s32 $0xFFFFC180  }
0xee: {  	[tilespmem:s21], [sflag:$0x1] =	stream.indirect.gather [hbm4b:s6+s20], $0x80, s0, s20, $0xb8;
	[tilespmem:$0x1E800] =	vst v63  }
.LBB2_8:
0xef: {  	_ =	swait.ge [sflag:s22], $0x3E80  }
0xf0: {  	s13 =	sshra.s32 s11, $0x2;
	[sflag:s22] =	ssyncset.done $0x0  }
0xf1: {  	s14 =	sadd.s32 $0x1600, s13;
	[sflag:s22] =	ssyncadd.s32 $0xFFFFC180  }
0xf2: {  	[spmem:s2] =	stream.indirect.scatter.add.f32 [tilespmem:s21], [sflag:$0x3], $0x80, s14, s20, $0xb8;
	[tilespmem:$0x1E800] =	vst v63  }
0xf3: {  	_ =	swait.ge [sflag:s30], $0x3E80  }
0xf4: {  	[sflag:s30] =	ssyncset.done $0x0  }
0xf5: {  	s14 =	sadd.s32 $0x280, s13;
	[sflag:s30] =	ssyncadd.s32 $0xFFFFC180  }
0xf6: {  	[tilespmem:s24], [sflag:$0x2] =	stream.indirect.gather [hbm4b:s6+s20], $0x80, s14, s20, $0xb8;
	[tilespmem:$0x1E800] =	vst v63  }
0xf7: {  	_ =	swait.ge [sflag:s25], $0x3E80  }
0xf8: {  	[sflag:s25] =	ssyncset.done $0x0  }
0xf9: {  	s14 =	sadd.s32 $0x1680, s13;
	[sflag:s25] =	ssyncadd.s32 $0xFFFFC180  }
0xfa: {  	[spmem:s2] =	stream.indirect.scatter.add.f32 [tilespmem:s24], [sflag:$0x4], $0x80, s14, s20, $0xb8;
	[tilespmem:$0x1E800] =	vst v63  }
0xfb: {  	_ =	swait.ge [sflag:s9], $0x3E80  }
0xfc: {  	[sflag:s9] =	ssyncset.done $0x0  }
0xfd: {  	s14 =	sadd.s32 $0x300, s13;
	[sflag:s9] =	ssyncadd.s32 $0xFFFFC180  }
0xfe: {  	[tilespmem:s21], [sflag:$0x1] =	stream.indirect.gather [hbm4b:s6+s20], $0x80, s14, s20, $0xb8;
	[tilespmem:$0x1E800] =	vst v63  }
0xff: {  	_ =	swait.ge [sflag:s22], $0x3E80  }
0x100: {  	[sflag:s22] =	ssyncset.done $0x0  }
0x101: {  	s14 =	sadd.s32 $0x1700, s13;
	[sflag:s22] =	ssyncadd.s32 $0xFFFFC180  }
0x102: {  	[spmem:s2] =	stream.indirect.scatter.add.f32 [tilespmem:s21], [sflag:$0x3], $0x80, s14, s20, $0xb8;
	[tilespmem:$0x1E800] =	vst v63  }
0x103: {  	_ =	swait.ge [sflag:s30], $0x3E80  }
0x104: {  	[sflag:s30] =	ssyncset.done $0x0  }
0x105: {  	s14 =	sadd.s32 $0x380, s13;
	[sflag:s30] =	ssyncadd.s32 $0xFFFFC180  }
0x106: {  	[tilespmem:s24], [sflag:$0x2] =	stream.indirect.gather [hbm4b:s6+s20], $0x80, s14, s20, $0xb8;
	[tilespmem:$0x1E800] =	vst v63  }
0x107: {  	_ =	swait.ge [sflag:s25], $0x3E80  }
0x108: {  	p0 =	sgt.u32 s12, $0x12;
	[sflag:s25] =	ssyncset.done $0x0  }
.Ltmp6:
0x109: {  	s14 =	sadd.s32 $0x1780, s13;
	[sflag:s25] =	ssyncadd.s32 $0xFFFFC180;
	(pc) =	sbr.rel @p0 .LBB2_10-.Ltmp6, $4  }
0x10a: {  	[spmem:s2] =	stream.indirect.scatter.add.f32 [tilespmem:s24], [sflag:$0x4], $0x80, s14, s20, $0xb8;
	[tilespmem:$0x1E800] =	vst v63  }
0x10b: {  	_ =	swait.ge [sflag:s9], $0x3E80  }
0x10c: {  	[sflag:s9] =	ssyncset.done $0x0  }
0x10d: {  	[sflag:s9] =	ssyncadd.s32 $0xFFFFC180  }
.Ltmp7:
0x10e: {  	(pc) =	sbr.rel .LBB2_8-.Ltmp7, $3  }
0x10f: {  	_ =	sdelay $0x1  }
0x110: {  	s13 =	sadd.s32 $0x400, s13;
	s11 =	sadd.s32 $0x800, s11;
	s12 =	sadd.s32 $0x2, s12  }
0x111: {  	[tilespmem:s21], [sflag:$0x1] =	stream.indirect.gather [hbm4b:s6+s20], $0x80, s13, s20, $0xb8;
	[tilespmem:$0x1E800] =	vst v63  }
.LBB2_10:
0x112: {  	_ =	swait.ge [sflag:s30], $0x3E80  }
0x113: {  	[sflag:s30] =	ssyncset.done $0x0  }
0x114: {  	[sflag:s30] =	ssyncadd.s32 $0xFFFFC180  }
0x115: {  	[bflag:$0x0] =	sbarrier.arrive $0xFFFF  }
0x116: {  	s11 =	rddreg [dreg:$0x7]  }
0x117: {  	[hbm:s11], [sflag:s18] =	dma.local [spmem:s19], $0x2800  }
0x118: {  	_ =	swait.ge [sflag:s16], $0x2800  }
0x119: {  	[sflag:s16] =	ssyncset.done $0x0  }
0x11a: {  	[sflag:s16] =	ssyncadd.s32 $0xFFFFD800  }
0x11b: {  	[bflag:$0x0] =	sbarrier.arrive $0xFFFF  }
0x11c: {  	[spmem:s19], [sflag:s18] =	dma.local [hbm:s8], $0x2800  }
0x11d: {  	_ =	swait.ge [sflag:s16], $0x2800  }
0x11e: {  	[sflag:s16] =	ssyncset.done $0x0  }
0x11f: {  	[sflag:s16] =	ssyncadd.s32 $0xFFFFD800  }
0x120: {  	s11 =	simm.s32 $0x0;
	[bflag:$0x0] =	sbarrier.arrive $0xFFFF  }
0x121: {  	[tilespmem:s21], [sflag:$0x1] =	stream.indirect.gather [hbm4b:s7+s20], $0x80, s11, s20, $0xb8;
	[tilespmem:$0x1E800] =	vst v63  }
0x122: {  	_ =	swait.ge [sflag:s22], $0x3E80  }
0x123: {  	[sflag:s22] =	ssyncset.done $0x0  }
0x124: {  	[sflag:s22] =	ssyncadd.s32 $0xFFFFC180  }
0x125: {  	[spmem:s2] =	stream.indirect.scatter.add.f32 [tilespmem:s21], [sflag:$0x3], $0x80, s17, s20, $0xb8;
	[tilespmem:$0x1E800] =	vst v63  }
0x126: {  	_ = 	snop  }
0x127: {  	[tilespmem:s24], [sflag:$0x2] =	stream.indirect.gather [hbm4b:s7+s20], $0x80, s23, s20, $0xb8;
	[tilespmem:$0x1E800] =	vst v63  }
0x128: {  	_ =	swait.ge [sflag:s25], $0x3E80  }
0x129: {  	[sflag:s25] =	ssyncset.done $0x0  }
0x12a: {  	s12 =	simm.s32 $0x3;
	[sflag:s25] =	ssyncadd.s32 $0xFFFFC180  }
0x12b: {  	[spmem:s2] =	stream.indirect.scatter.add.f32 [tilespmem:s24], [sflag:$0x4], $0x80, s26, s20, $0xb8;
	[tilespmem:$0x1E800] =	vst v63  }
0x12c: {  	_ =	swait.ge [sflag:s12], $0x3E80  }
0x12d: {  	[sflag:s12] =	ssyncset.done $0x0  }
0x12e: {  	[sflag:s12] =	ssyncadd.s32 $0xFFFFC180  }
0x12f: {  	[tilespmem:s21], [sflag:$0x1] =	stream.indirect.gather [hbm4b:s7+s20], $0x80, s28, s20, $0xb8;
	[tilespmem:$0x1E800] =	vst v63  }
0x130: {  	_ =	swait.ge [sflag:s22], $0x3E80  }
0x131: {  	[sflag:s22] =	ssyncset.done $0x0  }
0x132: {  	[sflag:s22] =	ssyncadd.s32 $0xFFFFC180  }
0x133: {  	[spmem:s2] =	stream.indirect.scatter.add.f32 [tilespmem:s21], [sflag:$0x3], $0x80, s29, s20, $0xb8;
	[tilespmem:$0x1E800] =	vst v63  }
0x134: {  	_ =	swait.ge [sflag:s30], $0x3E80  }
0x135: {  	[sflag:s30] =	ssyncset.done $0x0  }
0x136: {  	[sflag:s30] =	ssyncadd.s32 $0xFFFFC180  }
0x137: {  	[tilespmem:s24], [sflag:$0x2] =	stream.indirect.gather [hbm4b:s7+s20], $0x80, s31, s20, $0xb8;
	[tilespmem:$0x1E800] =	vst v63  }
0x138: {  	_ =	swait.ge [sflag:s25], $0x3E80  }
0x139: {  	[sflag:s25] =	ssyncset.done $0x0  }
0x13a: {  	[sflag:s25] =	ssyncadd.s32 $0xFFFFC180  }
0x13b: {  	[spmem:s2] =	stream.indirect.scatter.add.f32 [tilespmem:s24], [sflag:$0x4], $0x80, s1, s20, $0xb8;
	[tilespmem:$0x1E800] =	vst v63  }
0x13c: {  	_ =	swait.ge [sflag:s12], $0x3E80  }
0x13d: {  	[sflag:s12] =	ssyncset.done $0x0  }
0x13e: {  	[sflag:s12] =	ssyncadd.s32 $0xFFFFC180  }
0x13f: {  	[tilespmem:s21], [sflag:$0x1] =	stream.indirect.gather [hbm4b:s7+s20], $0x80, s0, s20, $0xb8;
	[tilespmem:$0x1E800] =	vst v63  }
.LBB2_11:
0x140: {  	_ =	swait.ge [sflag:s22], $0x3E80  }
0x141: {  	s13 =	sshra.s32 s11, $0x2;
	[sflag:s22] =	ssyncset.done $0x0  }
0x142: {  	s14 =	sadd.s32 $0x1600, s13;
	[sflag:s22] =	ssyncadd.s32 $0xFFFFC180  }
0x143: {  	[spmem:s2] =	stream.indirect.scatter.add.f32 [tilespmem:s21], [sflag:$0x3], $0x80, s14, s20, $0xb8;
	[tilespmem:$0x1E800] =	vst v63  }
0x144: {  	_ =	swait.ge [sflag:s30], $0x3E80  }
0x145: {  	[sflag:s30] =	ssyncset.done $0x0  }
0x146: {  	s14 =	sadd.s32 $0x280, s13;
	[sflag:s30] =	ssyncadd.s32 $0xFFFFC180  }
0x147: {  	[tilespmem:s24], [sflag:$0x2] =	stream.indirect.gather [hbm4b:s7+s20], $0x80, s14, s20, $0xb8;
	[tilespmem:$0x1E800] =	vst v63  }
0x148: {  	_ =	swait.ge [sflag:s25], $0x3E80  }
0x149: {  	[sflag:s25] =	ssyncset.done $0x0  }
0x14a: {  	s14 =	sadd.s32 $0x1680, s13;
	[sflag:s25] =	ssyncadd.s32 $0xFFFFC180  }
0x14b: {  	[spmem:s2] =	stream.indirect.scatter.add.f32 [tilespmem:s24], [sflag:$0x4], $0x80, s14, s20, $0xb8;
	[tilespmem:$0x1E800] =	vst v63  }
0x14c: {  	_ =	swait.ge [sflag:s9], $0x3E80  }
0x14d: {  	[sflag:s9] =	ssyncset.done $0x0  }
0x14e: {  	s14 =	sadd.s32 $0x300, s13;
	[sflag:s9] =	ssyncadd.s32 $0xFFFFC180  }
0x14f: {  	[tilespmem:s21], [sflag:$0x1] =	stream.indirect.gather [hbm4b:s7+s20], $0x80, s14, s20, $0xb8;
	[tilespmem:$0x1E800] =	vst v63  }
0x150: {  	_ =	swait.ge [sflag:s22], $0x3E80  }
0x151: {  	[sflag:s22] =	ssyncset.done $0x0  }
0x152: {  	s14 =	sadd.s32 $0x1700, s13;
	[sflag:s22] =	ssyncadd.s32 $0xFFFFC180  }
0x153: {  	[spmem:s2] =	stream.indirect.scatter.add.f32 [tilespmem:s21], [sflag:$0x3], $0x80, s14, s20, $0xb8;
	[tilespmem:$0x1E800] =	vst v63  }
0x154: {  	_ =	swait.ge [sflag:s30], $0x3E80  }
0x155: {  	[sflag:s30] =	ssyncset.done $0x0  }
0x156: {  	s14 =	sadd.s32 $0x380, s13;
	[sflag:s30] =	ssyncadd.s32 $0xFFFFC180  }
0x157: {  	[tilespmem:s24], [sflag:$0x2] =	stream.indirect.gather [hbm4b:s7+s20], $0x80, s14, s20, $0xb8;
	[tilespmem:$0x1E800] =	vst v63  }
0x158: {  	_ =	swait.ge [sflag:s25], $0x3E80  }
0x159: {  	p0 =	sgt.u32 s12, $0x12;
	[sflag:s25] =	ssyncset.done $0x0  }
.Ltmp8:
0x15a: {  	s14 =	sadd.s32 $0x1780, s13;
	[sflag:s25] =	ssyncadd.s32 $0xFFFFC180;
	(pc) =	sbr.rel @p0 .LBB2_13-.Ltmp8, $4  }
0x15b: {  	[spmem:s2] =	stream.indirect.scatter.add.f32 [tilespmem:s24], [sflag:$0x4], $0x80, s14, s20, $0xb8;
	[tilespmem:$0x1E800] =	vst v63  }
0x15c: {  	_ =	swait.ge [sflag:s9], $0x3E80  }
0x15d: {  	[sflag:s9] =	ssyncset.done $0x0  }
0x15e: {  	[sflag:s9] =	ssyncadd.s32 $0xFFFFC180  }
.Ltmp9:
0x15f: {  	(pc) =	sbr.rel .LBB2_11-.Ltmp9, $3  }
0x160: {  	_ =	sdelay $0x1  }
0x161: {  	s13 =	sadd.s32 $0x400, s13;
	s11 =	sadd.s32 $0x800, s11;
	s12 =	sadd.s32 $0x2, s12  }
0x162: {  	[tilespmem:s21], [sflag:$0x1] =	stream.indirect.gather [hbm4b:s7+s20], $0x80, s13, s20, $0xb8;
	[tilespmem:$0x1E800] =	vst v63  }
.LBB2_14:
0x163: {  	_ =	sfence.sel $0x180000  }
0x164: {  	[bflag:$0x0] =	sbarrier.arrive $0xFFFF  }
0x165: {  	_ =	strace $0x9000004A  }
0x166: {  	s0 =	stileid.u32;
	[bflag:$0x2] =	sbarrier.arrive $0xFFFF  }
0x167: {  	p0 =	sne.s32 s0, $0x0;
	s0 =	rddreg [dreg:$0x2]  }
0x168: {  	s0 =	sadd.s32 @!p0 $0x100000, s0  }
0x169: {  	[sflag:s0] =	ssyncadd.tile.s32 @!p0 $0x1;
	_ =	shalt  }
.Lfunc_end2:
_tile_overlayer_lowered:
.L_overlay_start_2:
0x16a: {  	(tag) =	ssettag $0x2  }
0x16b: {  	s0 =	rddreg [dreg:$0x0];
	s2 =	stileid.u32  }
0x16c: {  	s1 =	rddreg [dreg:$0x1];
	p0 =	sne.s32 s2, $0x0  }
0x16d: {  	s3 =	rddreg [dreg:$0x2];
	[bflag:$0x3] =	sbarrier.arrive $0xFFFF;
	s2 =	simm.s32 @!p0 $0x1C05  }
0x16e: {  	[timem:s3], [sflag:s2] =	dma.local @!p0 [hbm:s0], s1  }
0x16f: {  	s0 =	simm.s32 @!p0 $0x5  }
0x170: {  	_ =	swait.ge @!p0 [sflag:s0], s1  }
0x171: {  	s1 =	ssub.s32 @!p0 $0x0, s1;
	[sflag:s0] =	ssyncset.done @!p0 $0x0  }
0x172: {  	[sflag:s0] =	ssyncadd.s32 @!p0 s1  }
0x173: {  	[bflag:$0x3] =	sbarrier.arrive $0xFFFF  }
0x174: {  	_ =	shalt  }

// kernel: kernel.14.cloned.1.call-start
scs
__scs_entry_jumppad:
0x0: {  	(pc) =	sbr.rel $0x88, $3  }
0x1: {  	(tag) =	ssettag $0x0;
	lr =	simm.s32 $0x1  }
0x2: {  	[smem:$0x3F9A] =	sst lr;
	_ =	strace $0xD0000000  }
0x3: {  	_ = 	snop  }
0x4: {  	_ = 	snop  }
0x5: {  	_ = 	snop  }
0x6: {  	_ = 	snop  }
0x7: {  	_ = 	snop  }
__scs_overlays_trampoline_lowered:
0x8: {  	[smem:$0x3FA9] =	sst s0  }
0x9: {  	[smem:$0x3FAA] =	sst s1  }
0xa: {  	[smem:$0x3FAB] =	sst s2  }
0xb: {  	[smem:$0x3FAC] =	sst s3  }
0xc: {  	[smem:$0x3FAD] =	sst s4  }
0xd: {  	[smem:$0x3FAE] =	sst s5  }
0xe: {  	[smem:$0x3FAF] =	sst s6  }
0xf: {  	[smem:$0x3FB0] =	sst s7  }
0x10: {  	[smem:$0x3FB1] =	sst s8  }
0x11: {  	[smem:$0x3FB2] =	sst s9;
	s0 =	simm.s32 @!p0 $0x0  }
0x12: {  	s1 =	sld [smem:$0x3F98];
	s0 =	simm.s32 @p0 $0x1  }
0x13: {  	[smem:$0x3FB3] =	sst s0;
	s0 =	simm.s32 @!p1 $0x0  }
0x14: {  	s2 =	sld [smem:$0x3F97];
	s0 =	simm.s32 @p1 $0x1  }
0x15: {  	[smem:$0x3FB4] =	sst s0;
	s0 =	simm.s32 @!p2 $0x0  }
0x16: {  	s3 =	sld [smem:$0x3FDB];
	s0 =	simm.s32 @p2 $0x1  }
0x17: {  	s4 =	simm.s32 $0x1BF5;
	[smem:$0x3FB6] =	sst s0  }
0x18: {  	s0 =	sld [smem:$0x3F99];
	_ =	swait.ge [sflag:s4], $0x0  }
0x19: {  	s7 =	sld [smem:$0x3F9A]  }
0x1a: {  	s8 =	sadd.s32 $0xFFFFE003, lr  }
0x1b: {  	s9 =	sadd.s32 $0xFFFFFEF7, lr;
	s5 =	simm.s32 $0xFFFFFFFF;
	p2 =	slt.u32 s8, $0xFFFFF086  }
0x1c: {  	p1 =	slt.u32 s9, $0xF7A;
	s5 =	simm.s32 @!p2 $0x0  }
0x1d: {  	s5 =	simm.s32 @p1 $0x1;
	p0 =	seq.s32 s7, s2  }
0x1e: {  	s7 =	smul.u32 @!p0 $0xF7A, s2;
	p2 =	seq.s32 @!p0 s5, $0x0  }
0x1f: {  	s9 =	smul.u32 $0xF7A, s1;
	s8 =	simm.s32 @!p0 $0x1BF5;
	p2 =	por !p2, p0  }
0x20: {  	[sflag:s8] =	ssyncset.s32 @!p0 $0xFFFFF086;
	s6 =	sadd.s32 @!p0 s3, s7;
	s7 =	simm.s32 @!p0 $0x108  }
0x21: {  	s3 =	sadd.s32 s3, s9;
	s6 =	sadd.s32 @!p0 $0x88, s6;
	s7 =	simm.s32 @p2 $0x1082  }
0x22: {  	[simem:s7], [sflag:s8] =	dma.local @!p0 [hbm:s6], $0xF7A  }
0x23: {  	s9 =	sor.u32 $0xD0000000, s2;
	s6 =	simm.s32 $0x108;
	_ =	swait.ge @!p0 [sflag:s8], $0x0  }
0x24: {  	s3 =	sadd.s32 $0x88, s3;
	s6 =	simm.s32 @!p1 $0x1082;
	[sflag:s4] =	ssyncset.s32 $0xFFFFF086  }
0x25: {  	[simem:s6], [sflag:s4] =	dma.local [hbm:s3], $0xF7A  }
0x26: {  	[smem:$0x3F9A] =	sst s1;
	(tag) =	ssettag s2;
	_ =	strace s9  }
0x27: {  	s1 =	sld [smem:$0x3FAA]  }
0x28: {  	s2 =	sld [smem:$0x3FAB]  }
0x29: {  	s4 =	sld [smem:$0x3FAD]  }
0x2a: {  	p0 =	seq.s32 s5, $0x0;
	s5 =	sld [smem:$0x3FAE]  }
0x2b: {  	s6 =	sld [smem:$0x3FAF]  }
0x2c: {  	s7 =	sld [smem:$0x3FB0]  }
0x2d: {  	s3 =	simm.s32 $0x108;
	s8 =	sld [smem:$0x3FB1]  }
0x2e: {  	s3 =	simm.s32 @!p0 $0x1082;
	s9 =	sld [smem:$0x3FB2]  }
0x2f: {  	lr =	sadd.s32 s0, s3;
	s0 =	sld [smem:$0x3FA9]  }
0x30: {  	s3 =	sld [smem:$0x3FAC]  }
0x31: {  	[smem:$0x3FB5] =	sst s10  }
0x32: {  	s10 =	sld [smem:$0x3FB3];
	_ =	sdelay $0x3  }
0x33: {  	p0 =	seq.s32 s10, $0x1;
	s10 =	sld [smem:$0x3FB5];
	_ =	sdelay $0x3  }
0x34: {  	[smem:$0x3FB5] =	sst s10  }
0x35: {  	s10 =	sld [smem:$0x3FB4];
	_ =	sdelay $0x3  }
0x36: {  	p1 =	seq.s32 s10, $0x1;
	s10 =	sld [smem:$0x3FB5];
	_ =	sdelay $0x3  }
0x37: {  	[smem:$0x3FB5] =	sst s10  }
0x38: {  	s10 =	sld [smem:$0x3FB6]  }
0x39: {  	_ = 	snop;
	(pc) =	sbr.ind lr, $3  }
0x3a: {  	_ = 	snop  }
0x3b: {  	_ = 	snop  }
0x3c: {  	p2 =	seq.s32 s10, $0x1;
	s10 =	sld [smem:$0x3FB5]  }
0x3d: {  	_ =	shalt  }
0x3e: {  	_ =	shalt  }
0x3f: {  	_ =	shalt  }
0x40: {  	_ =	shalt  }
0x41: {  	_ =	shalt  }
0x42: {  	_ =	shalt  }
0x43: {  	_ =	shalt  }
0x44: {  	_ =	shalt  }
0x45: {  	_ =	shalt  }
0x46: {  	_ =	shalt  }
0x47: {  	_ =	shalt  }
0x48: {  	_ =	shalt  }
0x49: {  	_ =	shalt  }
0x4a: {  	_ =	shalt  }
0x4b: {  	_ =	shalt  }
0x4c: {  	_ =	shalt  }
0x4d: {  	_ =	shalt  }
0x4e: {  	_ =	shalt  }
0x4f: {  	_ =	shalt  }
0x50: {  	_ =	shalt  }
0x51: {  	_ =	shalt  }
0x52: {  	_ =	shalt  }
0x53: {  	_ =	shalt  }
0x54: {  	_ =	shalt  }
0x55: {  	_ =	shalt  }
0x56: {  	_ =	shalt  }
0x57: {  	_ =	shalt  }
0x58: {  	_ =	shalt  }
0x59: {  	_ =	shalt  }
0x5a: {  	_ =	shalt  }
0x5b: {  	_ =	shalt  }
0x5c: {  	_ =	shalt  }
0x5d: {  	_ =	shalt  }
0x5e: {  	_ =	shalt  }
0x5f: {  	_ =	shalt  }
0x60: {  	_ =	shalt  }
0x61: {  	_ =	shalt  }
0x62: {  	_ =	shalt  }
0x63: {  	_ =	shalt  }
0x64: {  	_ =	shalt  }
0x65: {  	_ =	shalt  }
0x66: {  	_ =	shalt  }
0x67: {  	_ =	shalt  }
0x68: {  	_ =	shalt  }
0x69: {  	_ =	shalt  }
0x6a: {  	_ =	shalt  }
0x6b: {  	_ =	shalt  }
0x6c: {  	_ =	shalt  }
0x6d: {  	_ =	shalt  }
0x6e: {  	_ =	shalt  }
0x6f: {  	_ =	shalt  }
0x70: {  	_ =	shalt  }
0x71: {  	_ =	shalt  }
0x72: {  	_ =	shalt  }
0x73: {  	_ =	shalt  }
0x74: {  	_ =	shalt  }
0x75: {  	_ =	shalt  }
0x76: {  	_ =	shalt  }
0x77: {  	_ =	shalt  }
0x78: {  	_ =	shalt  }
0x79: {  	_ =	shalt  }
0x7a: {  	_ =	shalt  }
0x7b: {  	_ =	shalt  }
0x7c: {  	_ =	shalt  }
0x7d: {  	_ =	shalt  }
0x7e: {  	_ =	shalt  }
0x7f: {  	_ =	shalt  }
0x80: {  	_ =	shalt  }
0x81: {  	_ =	shalt  }
0x82: {  	_ =	shalt  }
0x83: {  	_ =	shalt  }
0x84: {  	_ =	shalt  }
0x85: {  	_ =	shalt  }
0x86: {  	_ =	shalt  }
0x87: {  	_ =	shalt  }
.Lfunc_end0:
.L_simem_size_0:
called_computation.2_lowered:
.L_overlay_start_0:
0x88: {  	s2 =	sld [smem:$0x3FD9]  }
0x89: {  	s3 =	sld [smem:$0x3FFE];
	_ =	sdelay $0x1  }
0x8a: {  	s1 =	srdreg.scid  }
0x8b: {  	s0 =	sand.u32 $0x1, s1  }
0x8c: {  	s16 =	sshll.u32 s0, $0xA;
	s2 =	sadd.s32 s3, s2  }
0x8d: {  	s2 =	sadd.s32 s2, s16  }
0x8e: {  	[smem:$0x3FC1] =	sst s2  }
0x8f: {  	_ = 	snop  }
0x90: {  	(tm) =	ssettm $0x1  }
0x91: {  	s17 =	sld [smem:$0x3FFB];
	_ =	sdelay $0x3  }
0x92: {  	_ =	strace s17  }
0x93: {  	s2 =	sld [smem:$0x3FFC];
	_ =	sdelay $0x3  }
0x94: {  	_ =	strace s2  }
0x95: {  	s2 =	sld [smem:$0x3FFD];
	_ =	sdelay $0x3  }
0x96: {  	_ =	strace s2  }
0x97: {  	_ =	strace $0x8FFFFFFF  }
0x98: {  	s18 =	sld [smem:$0x3FDB];
	_ =	sdelay $0x1  }
0x99: {  	s19 =	simm.s32 $_scs_section_size  }
0x9a: {  	s4 =	simm.s32 $_size__tile_overlayer_lowered;
	s5 =	simm.s32 $_tile_overlayer_lowered  }
0x9b: {  	s22 =	simm.s32 $0x1BFF;
	s21 =	sshll.u32 s5, $0x1;
	s2 =	sadd.s32 s19, s18  }
0x9c: {  	s6 =	simm.s32 $0x0;
	s20 =	sshll.u32 s4, $0x1;
	s4 =	sadd.s32 s21, s2  }
0x9d: {  	[timem:s6], [sflag:s22] =	dma.local [hbm:s4], s20  }
0x9e: {  	_ =	swait.ge [sflag:s22], s20  }
0x9f: {  	s3 =	ssub.s32 $0x0, s20;
	[sflag:s22] =	ssyncset.done $0x0  }
0xa0: {  	[sflag:s22] =	ssyncadd.s32 s3;
	_ =	sdelay $0x1  }
0xa1: {  	s23 =	simm.s32 $0x1B8B  }
0xa2: {  	_ =	swait.ge [sflag:s23], $0x1  }
0xa3: {  	[sflag:s23] =	ssyncset.done $0x0  }
0xa4: {  	s25 =	simm.s32 $0x1B8E;
	s24 =	sld [smem:$0x3FFE];
	[sflag:s23] =	ssyncadd.s32 $0xFFFFFFFF  }
0xa5: {  	s26 =	simm.s32 $execute0_lowered;
	[smem:$0x3FD2] =	sst s25  }
0xa6: {  	s4 =	sshll.u32 s26, $0x1;
	_ =	strace $0x8000004C;
	[dreg:$0x1] =	wrdreg $0xFFFFFFFF  }
0xa7: {  	s28 =	simm.s32 $_size_execute0_lowered;
	s2 =	sadd.s32 s2, s4;
	[dreg:$0x0] =	wrdreg $0x0  }
0xa8: {  	s4 =	sshll.u32 s28, $0x1;
	[dreg:$0x2] =	wrdreg s2  }
0xa9: {  	[dreg:$0x3] =	wrdreg s4  }
0xaa: {  	[dreg:$0x4] =	wrdreg $0xC0  }
0xab: {  	_ =	task [dreg:s6], $0x5FFFF  }
0xac: {  	[dreg:$0x1] =	wrdreg $0xFFFFFFFF  }
0xad: {  	[dreg:$0x0] =	wrdreg $0x60  }
0xae: {  	[dreg:$0x2] =	wrdreg s24  }
0xaf: {  	[dreg:$0x3] =	wrdreg $0xA8000  }
0xb0: {  	[dreg:$0x4] =	wrdreg $0x9  }
0xb1: {  	_ =	task.clear_ibuf [dreg:s6], $0x5FFFF;
	_ =	strace $0x9000004C  }
0xb2: {  	s29 =	simm.s32 $0x9;
	_ =	strace $0x8000004E  }
0xb3: {  	_ =	swait.ge [sflag:s29], $0x1  }
0xb4: {  	[sflag:s29] =	ssyncadd.s32 $0xFFFFFFFF  }
0xb5: {  	_ =	strace $0x9000004E  }
0xb6: {  	_ =	sfence  }
0xb7: {  	s30 =	sld [smem:$0x0];
	_ =	sdelay $0x2  }
0xb8: {  	s31 =	sshll.u32 s1, $0xD;
	s1 =	sshrl.u32 s1, $0x2  }
0xb9: {  	s3 =	sand.u32 $0x4000, s31;
	s1 =	sadd.s32 s1, s30  }
0xba: {  	s0 =	sor.u32 s3, s0;
	s1 =	sshll.u32 s1, $0x11  }
0xbb: {  	s0 =	sor.u32 s1, s0  }
0xbc: {  	s0 =	sadd.s32 $0x8F2B, s0  }
0xbd: {  	[sflag:s0] =	ssyncadd.remote.s32 $0x1  }
0xbe: {  	_ =	sfence.sel $0xFFFF  }
0xbf: {  	[dreg:$0x0] =	wrdreg $0xFFFFFFFF;
	(pc) =	sbr.abs _section_cstart, $3  }
0xc0: {  	[dreg:$0x1] =	wrdreg $0xFFFFFFFF  }
0xc1: {  	_ =	task.clear_ibuf [dreg:s6], $0x2FFFF;
	_ =	strace $0x9FFFFFFF  }
0xc2: {  	(tm) =	ssettm $0x7FFFFFFF  }
0xc3: {  	_ =	shalt  }
tec
execute0_lowered:
.L_overlay_start_1:
0x0: {  	(tag) =	ssettag $0x1  }
0x1: {  	s0 =	srdreg.scid  }
0x2: {  	s13 =	stileid.u32;
	s7 =	rddreg [dreg:$0x0]  }
0x3: {  	s2 =	rddreg [dreg:$0x1];
	s3 =	simm.s32 $0x0;
	s12 =	simm.s32 $0x5  }
0x4: {  	s16 =	simm.s32 $0x7D;
	s17 =	simm.s32 $0x2800;
	s18 =	simm.s32 $0x1  }
0x5: {  	s19 =	simm.s32 $0x80;
	s20 =	simm.s32 $0x6800;
	s21 =	simm.s32 $0x2  }
0x6: {  	s22 =	simm.s32 $0x1480;
	s23 =	simm.s32 $0x100;
	s28 =	simm.s32 $0x1580  }
0x7: {  	s29 =	simm.s32 $0x200;
	s30 =	simm.s32 $0x3;
	s31 =	simm.s32 $0x0  }
0x8: {  	s0 =	sand.u32 $0x1, s0;
	[smem:$0x7FF] =	sst s3;
	s8 =	smul.u32 $0x14000, s13  }
0x9: {  	s4 =	sadd.s32 $0xDA00, s7;
	s5 =	sadd.s32 $0x34C00, s7;
	s10 =	smul.u32 $0x50000, s13  }
0xa: {  	s26 =	sshll.u32 s13, $0x6;
	s1 =	sshll.u32 s0, $0x4;
	s6 =	smul.u32 $0x280000, s0  }
0xb: {  	_ =	strace $0x8000004D;
	s0 =	ssub.s32 $0x2, s0;
	s14 =	sor.u32 $0x1C05, s26  }
0xc: {  	s26 =	simm.s32 $0x180;
	s1 =	sor.u32 s13, s1;
	s9 =	sshrl.u32 s0, $0x1  }
0xd: {  	s25 =	sshrl.u32 s10, $0x2;
	s1 =	smul.u32 $0x280, s1;
	s6 =	sadd.s32 s8, s6  }
0xe: {  	s13 =	simm.s32 $0x1400;
	s0 =	ssub.s32 s0, s9;
	s8 =	sshrl.u32 s6, $0x3  }
.Ltmp0:
0xf: {  	s6 =	sadd.s32 $0xAA200, s7;
	s1 =	sadd.s32 s1, s7;
	(pc) =	sbr.rel .LBB2_1-.Ltmp0, $4  }
0x10: {  	s11 =	smax.u32 s0, $0x1;
	s7 =	sadd.s32 s8, s7;
	s24 =	sadd.s32 $0x8A00, s1  }
0x11: {  	s1 =	sadd.s32 $0x2E00, s1;
	s9 =	sadd.s32 $0xACA00, s7;
	[dreg:$0x3] =	wrdreg s24  }
0x12: {  	s10 =	sadd.s32 $0xD4A00, s7;
	[dreg:$0x4] =	wrdreg s1;
	s1 =	sadd.s32 s25, s2  }
0x13: {  	s24 =	simm.s32 $0x1500;
	s25 =	simm.s32 $0x4;
	s15 =	sshrl.u32 s1, $0x3  }
.LBB2_7:
0x14: {  	_ =	swait.ge [sflag:s25], $0x3E80  }
0x15: {  	[sflag:s25] =	ssyncset.done $0x0  }
0x16: {  	s31 =	sadd.s32 $0x1, s31;
	[sflag:s25] =	ssyncadd.s32 $0xFFFFC180  }
0x17: {  	p0 =	sne.s32 s31, s11;
	[bflag:$0x0] =	sbarrier.arrive $0xFFFF  }
0x18: {  	[hbm:s10], [sflag:s14] =	dma.local [spmem:s15], $0x2800  }
.Ltmp1:
0x19: {  	_ =	swait.ge [sflag:s12], $0x2800;
	(pc) =	sbr.rel @!p0 .LBB2_8-.Ltmp1, $3  }
0x1a: {  	[sflag:s12] =	ssyncset.done $0x0  }
0x1b: {  	[sflag:s12] =	ssyncadd.s32 $0xFFFFD800  }
0x1c: {  	[bflag:$0x0] =	sbarrier.arrive $0xFFFF;
	_ =	sdelay $0x1  }
.LBB2_1:
0x1d: {  	s0 =	rddreg [dreg:$0x3]  }
0x1e: {  	[tilespmem:s3], [sflag:$0x5] =	stream.linear.gather [hbm4b:s0+s3], $0x1400, $0x38;
	[tilespmem:$0x1E800] =	vst v63  }
0x1f: {  	_ =	swait.ge [sflag:s12], $0x1400  }
0x20: {  	[sflag:s12] =	ssyncset.done $0x0  }
0x21: {  	s8 =	rddreg [dreg:$0x4];
	[sflag:s12] =	ssyncadd.s32 $0xFFFFEC00  }
0x22: {  	[tilespmem:s13], [sflag:$0x5] =	stream.linear.gather [hbm4b:s8+s3], $0x1400, $0x38;
	[tilespmem:$0x1E800] =	vst v63  }
0x23: {  	_ =	swait.ge [sflag:s12], $0x1400  }
0x24: {  	[sflag:s12] =	ssyncset.done $0x0  }
0x25: {  	[sflag:s12] =	ssyncadd.s32 $0xFFFFEC00  }
0x26: {  	[spmem:s15], [sflag:s14] =	dma.local [hbm:s6], $0x2800  }
0x27: {  	_ =	swait.ge [sflag:s12], $0x2800  }
0x28: {  	[sflag:s12] =	ssyncset.done $0x0  }
0x29: {  	[sflag:s12] =	ssyncadd.s32 $0xFFFFD800  }
0x2a: {  	[bflag:$0x0] =	sbarrier.arrive $0xFFFF  }
0x2b: {  	[tilespmem:s17], [sflag:$0x1] =	stream.indirect.gather [hbm4b:s4+s16], $0x80, s3, s16, $0xb8;
	[tilespmem:$0x1E800] =	vst v63  }
0x2c: {  	_ =	swait.ge [sflag:s18], $0x3E80  }
0x2d: {  	[sflag:s18] =	ssyncset.done $0x0  }
0x2e: {  	[sflag:s18] =	ssyncadd.s32 $0xFFFFC180  }
0x2f: {  	[spmem:s2] =	stream.indirect.scatter.add.f32 [tilespmem:s17], [sflag:$0x3], $0x80, s13, s16, $0xb8;
	[tilespmem:$0x1E800] =	vst v63  }
0x30: {  	_ = 	snop  }
0x31: {  	[tilespmem:s20], [sflag:$0x2] =	stream.indirect.gather [hbm4b:s4+s16], $0x80, s19, s16, $0xb8;
	[tilespmem:$0x1E800] =	vst v63  }
0x32: {  	_ =	swait.ge [sflag:s21], $0x3E80  }
0x33: {  	[sflag:s21] =	ssyncset.done $0x0  }
0x34: {  	[sflag:s21] =	ssyncadd.s32 $0xFFFFC180  }
0x35: {  	[spmem:s2] =	stream.indirect.scatter.add.f32 [tilespmem:s20], [sflag:$0x4], $0x80, s22, s16, $0xb8;
	[tilespmem:$0x1E800] =	vst v63  }
0x36: {  	_ =	swait.ge [sflag:s30], $0x3E80  }
0x37: {  	[sflag:s30] =	ssyncset.done $0x0  }
0x38: {  	[sflag:s30] =	ssyncadd.s32 $0xFFFFC180  }
0x39: {  	[tilespmem:s17], [sflag:$0x1] =	stream.indirect.gather [hbm4b:s4+s16], $0x80, s23, s16, $0xb8;
	[tilespmem:$0x1E800] =	vst v63  }
0x3a: {  	_ =	swait.ge [sflag:s18], $0x3E80  }
0x3b: {  	[sflag:s18] =	ssyncset.done $0x0  }
0x3c: {  	[sflag:s18] =	ssyncadd.s32 $0xFFFFC180  }
0x3d: {  	[spmem:s2] =	stream.indirect.scatter.add.f32 [tilespmem:s17], [sflag:$0x3], $0x80, s24, s16, $0xb8;
	[tilespmem:$0x1E800] =	vst v63  }
0x3e: {  	_ =	swait.ge [sflag:s25], $0x3E80  }
0x3f: {  	[sflag:s25] =	ssyncset.done $0x0  }
0x40: {  	[sflag:s25] =	ssyncadd.s32 $0xFFFFC180  }
0x41: {  	[tilespmem:s20], [sflag:$0x2] =	stream.indirect.gather [hbm4b:s4+s16], $0x80, s26, s16, $0xb8;
	[tilespmem:$0x1E800] =	vst v63  }
0x42: {  	_ =	swait.ge [sflag:s21], $0x3E80  }
0x43: {  	[sflag:s21] =	ssyncset.done $0x0  }
0x44: {  	[sflag:s21] =	ssyncadd.s32 $0xFFFFC180  }
0x45: {  	[spmem:s2] =	stream.indirect.scatter.add.f32 [tilespmem:s20], [sflag:$0x4], $0x80, s28, s16, $0xb8;
	[tilespmem:$0x1E800] =	vst v63  }
0x46: {  	_ =	swait.ge [sflag:s30], $0x3E80  }
0x47: {  	[sflag:s30] =	ssyncset.done $0x0  }
0x48: {  	s1 =	simm.s32 $0x0;
	s0 =	simm.s32 $0x3;
	[sflag:s30] =	ssyncadd.s32 $0xFFFFC180  }
0x49: {  	[tilespmem:s17], [sflag:$0x1] =	stream.indirect.gather [hbm4b:s4+s16], $0x80, s29, s16, $0xb8;
	[tilespmem:$0x1E800] =	vst v63  }
.LBB2_2:
0x4a: {  	_ =	swait.ge [sflag:s18], $0x3E80  }
0x4b: {  	s7 =	sshra.s32 s1, $0x2;
	[sflag:s18] =	ssyncset.done $0x0  }
0x4c: {  	s8 =	sadd.s32 $0x1600, s7;
	[sflag:s18] =	ssyncadd.s32 $0xFFFFC180  }
0x4d: {  	[spmem:s2] =	stream.indirect.scatter.add.f32 [tilespmem:s17], [sflag:$0x3], $0x80, s8, s16, $0xb8;
	[tilespmem:$0x1E800] =	vst v63  }
0x4e: {  	_ =	swait.ge [sflag:s25], $0x3E80  }
0x4f: {  	[sflag:s25] =	ssyncset.done $0x0  }
0x50: {  	s8 =	sadd.s32 $0x280, s7;
	[sflag:s25] =	ssyncadd.s32 $0xFFFFC180  }
0x51: {  	[tilespmem:s20], [sflag:$0x2] =	stream.indirect.gather [hbm4b:s4+s16], $0x80, s8, s16, $0xb8;
	[tilespmem:$0x1E800] =	vst v63  }
0x52: {  	_ =	swait.ge [sflag:s21], $0x3E80  }
0x53: {  	[sflag:s21] =	ssyncset.done $0x0  }
0x54: {  	s8 =	sadd.s32 $0x1680, s7;
	[sflag:s21] =	ssyncadd.s32 $0xFFFFC180  }
0x55: {  	[spmem:s2] =	stream.indirect.scatter.add.f32 [tilespmem:s20], [sflag:$0x4], $0x80, s8, s16, $0xb8;
	[tilespmem:$0x1E800] =	vst v63  }
0x56: {  	_ =	swait.ge [sflag:s30], $0x3E80  }
0x57: {  	[sflag:s30] =	ssyncset.done $0x0  }
0x58: {  	s8 =	sadd.s32 $0x300, s7;
	[sflag:s30] =	ssyncadd.s32 $0xFFFFC180  }
0x59: {  	[tilespmem:s17], [sflag:$0x1] =	stream.indirect.gather [hbm4b:s4+s16], $0x80, s8, s16, $0xb8;
	[tilespmem:$0x1E800] =	vst v63  }
0x5a: {  	_ =	swait.ge [sflag:s18], $0x3E80  }
0x5b: {  	[sflag:s18] =	ssyncset.done $0x0  }
0x5c: {  	s8 =	sadd.s32 $0x1700, s7;
	[sflag:s18] =	ssyncadd.s32 $0xFFFFC180  }
0x5d: {  	[spmem:s2] =	stream.indirect.scatter.add.f32 [tilespmem:s17], [sflag:$0x3], $0x80, s8, s16, $0xb8;
	[tilespmem:$0x1E800] =	vst v63  }
0x5e: {  	_ =	swait.ge [sflag:s25], $0x3E80  }
0x5f: {  	[sflag:s25] =	ssyncset.done $0x0  }
0x60: {  	s8 =	sadd.s32 $0x380, s7;
	[sflag:s25] =	ssyncadd.s32 $0xFFFFC180  }
0x61: {  	[tilespmem:s20], [sflag:$0x2] =	stream.indirect.gather [hbm4b:s4+s16], $0x80, s8, s16, $0xb8;
	[tilespmem:$0x1E800] =	vst v63  }
0x62: {  	_ =	swait.ge [sflag:s21], $0x3E80  }
0x63: {  	p0 =	sgt.u32 s0, $0x12;
	[sflag:s21] =	ssyncset.done $0x0  }
.Ltmp2:
0x64: {  	s8 =	sadd.s32 $0x1780, s7;
	[sflag:s21] =	ssyncadd.s32 $0xFFFFC180;
	(pc) =	sbr.rel @p0 .LBB2_4-.Ltmp2, $4  }
0x65: {  	[spmem:s2] =	stream.indirect.scatter.add.f32 [tilespmem:s20], [sflag:$0x4], $0x80, s8, s16, $0xb8;
	[tilespmem:$0x1E800] =	vst v63  }
0x66: {  	_ =	swait.ge [sflag:s30], $0x3E80  }
0x67: {  	[sflag:s30] =	ssyncset.done $0x0  }
0x68: {  	[sflag:s30] =	ssyncadd.s32 $0xFFFFC180  }
.Ltmp3:
0x69: {  	(pc) =	sbr.rel .LBB2_2-.Ltmp3, $3  }
0x6a: {  	_ =	sdelay $0x1  }
0x6b: {  	s7 =	sadd.s32 $0x400, s7;
	s1 =	sadd.s32 $0x800, s1;
	s0 =	sadd.s32 $0x2, s0  }
0x6c: {  	[tilespmem:s17], [sflag:$0x1] =	stream.indirect.gather [hbm4b:s4+s16], $0x80, s7, s16, $0xb8;
	[tilespmem:$0x1E800] =	vst v63  }
.LBB2_4:
0x6d: {  	_ =	swait.ge [sflag:s25], $0x3E80  }
0x6e: {  	[sflag:s25] =	ssyncset.done $0x0  }
0x6f: {  	[sflag:s25] =	ssyncadd.s32 $0xFFFFC180  }
0x70: {  	[bflag:$0x0] =	sbarrier.arrive $0xFFFF  }
0x71: {  	[hbm:s9], [sflag:s14] =	dma.local [spmem:s15], $0x2800  }
0x72: {  	_ =	swait.ge [sflag:s12], $0x2800  }
0x73: {  	[sflag:s12] =	ssyncset.done $0x0  }
0x74: {  	[sflag:s12] =	ssyncadd.s32 $0xFFFFD800  }
0x75: {  	[bflag:$0x0] =	sbarrier.arrive $0xFFFF  }
0x76: {  	[spmem:s15], [sflag:s14] =	dma.local [hbm:s6], $0x2800  }
0x77: {  	_ =	swait.ge [sflag:s12], $0x2800  }
0x78: {  	[sflag:s12] =	ssyncset.done $0x0  }
0x79: {  	[sflag:s12] =	ssyncadd.s32 $0xFFFFD800  }
0x7a: {  	s1 =	simm.s32 $0x0;
	[bflag:$0x0] =	sbarrier.arrive $0xFFFF  }
0x7b: {  	[tilespmem:s17], [sflag:$0x1] =	stream.indirect.gather [hbm4b:s5+s16], $0x80, s1, s16, $0xb8;
	[tilespmem:$0x1E800] =	vst v63  }
0x7c: {  	_ =	swait.ge [sflag:s18], $0x3E80  }
0x7d: {  	[sflag:s18] =	ssyncset.done $0x0  }
0x7e: {  	[sflag:s18] =	ssyncadd.s32 $0xFFFFC180  }
0x7f: {  	[spmem:s2] =	stream.indirect.scatter.add.f32 [tilespmem:s17], [sflag:$0x3], $0x80, s13, s16, $0xb8;
	[tilespmem:$0x1E800] =	vst v63  }
0x80: {  	_ = 	snop  }
0x81: {  	[tilespmem:s20], [sflag:$0x2] =	stream.indirect.gather [hbm4b:s5+s16], $0x80, s19, s16, $0xb8;
	[tilespmem:$0x1E800] =	vst v63  }
0x82: {  	_ =	swait.ge [sflag:s21], $0x3E80  }
0x83: {  	[sflag:s21] =	ssyncset.done $0x0  }
0x84: {  	s0 =	simm.s32 $0x3;
	[sflag:s21] =	ssyncadd.s32 $0xFFFFC180  }
0x85: {  	[spmem:s2] =	stream.indirect.scatter.add.f32 [tilespmem:s20], [sflag:$0x4], $0x80, s22, s16, $0xb8;
	[tilespmem:$0x1E800] =	vst v63  }
0x86: {  	_ =	swait.ge [sflag:s0], $0x3E80  }
0x87: {  	[sflag:s0] =	ssyncset.done $0x0  }
0x88: {  	[sflag:s0] =	ssyncadd.s32 $0xFFFFC180  }
0x89: {  	[tilespmem:s17], [sflag:$0x1] =	stream.indirect.gather [hbm4b:s5+s16], $0x80, s23, s16, $0xb8;
	[tilespmem:$0x1E800] =	vst v63  }
0x8a: {  	_ =	swait.ge [sflag:s18], $0x3E80  }
0x8b: {  	[sflag:s18] =	ssyncset.done $0x0  }
0x8c: {  	[sflag:s18] =	ssyncadd.s32 $0xFFFFC180  }
0x8d: {  	[spmem:s2] =	stream.indirect.scatter.add.f32 [tilespmem:s17], [sflag:$0x3], $0x80, s24, s16, $0xb8;
	[tilespmem:$0x1E800] =	vst v63  }
0x8e: {  	_ =	swait.ge [sflag:s25], $0x3E80  }
0x8f: {  	[sflag:s25] =	ssyncset.done $0x0  }
0x90: {  	[sflag:s25] =	ssyncadd.s32 $0xFFFFC180  }
0x91: {  	[tilespmem:s20], [sflag:$0x2] =	stream.indirect.gather [hbm4b:s5+s16], $0x80, s26, s16, $0xb8;
	[tilespmem:$0x1E800] =	vst v63  }
0x92: {  	_ =	swait.ge [sflag:s21], $0x3E80  }
0x93: {  	[sflag:s21] =	ssyncset.done $0x0  }
0x94: {  	[sflag:s21] =	ssyncadd.s32 $0xFFFFC180  }
0x95: {  	[spmem:s2] =	stream.indirect.scatter.add.f32 [tilespmem:s20], [sflag:$0x4], $0x80, s28, s16, $0xb8;
	[tilespmem:$0x1E800] =	vst v63  }
0x96: {  	_ =	swait.ge [sflag:s0], $0x3E80  }
0x97: {  	[sflag:s0] =	ssyncset.done $0x0  }
0x98: {  	[sflag:s0] =	ssyncadd.s32 $0xFFFFC180  }
0x99: {  	[tilespmem:s17], [sflag:$0x1] =	stream.indirect.gather [hbm4b:s5+s16], $0x80, s29, s16, $0xb8;
	[tilespmem:$0x1E800] =	vst v63  }
.LBB2_5:
0x9a: {  	_ =	swait.ge [sflag:s18], $0x3E80  }
0x9b: {  	s7 =	sshra.s32 s1, $0x2;
	[sflag:s18] =	ssyncset.done $0x0  }
0x9c: {  	s8 =	sadd.s32 $0x1600, s7;
	[sflag:s18] =	ssyncadd.s32 $0xFFFFC180  }
0x9d: {  	[spmem:s2] =	stream.indirect.scatter.add.f32 [tilespmem:s17], [sflag:$0x3], $0x80, s8, s16, $0xb8;
	[tilespmem:$0x1E800] =	vst v63  }
0x9e: {  	_ =	swait.ge [sflag:s25], $0x3E80  }
0x9f: {  	[sflag:s25] =	ssyncset.done $0x0  }
0xa0: {  	s8 =	sadd.s32 $0x280, s7;
	[sflag:s25] =	ssyncadd.s32 $0xFFFFC180  }
0xa1: {  	[tilespmem:s20], [sflag:$0x2] =	stream.indirect.gather [hbm4b:s5+s16], $0x80, s8, s16, $0xb8;
	[tilespmem:$0x1E800] =	vst v63  }
0xa2: {  	_ =	swait.ge [sflag:s21], $0x3E80  }
0xa3: {  	[sflag:s21] =	ssyncset.done $0x0  }
0xa4: {  	s8 =	sadd.s32 $0x1680, s7;
	[sflag:s21] =	ssyncadd.s32 $0xFFFFC180  }
0xa5: {  	[spmem:s2] =	stream.indirect.scatter.add.f32 [tilespmem:s20], [sflag:$0x4], $0x80, s8, s16, $0xb8;
	[tilespmem:$0x1E800] =	vst v63  }
0xa6: {  	_ =	swait.ge [sflag:s30], $0x3E80  }
0xa7: {  	[sflag:s30] =	ssyncset.done $0x0  }
0xa8: {  	s8 =	sadd.s32 $0x300, s7;
	[sflag:s30] =	ssyncadd.s32 $0xFFFFC180  }
0xa9: {  	[tilespmem:s17], [sflag:$0x1] =	stream.indirect.gather [hbm4b:s5+s16], $0x80, s8, s16, $0xb8;
	[tilespmem:$0x1E800] =	vst v63  }
0xaa: {  	_ =	swait.ge [sflag:s18], $0x3E80  }
0xab: {  	[sflag:s18] =	ssyncset.done $0x0  }
0xac: {  	s8 =	sadd.s32 $0x1700, s7;
	[sflag:s18] =	ssyncadd.s32 $0xFFFFC180  }
0xad: {  	[spmem:s2] =	stream.indirect.scatter.add.f32 [tilespmem:s17], [sflag:$0x3], $0x80, s8, s16, $0xb8;
	[tilespmem:$0x1E800] =	vst v63  }
0xae: {  	_ =	swait.ge [sflag:s25], $0x3E80  }
0xaf: {  	[sflag:s25] =	ssyncset.done $0x0  }
0xb0: {  	s8 =	sadd.s32 $0x380, s7;
	[sflag:s25] =	ssyncadd.s32 $0xFFFFC180  }
0xb1: {  	[tilespmem:s20], [sflag:$0x2] =	stream.indirect.gather [hbm4b:s5+s16], $0x80, s8, s16, $0xb8;
	[tilespmem:$0x1E800] =	vst v63  }
0xb2: {  	_ =	swait.ge [sflag:s21], $0x3E80  }
0xb3: {  	p0 =	sgt.u32 s0, $0x12;
	[sflag:s21] =	ssyncset.done $0x0  }
.Ltmp4:
0xb4: {  	s8 =	sadd.s32 $0x1780, s7;
	[sflag:s21] =	ssyncadd.s32 $0xFFFFC180;
	(pc) =	sbr.rel @p0 .LBB2_7-.Ltmp4, $4  }
0xb5: {  	[spmem:s2] =	stream.indirect.scatter.add.f32 [tilespmem:s20], [sflag:$0x4], $0x80, s8, s16, $0xb8;
	[tilespmem:$0x1E800] =	vst v63  }
0xb6: {  	_ =	swait.ge [sflag:s30], $0x3E80  }
0xb7: {  	[sflag:s30] =	ssyncset.done $0x0  }
0xb8: {  	[sflag:s30] =	ssyncadd.s32 $0xFFFFC180  }
.Ltmp5:
0xb9: {  	(pc) =	sbr.rel .LBB2_5-.Ltmp5, $3  }
0xba: {  	_ =	sdelay $0x1  }
0xbb: {  	s7 =	sadd.s32 $0x400, s7;
	s1 =	sadd.s32 $0x800, s1;
	s0 =	sadd.s32 $0x2, s0  }
0xbc: {  	[tilespmem:s17], [sflag:$0x1] =	stream.indirect.gather [hbm4b:s5+s16], $0x80, s7, s16, $0xb8;
	[tilespmem:$0x1E800] =	vst v63  }
.LBB2_8:
0xbd: {  	_ =	sfence.sel $0x180000  }
0xbe: {  	[bflag:$0x0] =	sbarrier.arrive $0xFFFF  }
0xbf: {  	_ =	strace $0x9000004D  }
0xc0: {  	s0 =	stileid.u32;
	[bflag:$0x2] =	sbarrier.arrive $0xFFFF  }
0xc1: {  	p0 =	sne.s32 s0, $0x0;
	s0 =	rddreg [dreg:$0x2]  }
0xc2: {  	s0 =	sadd.s32 @!p0 $0x100000, s0  }
0xc3: {  	[sflag:s0] =	ssyncadd.tile.s32 @!p0 $0x1;
	_ =	shalt  }
.Lfunc_end2:
_tile_overlayer_lowered:
.L_overlay_start_2:
0xc4: {  	(tag) =	ssettag $0x2  }
0xc5: {  	s0 =	rddreg [dreg:$0x0];
	s2 =	stileid.u32  }
0xc6: {  	s1 =	rddreg [dreg:$0x1];
	p0 =	sne.s32 s2, $0x0  }
0xc7: {  	s3 =	rddreg [dreg:$0x2];
	[bflag:$0x3] =	sbarrier.arrive $0xFFFF;
	s2 =	simm.s32 @!p0 $0x1C05  }
0xc8: {  	[timem:s3], [sflag:s2] =	dma.local @!p0 [hbm:s0], s1  }
0xc9: {  	s0 =	simm.s32 @!p0 $0x5  }
0xca: {  	_ =	swait.ge @!p0 [sflag:s0], s1  }
0xcb: {  	s1 =	ssub.s32 @!p0 $0x0, s1;
	[sflag:s0] =	ssyncset.done @!p0 $0x0  }
0xcc: {  	[sflag:s0] =	ssyncadd.s32 @!p0 s1  }
0xcd: {  	[bflag:$0x3] =	sbarrier.arrive $0xFFFF  }
0xce: {  	_ =	shalt  }

// kernel: kernel.8.cloned.1.call-start
scs
__scs_entry_jumppad:
0x0: {  	(pc) =	sbr.rel $0x88, $3  }
0x1: {  	(tag) =	ssettag $0x0;
	lr =	simm.s32 $0x1  }
0x2: {  	[smem:$0x3F9A] =	sst lr;
	_ =	strace $0xD0000000  }
0x3: {  	_ = 	snop  }
0x4: {  	_ = 	snop  }
0x5: {  	_ = 	snop  }
0x6: {  	_ = 	snop  }
0x7: {  	_ = 	snop  }
__scs_overlays_trampoline_lowered:
0x8: {  	[smem:$0x3FA9] =	sst s0  }
0x9: {  	[smem:$0x3FAA] =	sst s1  }
0xa: {  	[smem:$0x3FAB] =	sst s2  }
0xb: {  	[smem:$0x3FAC] =	sst s3  }
0xc: {  	[smem:$0x3FAD] =	sst s4  }
0xd: {  	[smem:$0x3FAE] =	sst s5  }
0xe: {  	[smem:$0x3FAF] =	sst s6  }
0xf: {  	[smem:$0x3FB0] =	sst s7  }
0x10: {  	[smem:$0x3FB1] =	sst s8  }
0x11: {  	[smem:$0x3FB2] =	sst s9;
	s0 =	simm.s32 @!p0 $0x0  }
0x12: {  	s1 =	sld [smem:$0x3F98];
	s0 =	simm.s32 @p0 $0x1  }
0x13: {  	[smem:$0x3FB3] =	sst s0;
	s0 =	simm.s32 @!p1 $0x0  }
0x14: {  	s2 =	sld [smem:$0x3F97];
	s0 =	simm.s32 @p1 $0x1  }
0x15: {  	[smem:$0x3FB4] =	sst s0;
	s0 =	simm.s32 @!p2 $0x0  }
0x16: {  	s3 =	sld [smem:$0x3FDB];
	s0 =	simm.s32 @p2 $0x1  }
0x17: {  	s4 =	simm.s32 $0x1BF5;
	[smem:$0x3FB6] =	sst s0  }
0x18: {  	s0 =	sld [smem:$0x3F99];
	_ =	swait.ge [sflag:s4], $0x0  }
0x19: {  	s7 =	sld [smem:$0x3F9A]  }
0x1a: {  	s8 =	sadd.s32 $0xFFFFE003, lr  }
0x1b: {  	s9 =	sadd.s32 $0xFFFFFEF7, lr;
	s5 =	simm.s32 $0xFFFFFFFF;
	p2 =	slt.u32 s8, $0xFFFFF086  }
0x1c: {  	p1 =	slt.u32 s9, $0xF7A;
	s5 =	simm.s32 @!p2 $0x0  }
0x1d: {  	s5 =	simm.s32 @p1 $0x1;
	p0 =	seq.s32 s7, s2  }
0x1e: {  	s7 =	smul.u32 @!p0 $0xF7A, s2;
	p2 =	seq.s32 @!p0 s5, $0x0  }
0x1f: {  	s9 =	smul.u32 $0xF7A, s1;
	s8 =	simm.s32 @!p0 $0x1BF5;
	p2 =	por !p2, p0  }
0x20: {  	[sflag:s8] =	ssyncset.s32 @!p0 $0xFFFFF086;
	s6 =	sadd.s32 @!p0 s3, s7;
	s7 =	simm.s32 @!p0 $0x108  }
0x21: {  	s3 =	sadd.s32 s3, s9;
	s6 =	sadd.s32 @!p0 $0x88, s6;
	s7 =	simm.s32 @p2 $0x1082  }
0x22: {  	[simem:s7], [sflag:s8] =	dma.local @!p0 [hbm:s6], $0xF7A  }
0x23: {  	s9 =	sor.u32 $0xD0000000, s2;
	s6 =	simm.s32 $0x108;
	_ =	swait.ge @!p0 [sflag:s8], $0x0  }
0x24: {  	s3 =	sadd.s32 $0x88, s3;
	s6 =	simm.s32 @!p1 $0x1082;
	[sflag:s4] =	ssyncset.s32 $0xFFFFF086  }
0x25: {  	[simem:s6], [sflag:s4] =	dma.local [hbm:s3], $0xF7A  }
0x26: {  	[smem:$0x3F9A] =	sst s1;
	(tag) =	ssettag s2;
	_ =	strace s9  }
0x27: {  	s1 =	sld [smem:$0x3FAA]  }
0x28: {  	s2 =	sld [smem:$0x3FAB]  }
0x29: {  	s4 =	sld [smem:$0x3FAD]  }
0x2a: {  	p0 =	seq.s32 s5, $0x0;
	s5 =	sld [smem:$0x3FAE]  }
0x2b: {  	s6 =	sld [smem:$0x3FAF]  }
0x2c: {  	s7 =	sld [smem:$0x3FB0]  }
0x2d: {  	s3 =	simm.s32 $0x108;
	s8 =	sld [smem:$0x3FB1]  }
0x2e: {  	s3 =	simm.s32 @!p0 $0x1082;
	s9 =	sld [smem:$0x3FB2]  }
0x2f: {  	lr =	sadd.s32 s0, s3;
	s0 =	sld [smem:$0x3FA9]  }
0x30: {  	s3 =	sld [smem:$0x3FAC]  }
0x31: {  	[smem:$0x3FB5] =	sst s10  }
0x32: {  	s10 =	sld [smem:$0x3FB3];
	_ =	sdelay $0x3  }
0x33: {  	p0 =	seq.s32 s10, $0x1;
	s10 =	sld [smem:$0x3FB5];
	_ =	sdelay $0x3  }
0x34: {  	[smem:$0x3FB5] =	sst s10  }
0x35: {  	s10 =	sld [smem:$0x3FB4];
	_ =	sdelay $0x3  }
0x36: {  	p1 =	seq.s32 s10, $0x1;
	s10 =	sld [smem:$0x3FB5];
	_ =	sdelay $0x3  }
0x37: {  	[smem:$0x3FB5] =	sst s10  }
0x38: {  	s10 =	sld [smem:$0x3FB6]  }
0x39: {  	_ = 	snop;
	(pc) =	sbr.ind lr, $3  }
0x3a: {  	_ = 	snop  }
0x3b: {  	_ = 	snop  }
0x3c: {  	p2 =	seq.s32 s10, $0x1;
	s10 =	sld [smem:$0x3FB5]  }
0x3d: {  	_ =	shalt  }
0x3e: {  	_ =	shalt  }
0x3f: {  	_ =	shalt  }
0x40: {  	_ =	shalt  }
0x41: {  	_ =	shalt  }
0x42: {  	_ =	shalt  }
0x43: {  	_ =	shalt  }
0x44: {  	_ =	shalt  }
0x45: {  	_ =	shalt  }
0x46: {  	_ =	shalt  }
0x47: {  	_ =	shalt  }
0x48: {  	_ =	shalt  }
0x49: {  	_ =	shalt  }
0x4a: {  	_ =	shalt  }
0x4b: {  	_ =	shalt  }
0x4c: {  	_ =	shalt  }
0x4d: {  	_ =	shalt  }
0x4e: {  	_ =	shalt  }
0x4f: {  	_ =	shalt  }
0x50: {  	_ =	shalt  }
0x51: {  	_ =	shalt  }
0x52: {  	_ =	shalt  }
0x53: {  	_ =	shalt  }
0x54: {  	_ =	shalt  }
0x55: {  	_ =	shalt  }
0x56: {  	_ =	shalt  }
0x57: {  	_ =	shalt  }
0x58: {  	_ =	shalt  }
0x59: {  	_ =	shalt  }
0x5a: {  	_ =	shalt  }
0x5b: {  	_ =	shalt  }
0x5c: {  	_ =	shalt  }
0x5d: {  	_ =	shalt  }
0x5e: {  	_ =	shalt  }
0x5f: {  	_ =	shalt  }
0x60: {  	_ =	shalt  }
0x61: {  	_ =	shalt  }
0x62: {  	_ =	shalt  }
0x63: {  	_ =	shalt  }
0x64: {  	_ =	shalt  }
0x65: {  	_ =	shalt  }
0x66: {  	_ =	shalt  }
0x67: {  	_ =	shalt  }
0x68: {  	_ =	shalt  }
0x69: {  	_ =	shalt  }
0x6a: {  	_ =	shalt  }
0x6b: {  	_ =	shalt  }
0x6c: {  	_ =	shalt  }
0x6d: {  	_ =	shalt  }
0x6e: {  	_ =	shalt  }
0x6f: {  	_ =	shalt  }
0x70: {  	_ =	shalt  }
0x71: {  	_ =	shalt  }
0x72: {  	_ =	shalt  }
0x73: {  	_ =	shalt  }
0x74: {  	_ =	shalt  }
0x75: {  	_ =	shalt  }
0x76: {  	_ =	shalt  }
0x77: {  	_ =	shalt  }
0x78: {  	_ =	shalt  }
0x79: {  	_ =	shalt  }
0x7a: {  	_ =	shalt  }
0x7b: {  	_ =	shalt  }
0x7c: {  	_ =	shalt  }
0x7d: {  	_ =	shalt  }
0x7e: {  	_ =	shalt  }
0x7f: {  	_ =	shalt  }
0x80: {  	_ =	shalt  }
0x81: {  	_ =	shalt  }
0x82: {  	_ =	shalt  }
0x83: {  	_ =	shalt  }
0x84: {  	_ =	shalt  }
0x85: {  	_ =	shalt  }
0x86: {  	_ =	shalt  }
0x87: {  	_ =	shalt  }
.Lfunc_end0:
.L_simem_size_0:
called_computation_lowered:
.L_overlay_start_0:
0x88: {  	s2 =	sld [smem:$0x3FD9]  }
0x89: {  	s3 =	sld [smem:$0x3FFE];
	_ =	sdelay $0x1  }
0x8a: {  	s1 =	srdreg.scid  }
0x8b: {  	s0 =	sand.u32 $0x1, s1  }
0x8c: {  	s17 =	sshll.u32 s0, $0xA;
	s2 =	sadd.s32 s3, s2  }
0x8d: {  	s2 =	sadd.s32 s2, s17  }
0x8e: {  	[smem:$0x3FC1] =	sst s2  }
0x8f: {  	_ = 	snop  }
0x90: {  	s2 =	sld [smem:$0x3FD0];
	(tm) =	ssettm $0x1  }
0x91: {  	s18 =	sld [smem:$0x3FFB];
	_ =	sdelay $0x3  }
0x92: {  	_ =	strace s18  }
0x93: {  	s3 =	sld [smem:$0x3FFC];
	_ =	sdelay $0x3  }
0x94: {  	_ =	strace s3  }
0x95: {  	s3 =	sld [smem:$0x3FFD];
	_ =	sdelay $0x3  }
0x96: {  	_ =	strace s3  }
0x97: {  	_ =	strace $0x8FFFFFFF  }
0x98: {  	s19 =	sld [smem:$0x3FDB];
	_ =	sdelay $0x1  }
0x99: {  	s4 =	simm.s32 $_scs_section_size  }
0x9a: {  	s5 =	simm.s32 $_size__tile_overlayer_lowered;
	s6 =	simm.s32 $_tile_overlayer_lowered  }
0x9b: {  	s22 =	simm.s32 $0x1BFF;
	s21 =	sshll.u32 s6, $0x1;
	s3 =	sadd.s32 s4, s19  }
0x9c: {  	s7 =	simm.s32 $0x0;
	s20 =	sshll.u32 s5, $0x1;
	s5 =	sadd.s32 s21, s3  }
0x9d: {  	[timem:s7], [sflag:s22] =	dma.local [hbm:s5], s20  }
0x9e: {  	_ =	swait.ge [sflag:s22], s20  }
0x9f: {  	s4 =	ssub.s32 $0x0, s20;
	[sflag:s22] =	ssyncset.done $0x0  }
0xa0: {  	[sflag:s22] =	ssyncadd.s32 s4;
	_ =	sdelay $0x1  }
0xa1: {  	s23 =	simm.s32 $0x1B8B  }
0xa2: {  	_ =	swait.ge [sflag:s23], $0x1  }
0xa3: {  	[sflag:s23] =	ssyncset.done $0x0  }
0xa4: {  	s25 =	simm.s32 $0x1B8E;
	s24 =	sld [smem:$0x3FFE];
	[sflag:s23] =	ssyncadd.s32 $0xFFFFFFFF  }
0xa5: {  	s26 =	simm.s32 $execute0_lowered;
	[smem:$0x3FD2] =	sst s25  }
0xa6: {  	s5 =	sshll.u32 s26, $0x1;
	_ =	strace $0x80000046;
	[dreg:$0x1] =	wrdreg $0xFFFFFFFF  }
0xa7: {  	s28 =	simm.s32 $_size_execute0_lowered;
	s3 =	sadd.s32 s3, s5;
	[dreg:$0x0] =	wrdreg $0x0  }
0xa8: {  	s5 =	sshll.u32 s28, $0x1;
	[dreg:$0x2] =	wrdreg s3  }
0xa9: {  	[dreg:$0x3] =	wrdreg s5  }
0xaa: {  	[dreg:$0x4] =	wrdreg $0xC0  }
0xab: {  	_ =	task [dreg:s7], $0x5FFFF  }
0xac: {  	[dreg:$0x1] =	wrdreg $0xFFFFFFFF  }
0xad: {  	[dreg:$0x0] =	wrdreg $0x60  }
0xae: {  	[dreg:$0x2] =	wrdreg s24  }
0xaf: {  	[dreg:$0x3] =	wrdreg s2  }
0xb0: {  	[dreg:$0x4] =	wrdreg $0x14800  }
0xb1: {  	[dreg:$0x5] =	wrdreg $0x9  }
0xb2: {  	_ =	task.clear_ibuf [dreg:s7], $0x6FFFF;
	_ =	strace $0x90000046  }
0xb3: {  	s29 =	simm.s32 $0x9;
	_ =	strace $0x80000048  }
0xb4: {  	_ =	swait.ge [sflag:s29], $0x1  }
0xb5: {  	[sflag:s29] =	ssyncadd.s32 $0xFFFFFFFF  }
0xb6: {  	_ =	strace $0x90000048  }
0xb7: {  	_ =	sfence  }
0xb8: {  	s30 =	sld [smem:$0x0];
	_ =	sdelay $0x2  }
0xb9: {  	s31 =	sshll.u32 s1, $0xD;
	s1 =	sshrl.u32 s1, $0x2  }
0xba: {  	s3 =	sand.u32 $0x4000, s31;
	s1 =	sadd.s32 s1, s30  }
0xbb: {  	s0 =	sor.u32 s3, s0;
	s1 =	sshll.u32 s1, $0x11  }
0xbc: {  	s0 =	sor.u32 s1, s0  }
0xbd: {  	s0 =	sadd.s32 $0x8F2B, s0  }
0xbe: {  	[sflag:s0] =	ssyncadd.remote.s32 $0x1  }
0xbf: {  	_ =	sfence.sel $0xFFFF  }
0xc0: {  	[dreg:$0x0] =	wrdreg $0xFFFFFFFF;
	(pc) =	sbr.abs _section_cstart, $3  }
0xc1: {  	[dreg:$0x1] =	wrdreg $0xFFFFFFFF  }
0xc2: {  	_ =	task.clear_ibuf [dreg:s7], $0x2FFFF;
	_ =	strace $0x9FFFFFFF  }
0xc3: {  	(tm) =	ssettm $0x7FFFFFFF  }
tec
execute0_lowered:
.L_overlay_start_1:
0x0: {  	(tag) =	ssettag $0x1  }
0x1: {  	s5 =	rddreg [dreg:$0x0]  }
0x2: {  	s0 =	srdreg.scid;
	s1 =	rddreg [dreg:$0x1]  }
0x3: {  	s7 =	stileid.u32;
	s2 =	rddreg [dreg:$0x2]  }
0x4: {  	s3 =	simm.s32 $0x0;
	s11 =	simm.s32 $0x7D;
	s12 =	simm.s32 $0x0  }
0x5: {  	s4 =	sand.u32 $0x1, s0;
	[smem:$0x7FF] =	sst s3;
	p0 =	sne.s32 s7, $0x0  }
0x6: {  	s0 =	sshll.u32 s4, $0x4;
	s8 =	smul.u32 $0x500, s4;
	s9 =	ssub.s32 $0x2, s4  }
0x7: {  	s4 =	sadd.s32 $0x7E00, s5;
	s6 =	sor.u32 s7, s0;
	s0 =	rddreg [dreg:$0x3]  }
0x8: {  	_ =	strace $0x80000047;
	s10 =	sshrl.u32 s9, $0x1;
	s6 =	smul.u32 $0x280, s6  }
0x9: {  	s8 =	sadd.s32 s8, s5;
	s9 =	ssub.s32 s9, s10;
	s10 =	simm.s32 $0x1  }
0xa: {  	s7 =	smax.u32 s9, $0x1;
	s9 =	simm.s32 $0x1400;
	s6 =	sadd.s32 s6, s5  }
0xb: {  	s5 =	sadd.s32 $0x2E00, s6;
	s6 =	sadd.s32 $0x8000, s8;
	s8 =	sshrl.u32 @!p0 s2, $0x3  }
.LBB2_1:
0xc: {  	s13 =	simm.s32 @!p0 $0x1C01  }
0xd: {  	[spmem:s8], [sflag:s13] =	dma.local @!p0 [hbm:s1], $0x500  }
0xe: {  	s13 =	simm.s32 @!p0 $0x1  }
0xf: {  	_ =	swait.ge @!p0 [sflag:s13], $0x500  }
0x10: {  	[sflag:s13] =	ssyncset.done @!p0 $0x0  }
0x11: {  	[sflag:s13] =	ssyncadd.s32 @!p0 $0xFFFFFB00  }
0x12: {  	[tilespmem:s9], [sflag:$0x1] =	stream.linear.gather [hbm4b:s4+s3], $0x80, $0x38;
	[tilespmem:$0x1700] =	vst v63  }
0x13: {  	_ =	swait.ge [sflag:s10], $0x80  }
0x14: {  	[sflag:s10] =	ssyncset.done $0x0  }
0x15: {  	[sflag:s10] =	ssyncadd.s32 $0xFFFFFF80  }
0x16: {  	[tilespmem:s3], [sflag:$0x1] =	stream.linear.gather [hbm4b:s5+s3], $0x1400, $0x38;
	[tilespmem:$0x1700] =	vst v63  }
0x17: {  	_ =	swait.ge [sflag:s10], $0x1400  }
0x18: {  	[sflag:s10] =	ssyncset.done $0x0  }
0x19: {  	[sflag:s10] =	ssyncadd.s32 $0xFFFFEC00  }
0x1a: {  	s31 =	simm.s32 $0x0;
	[bflag:$0x0] =	sbarrier.arrive $0xFFFF  }
0x1b: {  	[spmem:s2] =	stream.indirect.scatter.add.f32 [tilespmem:s9], [sflag:$0x1], $0x1, s31, s11, $0xb8;
	[tilespmem:$0x1700] =	vst v63  }
0x1c: {  	_ =	swait.ge [sflag:s10], $0x7D  }
0x1d: {  	s13 =	simm.s32 $0x200;
	[sflag:s10] =	ssyncset.done $0x0  }
.LBB2_2:
0x1e: {  	s14 =	sshra.s32 s13, $0x2;
	[sflag:s10] =	ssyncadd.s32 $0xFFFFFF83;
	p1 =	sne.s32 s13, $0x4E00  }
0x1f: {  	[spmem:s2] =	stream.indirect.scatter.add.f32 [tilespmem:s9], [sflag:$0x1], $0x1, s14, s11, $0xb8;
	[tilespmem:$0x1700] =	vst v63  }
.Ltmp0:
0x20: {  	_ = 	snop;
	(pc) =	sbr.rel @p1 .LBB2_2-.Ltmp0, $4  }
0x21: {  	_ = 	snop  }
0x22: {  	s13 =	sadd.s32 $0x200, s13  }
0x23: {  	_ =	swait.ge [sflag:s10], $0x7D  }
0x24: {  	[sflag:s10] =	ssyncset.done $0x0  }
0x25: {  	[sflag:s10] =	ssyncadd.s32 $0xFFFFFF83;
	s12 =	sadd.s32 $0x1, s12  }
0x26: {  	s13 =	simm.s32 @!p0 $0x1C01;
	[bflag:$0x0] =	sbarrier.arrive $0xFFFF;
	p1 =	sne.s32 s12, s7  }
0x27: {  	[hbm:s6], [sflag:s13] =	dma.local @!p0 [spmem:s8], $0x500  }
.Ltmp1:
0x28: {  	_ = 	snop;
	(pc) =	sbr.rel @p1 .LBB2_1-.Ltmp1, $4  }
0x29: {  	s13 =	simm.s32 @!p0 $0x1  }
0x2a: {  	_ =	swait.ge @!p0 [sflag:s13], $0x500  }
0x2b: {  	[sflag:s13] =	ssyncset.done @!p0 $0x0  }
0x2c: {  	[sflag:s13] =	ssyncadd.s32 @!p0 $0xFFFFFB00  }
0x2d: {  	_ =	sfence.sel $0x180000  }
0x2e: {  	[bflag:$0x0] =	sbarrier.arrive $0xFFFF  }
0x2f: {  	_ =	strace $0x90000047  }
0x30: {  	s0 =	sadd.s32 @!p0 $0x100000, s0;
	[bflag:$0x2] =	sbarrier.arrive $0xFFFF  }
0x31: {  	[sflag:s0] =	ssyncadd.tile.s32 @!p0 $0x1;
	_ =	shalt  }
.Lfunc_end2:
_tile_overlayer_lowered:
.L_overlay_start_2:
0x32: {  	(tag) =	ssettag $0x2  }
0x33: {  	s0 =	rddreg [dreg:$0x0];
	s2 =	stileid.u32  }
0x34: {  	s1 =	rddreg [dreg:$0x1];
	p0 =	sne.s32 s2, $0x0  }
0x35: {  	s3 =	rddreg [dreg:$0x2];
	[bflag:$0x3] =	sbarrier.arrive $0xFFFF;
	s2 =	simm.s32 @!p0 $0x1C01  }
0x36: {  	[timem:s3], [sflag:s2] =	dma.local @!p0 [hbm:s0], s1  }
0x37: {  	s0 =	simm.s32 @!p0 $0x1  }
0x38: {  	_ =	swait.ge @!p0 [sflag:s0], s1  }
0x39: {  	s1 =	ssub.s32 @!p0 $0x0, s1;
	[sflag:s0] =	ssyncset.done @!p0 $0x0  }
0x3a: {  	[sflag:s0] =	ssyncadd.s32 @!p0 s1  }
0x3b: {  	[bflag:$0x3] =	sbarrier.arrive $0xFFFF  }
0x3c: {  	_ =	shalt  }

</sc_bundles>
